<compile_context>
chip_gen: v7x
topology: tpu7x:2x2x1
jax: 0.10.2.dev20260603
libtpu: 0.0.44.dev20260713+nightly
codegen_flags: <defaults>
</compile_context>

<pallas_src>
import functools

import jax
import jax.numpy as jnp
from jax import lax
from jax.experimental import pallas as pl
from jax.experimental.pallas import tpu as pltpu
from jax.experimental.pallas import tpu_sc as plsc

N = 10000
E = 320000
NG = 500
NP = 10240
G = 512
DUMP = N

NC, NS, L = 2, 16, 16
NW = NC * NS
EC = 128
CH = 80
EPT = CH * EC
EPAD = NW * EPT

RB = 512
NB = NP // RB

_f32 = jnp.float32
_mesh = plsc.VectorSubcoreMesh(core_axis_name="c", subcore_axis_name="s")


DW = 32
DPP = 4
_DP = EPAD // (NW * DPP) // EC


@functools.partial(
    pl.kernel,
    out_type=jax.ShapeDtypeStruct((NC, NP, DW), _f32),
    mesh=_mesh,
    scratch_types=[
        pltpu.VMEM((_DP, EC), jnp.int32),
        pltpu.VMEM((EC, DW), _f32),
        pltpu.VMEM_SHARED((NP, DW), _f32),
    ],
    compiler_params=pltpu.CompilerParams(use_tc_tiling_on_sc=False),
)
def _deg_kernel(dst_hbm, ones_hbm, zero_hbm, degp_hbm, dst_v, ones_v, acc):
    c = lax.axis_index("c")
    s = lax.axis_index("s")
    rpt = NP // NS
    pltpu.sync_copy(zero_hbm.at[pl.ds(s * rpt, rpt)],
                    acc.at[pl.ds(s * rpt, rpt)])
    pltpu.sync_copy(ones_hbm, ones_v)
    plsc.subcore_barrier()
    t = c * NS + s

    def run_piece(p, _):
        pc = t * DPP + p
        pltpu.sync_copy(dst_hbm.at[pl.ds(pc * _DP, _DP)], dst_v)

        def body(j, _):
            pltpu.sync_copy(ones_v, acc.at[dst_v.at[j]], add=True)
            return 0

        lax.fori_loop(0, _DP, body, 0)
        return 0

    lax.fori_loop(0, DPP, run_piece, 0)
    plsc.subcore_barrier()
    pltpu.sync_copy(acc.at[pl.ds(s * rpt, rpt)],
                    degp_hbm.at[c, pl.ds(s * rpt, rpt)])


def _make_scatter(D, ec, ppp):
    epp = EPAD // (NW * ppp)
    P = epp // ec
    rpt = NP // NS

    @functools.partial(
        pl.kernel,
        out_type=jax.ShapeDtypeStruct((NC, NP, D), _f32),
        mesh=_mesh,
        scratch_types=[
            pltpu.VMEM((P, ec), jnp.int32),
            pltpu.VMEM((P, ec), jnp.int32),
            pltpu.VMEM((2, ec, D), _f32),
            pltpu.VMEM_SHARED((NP, D), _f32),
            pltpu.SemaphoreType.DMA,
            pltpu.SemaphoreType.DMA,
        ],
        compiler_params=pltpu.CompilerParams(use_tc_tiling_on_sc=False),
    )
    def _scatter(zp_hbm, src_hbm, dst_hbm, zero_hbm, out_hbm,
                 src_v, dst_v, buf, acc, sem0, sem1):
        c = lax.axis_index("c")
        s = lax.axis_index("s")
        pltpu.sync_copy(zero_hbm.at[pl.ds(s * rpt, rpt)],
                        acc.at[pl.ds(s * rpt, rpt)])
        plsc.subcore_barrier()

        t = c * NS + s

        def run_piece(p, _):
            pc = t * ppp + p
            pltpu.sync_copy(src_hbm.at[pl.ds(pc * P, P)], src_v)
            pltpu.sync_copy(dst_hbm.at[pl.ds(pc * P, P)], dst_v)

            pltpu.async_copy(zp_hbm.at[src_v.at[0]], buf.at[0], sem0)
            pltpu.async_copy(zp_hbm.at[src_v.at[1]], buf.at[1], sem1)

            def outer(g, _):
                for b, sem in ((0, sem0), (1, sem1)):
                    j = 2 * g + b
                    pltpu.make_async_copy(zp_hbm.at[src_v.at[j]],
                                          buf.at[b], sem).wait()
                    pltpu.sync_copy(buf.at[b], acc.at[dst_v.at[j]], add=True)

                    @pl.when(j + 2 < P)
                    def _refill():
                        pltpu.async_copy(zp_hbm.at[src_v.at[j + 2]],
                                         buf.at[b], sem)

                return 0

            lax.fori_loop(0, P // 2, outer, 0)
            return 0

        lax.fori_loop(0, ppp, run_piece, 0)

        plsc.subcore_barrier()
        pltpu.sync_copy(acc.at[pl.ds(s * rpt, rpt)],
                        out_hbm.at[c, pl.ds(s * rpt, rpt)])

    return _scatter


EC128 = 64
_scatter128 = _make_scatter(128, EC128, 5)
_scatter64 = _make_scatter(64, EC, 4)
_scatter32 = _make_scatter(32, EC, 4)


def _dinv_of(degp_blk):
    return lax.rsqrt(1.0 + degp_blk[0, :, 0] + degp_blk[1, :, 0])


def _layer1_body(x_ref, w_ref, degp_ref, out_ref):
    dinv = _dinv_of(degp_ref[...])
    z = jnp.dot(x_ref[...], w_ref[...], preferred_element_type=_f32)
    out_ref[...] = dinv[:, None] * z


def _layer_body(p_ref, zp_ref, degp_ref, b_ref, w_ref, out_ref):
    dinv = _dinv_of(degp_ref[...])
    sm = p_ref[0] + p_ref[1] + zp_ref[...]
    h = jnp.maximum(dinv[:, None] * sm + b_ref[...], 0.0)
    z = jnp.dot(h, w_ref[...], preferred_element_type=_f32)
    out_ref[...] = dinv[:, None] * z


def _tc_layer1(xp, W1, degp):
    return pl.pallas_call(
        _layer1_body,
        grid=(NB,),
        in_specs=[
            pl.BlockSpec((RB, 128), lambda i: (i, 0)),
            pl.BlockSpec((128, 128), lambda i: (0, 0)),
            pl.BlockSpec((NC, RB, DW), lambda i: (0, i, 0)),
        ],
        out_specs=pl.BlockSpec((RB, 128), lambda i: (i, 0)),
        out_shape=jax.ShapeDtypeStruct((NP, 128), _f32),
    )(xp, W1, degp)


def _tc_layer(p, zp, degp, b2d, W):
    di, do = W.shape
    return pl.pallas_call(
        _layer_body,
        grid=(NB,),
        in_specs=[
            pl.BlockSpec((NC, RB, di), lambda i: (0, i, 0)),
            pl.BlockSpec((RB, di), lambda i: (i, 0)),
            pl.BlockSpec((NC, RB, DW), lambda i: (0, i, 0)),
            pl.BlockSpec((1, di), lambda i: (0, 0)),
            pl.BlockSpec((di, do), lambda i: (0, 0)),
        ],
        out_specs=pl.BlockSpec((RB, do), lambda i: (i, 0)),
        out_shape=jax.ShapeDtypeStruct((NP, do), _f32),
    )(p, zp, degp, b2d, W)


def _pool_body(p_ref, zp_ref, degp_ref, b3_ref, batch_ref,
               wf1_ref, bf1_ref, wf2_ref, bf2_ref, out_ref,
               sums_ref, cnts_ref):
    i = pl.program_id(0)

    @pl.when(i == 0)
    def _init():
        sums_ref[...] = jnp.zeros_like(sums_ref)
        cnts_ref[...] = jnp.zeros_like(cnts_ref)

    dinv = _dinv_of(degp_ref[...])
    sm = p_ref[0] + p_ref[1] + zp_ref[...]
    h3 = jnp.maximum(dinv[:, None] * sm + b3_ref[...], 0.0)
    b = batch_ref[0]
    gids = lax.broadcasted_iota(jnp.int32, (G, RB), 0)
    onehot = (gids == b).astype(_f32)
    sums_ref[...] += jnp.dot(onehot, h3, preferred_element_type=_f32,
                             precision=lax.Precision.HIGHEST)
    cnts_ref[...] += jnp.sum(onehot, axis=1, keepdims=True)

    @pl.when(i == NB - 1)
    def _final():
        g = sums_ref[...] / jnp.maximum(cnts_ref[...], 1.0)
        f = jnp.maximum(jnp.dot(g, wf1_ref[...],
                                preferred_element_type=_f32) + bf1_ref[...], 0.0)
        out_ref[...] = jnp.dot(f, wf2_ref[...],
                               preferred_element_type=_f32) + bf2_ref[...]


def _tc_pool(p, zp, degp, b3_2d, batch3, Wfc1, bfc1_2d, Wfc2, bfc2_2d):
    return pl.pallas_call(
        _pool_body,
        grid=(NB,),
        in_specs=[
            pl.BlockSpec((NC, RB, 32), lambda i: (0, i, 0)),
            pl.BlockSpec((RB, 32), lambda i: (i, 0)),
            pl.BlockSpec((NC, RB, DW), lambda i: (0, i, 0)),
            pl.BlockSpec((1, 32), lambda i: (0, 0)),
            pl.BlockSpec((1, 1, RB), lambda i: (i, 0, 0)),
            pl.BlockSpec((32, 16), lambda i: (0, 0)),
            pl.BlockSpec((1, 16), lambda i: (0, 0)),
            pl.BlockSpec((16, 1), lambda i: (0, 0)),
            pl.BlockSpec((1, 1), lambda i: (0, 0)),
        ],
        out_specs=pl.BlockSpec((G, 1), lambda i: (0, 0)),
        out_shape=jax.ShapeDtypeStruct((G, 1), _f32),
        scratch_shapes=[
            pltpu.VMEM((G, 32), _f32),
            pltpu.VMEM((G, 1), _f32),
        ],
    )(p, zp, degp, b3_2d, batch3, Wfc1, bfc1_2d, Wfc2, bfc2_2d)


def kernel(x, edge_index, batch, W1, b1, W2, b2, W3, b3,
           Wfc1, bfc1, Wfc2, bfc2):
    src_flat = jnp.concatenate(
        [edge_index[0], jnp.zeros((EPAD - E,), jnp.int32)])
    dst_flat = jnp.concatenate(
        [edge_index[1], jnp.full((EPAD - E,), DUMP, jnp.int32)])
    src = src_flat.reshape(EPAD // EC, EC)
    dst = dst_flat.reshape(EPAD // EC, EC)
    src_n = src_flat.reshape(EPAD // EC128, EC128)
    dst_n = dst_flat.reshape(EPAD // EC128, EC128)

    xp = jnp.pad(x, ((0, NP - N), (0, 0)))
    batch3 = jnp.pad(batch, (0, NP - N), constant_values=G - 1).reshape(NB, 1, RB)

    degp = _deg_kernel(dst, jnp.ones((EC, DW), _f32),
                       jnp.zeros((NP, DW), _f32))

    z1p = _tc_layer1(xp, W1, degp)
    p1 = _scatter128(z1p, src_n, dst_n, jnp.zeros((NP, 128), _f32))
    z2p = _tc_layer(p1, z1p, degp, b1.reshape(1, -1), W2)
    p2 = _scatter64(z2p, src, dst, jnp.zeros((NP, 64), _f32))
    z3p = _tc_layer(p2, z2p, degp, b2.reshape(1, -1), W3)
    p3 = _scatter32(z3p, src, dst, jnp.zeros((NP, 32), _f32))

    out = _tc_pool(p3, z3p, degp, b3.reshape(1, -1), batch3,
                   Wfc1, bfc1.reshape(1, -1), Wfc2, bfc2.reshape(1, -1))
    return out[:NG]

# --- scband reference (transcript-rebuilt; emitter-appended) ---
"""Pipeline reference for scband-molecule-gnn-25855703122473 (READ-ONLY COPY).

The authoritative reference and input builder live on the scoring server;
editing this copy changes nothing except your own understanding.
"""

import jax, jax.numpy as jnp
import numpy as np

N_NODES = 10000
N_EDGES = 320000
D_FEAT = 128
N_GRAPHS = 500


def gcn_conv(x, edge_index, W, b, num_nodes):
    # x' = D^{-1/2} (A + I) D^{-1/2} (x W) + b  (PyG GCNConv default)
    x = x @ W
    loop = jnp.arange(num_nodes, dtype=edge_index.dtype)
    src = jnp.concatenate([edge_index[0], loop])
    dst = jnp.concatenate([edge_index[1], loop])
    deg = jnp.zeros((num_nodes,), dtype=x.dtype).at[dst].add(1.0)
    dinv = jnp.where(deg > 0, deg ** -0.5, 0.0)
    norm = dinv[src] * dinv[dst]
    msgs = x[src] * norm[:, None]
    out = jnp.zeros((num_nodes, x.shape[1]), dtype=x.dtype).at[dst].add(msgs)
    return out + b


def global_mean_pool(x, batch, num_graphs):
    sums = jax.ops.segment_sum(x, batch, num_segments=num_graphs)
    cnts = jax.ops.segment_sum(jnp.ones((x.shape[0],), dtype=x.dtype), batch, num_segments=num_graphs)
    return sums / jnp.clip(cnts, 1.0, None)[:, None]


def setup_inputs(seed: int = 0) -> dict:
    key = jax.random.key(seed)
    ks = jax.random.split(key, 16)
    x = jax.random.normal(ks[0], (N_NODES, D_FEAT), dtype=jnp.float32)
    edge_index = jax.random.randint(ks[1], (2, N_EDGES), 0, N_NODES, dtype=jnp.int32)
    batch = jnp.sort(jax.random.randint(ks[2], (N_NODES,), 0, N_GRAPHS, dtype=jnp.int32))
    s = 0.05
    W1 = jax.random.normal(ks[3], (D_FEAT, 128), dtype=jnp.float32) * s
    b1 = jnp.zeros((128,), dtype=jnp.float32)
    W2 = jax.random.normal(ks[4], (128, 64), dtype=jnp.float32) * s
    b2 = jnp.zeros((64,), dtype=jnp.float32)
    W3 = jax.random.normal(ks[5], (64, 32), dtype=jnp.float32) * s
    b3 = jnp.zeros((32,), dtype=jnp.float32)
    Wfc1 = jax.random.normal(ks[6], (32, 16), dtype=jnp.float32) * s
    bfc1 = jnp.zeros((16,), dtype=jnp.float32)
    Wfc2 = jax.random.normal(ks[7], (16, 1), dtype=jnp.float32) * s
    bfc2 = jnp.zeros((1,), dtype=jnp.float32)
    return {"x": x, "edge_index": edge_index, "batch": batch,
            "W1": W1, "b1": b1, "W2": W2, "b2": b2, "W3": W3, "b3": b3,
            "Wfc1": Wfc1, "bfc1": bfc1, "Wfc2": Wfc2, "bfc2": bfc2}


def reference(x, edge_index, batch, W1, b1, W2, b2, W3, b3, Wfc1, bfc1, Wfc2, bfc2):
    h = jax.nn.relu(gcn_conv(x, edge_index, W1, b1, N_NODES))
    # dropout is identity in eval mode
    h = jax.nn.relu(gcn_conv(h, edge_index, W2, b2, N_NODES))
    h = jax.nn.relu(gcn_conv(h, edge_index, W3, b3, N_NODES))
    g = global_mean_pool(h, batch, N_GRAPHS)
    g = jax.nn.relu(g @ Wfc1 + bfc1)
    out = g @ Wfc2 + bfc2
    return out

if __name__ == "__main__":
    import jax
    _d = setup_inputs()
    print(jax.jit(kernel)(*tuple(_d.values())))

</pallas_src>

<mosaic_0001>
#map = affine_map<(d0, d1) -> (0, 0)>
#map1 = affine_map<(d0, d1) -> (0, 0, 0)>
module attributes {stable_mosaic.version = 14 : i64} {
  func.func @_deg_kernel(%arg0: i32, %arg1: i32, %arg2: memref<2560x128xi32, #tpu.memory_space<hbm>>, %arg3: memref<128x32xf32, #tpu.memory_space<hbm>>, %arg4: memref<10240x32xf32, #tpu.memory_space<hbm>>, %arg5: memref<2x10240x32xf32, #tpu.memory_space<hbm>>, %arg6: memref<20x128xi32, #tpu.memory_space<vmem>>, %arg7: memref<128x32xf32, #tpu.memory_space<vmem>>, %arg8: memref<10240x32xf32, #tpu.memory_space<vmem_shared>>) attributes {dimension_semantics = [#tpu.dimension_semantics<core_parallel>, #tpu.dimension_semantics<subcore_parallel>], iteration_bounds = array<i64: 2, 16>, scalar_prefetch = 0 : i64, scratch_operands = 3 : i64, tpu.core_type = #tpu.core_type<sc_vector_subcore>, window_params = [{transform_indices = #map}, {transform_indices = #map}, {transform_indices = #map}, {transform_indices = #map1}]} {
    %mul3A = arith.constant 640 : i32
    %mul3A_0 = arith.muli %arg1, %mul3A : i32
    %mul3A_1 = arith.constant 640 : i32
    %mul3A_2 = arith.muli %arg1, %mul3A_1 : i32
    "tpu.region"() ({
      %run_scoped3A = tpu.sem_alloc : memref<!tpu.dma_semaphore, #tpu.memory_space<semaphore_mem>>
      %dma_start3A = arith.constant 0 : i32
      %dma_start3A_16 = tpu.memref_slice %arg8[%mul3A_2, %dma_start3A] : memref<10240x32xf32, #tpu.memory_space<vmem_shared>> -> memref<640x32xf32, #tpu.memory_space<vmem_shared>>
      %dma_start3A_17 = arith.constant 0 : i32
      %dma_start3A_18 = tpu.memref_slice %arg4[%mul3A_0, %dma_start3A_17] : memref<10240x32xf32, #tpu.memory_space<hbm>> -> memref<640x32xf32, #tpu.memory_space<hbm>>
      tpu.enqueue_dma source(%dma_start3A_18 : memref<640x32xf32, #tpu.memory_space<hbm>>) target(%dma_start3A_16 : memref<640x32xf32, #tpu.memory_space<vmem_shared>>) target_semaphore(%run_scoped3A : memref<!tpu.dma_semaphore, #tpu.memory_space<semaphore_mem>>)
      %dma_wait3A = arith.constant 0 : i32
      %dma_wait3A_19 = tpu.memref_slice %arg8[%mul3A_2, %dma_wait3A] : memref<10240x32xf32, #tpu.memory_space<vmem_shared>> -> memref<640x32xf32, #tpu.memory_space<vmem_shared>>
      %dma_wait3A_20 = arith.constant 0 : i32
      %dma_wait3A_21 = tpu.memref_slice %arg4[%mul3A_0, %dma_wait3A_20] : memref<10240x32xf32, #tpu.memory_space<hbm>> -> memref<640x32xf32, #tpu.memory_space<hbm>>
      tpu.wait_dma2 semaphore(%run_scoped3A : memref<!tpu.dma_semaphore, #tpu.memory_space<semaphore_mem>>) src(%dma_wait3A_21 : memref<640x32xf32, #tpu.memory_space<hbm>>) dst(%dma_wait3A_19 : memref<640x32xf32, #tpu.memory_space<vmem_shared>>)
      tpu.yield
    }) : () -> ()
    "tpu.region"() ({
      %run_scoped3A = tpu.sem_alloc : memref<!tpu.dma_semaphore, #tpu.memory_space<semaphore_mem>>
      tpu.enqueue_dma source(%arg3 : memref<128x32xf32, #tpu.memory_space<hbm>>) target(%arg7 : memref<128x32xf32, #tpu.memory_space<vmem>>) target_semaphore(%run_scoped3A : memref<!tpu.dma_semaphore, #tpu.memory_space<semaphore_mem>>)
      tpu.wait_dma2 semaphore(%run_scoped3A : memref<!tpu.dma_semaphore, #tpu.memory_space<semaphore_mem>>) src(%arg3 : memref<128x32xf32, #tpu.memory_space<hbm>>) dst(%arg7 : memref<128x32xf32, #tpu.memory_space<vmem>>)
      tpu.yield
    }) : () -> ()
    %barrier3A = arith.constant 0 : index
    tpu.barrier barrier_id(%barrier3A)
    %mul3A_3 = arith.constant 16 : i32
    %mul3A_4 = arith.muli %arg0, %mul3A_3 : i32
    %add3A = arith.addi %mul3A_4, %arg1 : i32
    %scan3A = arith.constant 0 : i32
    %scan3A_5 = arith.constant 0 : i32
    %scan3A_6 = arith.constant 4 : i32
    %scan3A_7 = arith.addi %scan3A_5, %scan3A_6 : i32
    %scan3A_8 = arith.constant 1 : i32
    %scan3A_9 = scf.for %scan3A_16 = %scan3A_5 to %scan3A_7 step %scan3A_8 iter_args(%scan3A_17 = %scan3A) -> (i32)  : i32 {
      %mul3A_18 = arith.constant 4 : i32
      %mul3A_19 = arith.muli %add3A, %mul3A_18 : i32
      %add3A_20 = arith.addi %mul3A_19, %scan3A_16 : i32
      %mul3A_21 = arith.constant 20 : i32
      %mul3A_22 = arith.muli %add3A_20, %mul3A_21 : i32
      "tpu.region"() ({
        %run_scoped3A = tpu.sem_alloc : memref<!tpu.dma_semaphore, #tpu.memory_space<semaphore_mem>>
        %dma_start3A = arith.constant 0 : i32
        %dma_start3A_31 = tpu.memref_slice %arg2[%mul3A_22, %dma_start3A] : memref<2560x128xi32, #tpu.memory_space<hbm>> -> memref<20x128xi32, #tpu.memory_space<hbm>>
        %dma_start3A_32 = arith.constant 0 : i32
        %dma_start3A_33 = tpu.memref_slice %arg2[%mul3A_22, %dma_start3A_32] : memref<2560x128xi32, #tpu.memory_space<hbm>> -> memref<20x128xi32, #tpu.memory_space<hbm>>
        tpu.enqueue_dma source(%dma_start3A_33 : memref<20x128xi32, #tpu.memory_space<hbm>>) target(%arg6 : memref<20x128xi32, #tpu.memory_space<vmem>>) target_semaphore(%run_scoped3A : memref<!tpu.dma_semaphore, #tpu.memory_space<semaphore_mem>>)
        %dma_wait3A = arith.constant 0 : i32
        %dma_wait3A_34 = tpu.memref_slice %arg2[%mul3A_22, %dma_wait3A] : memref<2560x128xi32, #tpu.memory_space<hbm>> -> memref<20x128xi32, #tpu.memory_space<hbm>>
        %dma_wait3A_35 = arith.constant 0 : i32
        %dma_wait3A_36 = tpu.memref_slice %arg2[%mul3A_22, %dma_wait3A_35] : memref<2560x128xi32, #tpu.memory_space<hbm>> -> memref<20x128xi32, #tpu.memory_space<hbm>>
        tpu.wait_dma2 semaphore(%run_scoped3A : memref<!tpu.dma_semaphore, #tpu.memory_space<semaphore_mem>>) src(%dma_wait3A_36 : memref<20x128xi32, #tpu.memory_space<hbm>>) dst(%arg6 : memref<20x128xi32, #tpu.memory_space<vmem>>)
        tpu.yield
      }) : () -> ()
      %scan3A_23 = arith.constant 0 : i32
      %scan3A_24 = arith.constant 0 : i32
      %scan3A_25 = arith.constant 20 : i32
      %scan3A_26 = arith.addi %scan3A_24, %scan3A_25 : i32
      %scan3A_27 = arith.constant 1 : i32
      %scan3A_28 = scf.for %scan3A_31 = %scan3A_24 to %scan3A_26 step %scan3A_27 iter_args(%scan3A_32 = %scan3A_23) -> (i32)  : i32 {
        "tpu.region"() ({
          %run_scoped3A = tpu.sem_alloc : memref<!tpu.dma_semaphore, #tpu.memory_space<semaphore_mem>>
          %dma_start3A = arith.constant 0 : i32
          %dma_start3A_34 = tpu.memref_slice %arg6[%scan3A_31, %dma_start3A] : memref<20x128xi32, #tpu.memory_space<vmem>> -> memref<1x128xi32, #tpu.memory_space<vmem>>
          %dma_start3A_35 = tpu.memref_squeeze %dma_start3A_34 : memref<1x128xi32, #tpu.memory_space<vmem>> -> memref<128xi32, #tpu.memory_space<vmem>>
          %dma_start3A_36 = arith.constant 0 : i32
          %dma_start3A_37 = arith.constant 0 : i32
          %dma_start3A_38 = tpu.memref_slice %arg8[%dma_start3A_36, %dma_start3A_37] : memref<10240x32xf32, #tpu.memory_space<vmem_shared>> -> memref<10240x32xf32, #tpu.memory_space<vmem_shared>>
          tpu.enqueue_indirect_dma source(%arg7 : memref<128x32xf32, #tpu.memory_space<vmem>>) target(%dma_start3A_38 : memref<10240x32xf32, #tpu.memory_space<vmem_shared>>) offsets(%dma_start3A_35 : memref<128xi32, #tpu.memory_space<vmem>>) semaphore(%run_scoped3A : memref<!tpu.dma_semaphore, #tpu.memory_space<semaphore_mem>>) {add = true}
          %dma_wait3A = arith.constant 0 : i32
          %dma_wait3A_39 = tpu.memref_slice %arg6[%scan3A_31, %dma_wait3A] : memref<20x128xi32, #tpu.memory_space<vmem>> -> memref<1x128xi32, #tpu.memory_space<vmem>>
          %dma_wait3A_40 = tpu.memref_squeeze %dma_wait3A_39 : memref<1x128xi32, #tpu.memory_space<vmem>> -> memref<128xi32, #tpu.memory_space<vmem>>
          %dma_wait3A_41 = arith.constant 0 : i32
          %dma_wait3A_42 = arith.constant 0 : i32
          %dma_wait3A_43 = tpu.memref_slice %arg8[%dma_wait3A_41, %dma_wait3A_42] : memref<10240x32xf32, #tpu.memory_space<vmem_shared>> -> memref<10240x32xf32, #tpu.memory_space<vmem_shared>>
          tpu.wait_indirect_dma semaphore(%run_scoped3A : memref<!tpu.dma_semaphore, #tpu.memory_space<semaphore_mem>>) src(%arg7 : memref<128x32xf32, #tpu.memory_space<vmem>>) dst(%dma_wait3A_43 : memref<10240x32xf32, #tpu.memory_space<vmem_shared>>)
          tpu.yield
        }) : () -> ()
        %scan3A_33 = arith.constant 0 : i32
        scf.yield %scan3A_33 : i32
      }
      %scan3A_29 = arith.constant 20 : i32
      %scan3A_30 = arith.constant 0 : i32
      scf.yield %scan3A_30 : i32
    }
    %scan3A_10 = arith.constant 4 : i32
    %barrier3A_11 = arith.constant 0 : index
    tpu.barrier barrier_id(%barrier3A_11)
    %mul3A_12 = arith.constant 640 : i32
    %mul3A_13 = arith.muli %arg1, %mul3A_12 : i32
    %mul3A_14 = arith.constant 640 : i32
    %mul3A_15 = arith.muli %arg1, %mul3A_14 : i32
    "tpu.region"() ({
      %run_scoped3A = tpu.sem_alloc : memref<!tpu.dma_semaphore, #tpu.memory_space<semaphore_mem>>
      %dma_start3A = arith.constant 0 : i32
      %dma_start3A_16 = tpu.memref_slice %arg5[%arg0, %mul3A_15, %dma_start3A] : memref<2x10240x32xf32, #tpu.memory_space<hbm>> -> memref<1x640x32xf32, #tpu.memory_space<hbm>>
      %dma_start3A_17 = tpu.memref_squeeze %dma_start3A_16 : memref<1x640x32xf32, #tpu.memory_space<hbm>> -> memref<640x32xf32, #tpu.memory_space<hbm>>
      %dma_start3A_18 = arith.constant 0 : i32
      %dma_start3A_19 = tpu.memref_slice %arg8[%mul3A_13, %dma_start3A_18] : memref<10240x32xf32, #tpu.memory_space<vmem_shared>> -> memref<640x32xf32, #tpu.memory_space<vmem_shared>>
      tpu.enqueue_dma source(%dma_start3A_19 : memref<640x32xf32, #tpu.memory_space<vmem_shared>>) target(%dma_start3A_17 : memref<640x32xf32, #tpu.memory_space<hbm>>) target_semaphore(%run_scoped3A : memref<!tpu.dma_semaphore, #tpu.memory_space<semaphore_mem>>)
      %dma_wait3A = arith.constant 0 : i32
      %dma_wait3A_20 = tpu.memref_slice %arg5[%arg0, %mul3A_15, %dma_wait3A] : memref<2x10240x32xf32, #tpu.memory_space<hbm>> -> memref<1x640x32xf32, #tpu.memory_space<hbm>>
      %dma_wait3A_21 = tpu.memref_squeeze %dma_wait3A_20 : memref<1x640x32xf32, #tpu.memory_space<hbm>> -> memref<640x32xf32, #tpu.memory_space<hbm>>
      %dma_wait3A_22 = arith.constant 0 : i32
      %dma_wait3A_23 = tpu.memref_slice %arg8[%mul3A_13, %dma_wait3A_22] : memref<10240x32xf32, #tpu.memory_space<vmem_shared>> -> memref<640x32xf32, #tpu.memory_space<vmem_shared>>
      tpu.wait_dma2 semaphore(%run_scoped3A : memref<!tpu.dma_semaphore, #tpu.memory_space<semaphore_mem>>) src(%dma_wait3A_23 : memref<640x32xf32, #tpu.memory_space<vmem_shared>>) dst(%dma_wait3A_21 : memref<640x32xf32, #tpu.memory_space<hbm>>)
      tpu.yield
    }) : () -> ()
    return
  }
}

#map = affine_map<(d0, d1) -> (0, 0)>
#map1 = affine_map<(d0, d1) -> (0, 0, 0)>
module attributes {stable_mosaic.version = 14 : i64} {
  func.func @_scatter(%arg0: i32, %arg1: i32, %arg2: memref<10240x32xf32, #tpu.memory_space<hbm>>, %arg3: memref<2560x128xi32, #tpu.memory_space<hbm>>, %arg4: memref<2560x128xi32, #tpu.memory_space<hbm>>, %arg5: memref<10240x32xf32, #tpu.memory_space<hbm>>, %arg6: memref<2x10240x32xf32, #tpu.memory_space<hbm>>, %arg7: memref<20x128xi32, #tpu.memory_space<vmem>>, %arg8: memref<20x128xi32, #tpu.memory_space<vmem>>, %arg9: memref<2x128x32xf32, #tpu.memory_space<vmem>>, %arg10: memref<10240x32xf32, #tpu.memory_space<vmem_shared>>, %arg11: memref<!tpu.dma_semaphore, #tpu.memory_space<semaphore_mem>>, %arg12: memref<!tpu.dma_semaphore, #tpu.memory_space<semaphore_mem>>) attributes {dimension_semantics = [#tpu.dimension_semantics<core_parallel>, #tpu.dimension_semantics<subcore_parallel>], iteration_bounds = array<i64: 2, 16>, scalar_prefetch = 0 : i64, scratch_operands = 6 : i64, tpu.core_type = #tpu.core_type<sc_vector_subcore>, window_params = [{transform_indices = #map}, {transform_indices = #map}, {transform_indices = #map}, {transform_indices = #map}, {transform_indices = #map1}]} {
    %mul3A = arith.constant 640 : i32
    %mul3A_0 = arith.muli %arg1, %mul3A : i32
    %mul3A_1 = arith.constant 640 : i32
    %mul3A_2 = arith.muli %arg1, %mul3A_1 : i32
    "tpu.region"() ({
      %run_scoped3A = tpu.sem_alloc : memref<!tpu.dma_semaphore, #tpu.memory_space<semaphore_mem>>
      %dma_start3A = arith.constant 0 : i32
      %dma_start3A_16 = tpu.memref_slice %arg10[%mul3A_2, %dma_start3A] : memref<10240x32xf32, #tpu.memory_space<vmem_shared>> -> memref<640x32xf32, #tpu.memory_space<vmem_shared>>
      %dma_start3A_17 = arith.constant 0 : i32
      %dma_start3A_18 = tpu.memref_slice %arg5[%mul3A_0, %dma_start3A_17] : memref<10240x32xf32, #tpu.memory_space<hbm>> -> memref<640x32xf32, #tpu.memory_space<hbm>>
      tpu.enqueue_dma source(%dma_start3A_18 : memref<640x32xf32, #tpu.memory_space<hbm>>) target(%dma_start3A_16 : memref<640x32xf32, #tpu.memory_space<vmem_shared>>) target_semaphore(%run_scoped3A : memref<!tpu.dma_semaphore, #tpu.memory_space<semaphore_mem>>)
      %dma_wait3A = arith.constant 0 : i32
      %dma_wait3A_19 = tpu.memref_slice %arg10[%mul3A_2, %dma_wait3A] : memref<10240x32xf32, #tpu.memory_space<vmem_shared>> -> memref<640x32xf32, #tpu.memory_space<vmem_shared>>
      %dma_wait3A_20 = arith.constant 0 : i32
      %dma_wait3A_21 = tpu.memref_slice %arg5[%mul3A_0, %dma_wait3A_20] : memref<10240x32xf32, #tpu.memory_space<hbm>> -> memref<640x32xf32, #tpu.memory_space<hbm>>
      tpu.wait_dma2 semaphore(%run_scoped3A : memref<!tpu.dma_semaphore, #tpu.memory_space<semaphore_mem>>) src(%dma_wait3A_21 : memref<640x32xf32, #tpu.memory_space<hbm>>) dst(%dma_wait3A_19 : memref<640x32xf32, #tpu.memory_space<vmem_shared>>)
      tpu.yield
    }) : () -> ()
    %barrier3A = arith.constant 0 : index
    tpu.barrier barrier_id(%barrier3A)
    %mul3A_3 = arith.constant 16 : i32
    %mul3A_4 = arith.muli %arg0, %mul3A_3 : i32
    %add3A = arith.addi %mul3A_4, %arg1 : i32
    %scan3A = arith.constant 0 : i32
    %scan3A_5 = arith.constant 0 : i32
    %scan3A_6 = arith.constant 4 : i32
    %scan3A_7 = arith.addi %scan3A_5, %scan3A_6 : i32
    %scan3A_8 = arith.constant 1 : i32
    %scan3A_9 = scf.for %scan3A_16 = %scan3A_5 to %scan3A_7 step %scan3A_8 iter_args(%scan3A_17 = %scan3A) -> (i32)  : i32 {
      %mul3A_18 = arith.constant 4 : i32
      %mul3A_19 = arith.muli %add3A, %mul3A_18 : i32
      %add3A_20 = arith.addi %mul3A_19, %scan3A_16 : i32
      %mul3A_21 = arith.constant 20 : i32
      %mul3A_22 = arith.muli %add3A_20, %mul3A_21 : i32
      "tpu.region"() ({
        %run_scoped3A = tpu.sem_alloc : memref<!tpu.dma_semaphore, #tpu.memory_space<semaphore_mem>>
        %dma_start3A_56 = arith.constant 0 : i32
        %dma_start3A_57 = tpu.memref_slice %arg3[%mul3A_22, %dma_start3A_56] : memref<2560x128xi32, #tpu.memory_space<hbm>> -> memref<20x128xi32, #tpu.memory_space<hbm>>
        %dma_start3A_58 = arith.constant 0 : i32
        %dma_start3A_59 = tpu.memref_slice %arg3[%mul3A_22, %dma_start3A_58] : memref<2560x128xi32, #tpu.memory_space<hbm>> -> memref<20x128xi32, #tpu.memory_space<hbm>>
        tpu.enqueue_dma source(%dma_start3A_59 : memref<20x128xi32, #tpu.memory_space<hbm>>) target(%arg7 : memref<20x128xi32, #tpu.memory_space<vmem>>) target_semaphore(%run_scoped3A : memref<!tpu.dma_semaphore, #tpu.memory_space<semaphore_mem>>)
        %dma_wait3A = arith.constant 0 : i32
        %dma_wait3A_60 = tpu.memref_slice %arg3[%mul3A_22, %dma_wait3A] : memref<2560x128xi32, #tpu.memory_space<hbm>> -> memref<20x128xi32, #tpu.memory_space<hbm>>
        %dma_wait3A_61 = arith.constant 0 : i32
        %dma_wait3A_62 = tpu.memref_slice %arg3[%mul3A_22, %dma_wait3A_61] : memref<2560x128xi32, #tpu.memory_space<hbm>> -> memref<20x128xi32, #tpu.memory_space<hbm>>
        tpu.wait_dma2 semaphore(%run_scoped3A : memref<!tpu.dma_semaphore, #tpu.memory_space<semaphore_mem>>) src(%dma_wait3A_62 : memref<20x128xi32, #tpu.memory_space<hbm>>) dst(%arg7 : memref<20x128xi32, #tpu.memory_space<vmem>>)
        tpu.yield
      }) : () -> ()
      %mul3A_23 = arith.constant 20 : i32
      %mul3A_24 = arith.muli %add3A_20, %mul3A_23 : i32
      "tpu.region"() ({
        %run_scoped3A = tpu.sem_alloc : memref<!tpu.dma_semaphore, #tpu.memory_space<semaphore_mem>>
        %dma_start3A_56 = arith.constant 0 : i32
        %dma_start3A_57 = tpu.memref_slice %arg4[%mul3A_24, %dma_start3A_56] : memref<2560x128xi32, #tpu.memory_space<hbm>> -> memref<20x128xi32, #tpu.memory_space<hbm>>
        %dma_start3A_58 = arith.constant 0 : i32
        %dma_start3A_59 = tpu.memref_slice %arg4[%mul3A_24, %dma_start3A_58] : memref<2560x128xi32, #tpu.memory_space<hbm>> -> memref<20x128xi32, #tpu.memory_space<hbm>>
        tpu.enqueue_dma source(%dma_start3A_59 : memref<20x128xi32, #tpu.memory_space<hbm>>) target(%arg8 : memref<20x128xi32, #tpu.memory_space<vmem>>) target_semaphore(%run_scoped3A : memref<!tpu.dma_semaphore, #tpu.memory_space<semaphore_mem>>)
        %dma_wait3A = arith.constant 0 : i32
        %dma_wait3A_60 = tpu.memref_slice %arg4[%mul3A_24, %dma_wait3A] : memref<2560x128xi32, #tpu.memory_space<hbm>> -> memref<20x128xi32, #tpu.memory_space<hbm>>
        %dma_wait3A_61 = arith.constant 0 : i32
        %dma_wait3A_62 = tpu.memref_slice %arg4[%mul3A_24, %dma_wait3A_61] : memref<2560x128xi32, #tpu.memory_space<hbm>> -> memref<20x128xi32, #tpu.memory_space<hbm>>
        tpu.wait_dma2 semaphore(%run_scoped3A : memref<!tpu.dma_semaphore, #tpu.memory_space<semaphore_mem>>) src(%dma_wait3A_62 : memref<20x128xi32, #tpu.memory_space<hbm>>) dst(%arg8 : memref<20x128xi32, #tpu.memory_space<vmem>>)
        tpu.yield
      }) : () -> ()
      %dma_start3A = arith.constant 0 : i32
      %dma_start3A_25 = arith.constant 0 : i32
      %dma_start3A_26 = arith.constant 0 : i32
      %dma_start3A_27 = arith.constant 0 : i32
      %dma_start3A_28 = tpu.memref_slice %arg9[%dma_start3A_25, %dma_start3A_26, %dma_start3A_27] : memref<2x128x32xf32, #tpu.memory_space<vmem>> -> memref<1x128x32xf32, #tpu.memory_space<vmem>>
      %dma_start3A_29 = tpu.memref_squeeze %dma_start3A_28 : memref<1x128x32xf32, #tpu.memory_space<vmem>> -> memref<128x32xf32, #tpu.memory_space<vmem>>
      %dma_start3A_30 = arith.constant 0 : i32
      %dma_start3A_31 = tpu.memref_slice %arg7[%dma_start3A, %dma_start3A_30] : memref<20x128xi32, #tpu.memory_space<vmem>> -> memref<1x128xi32, #tpu.memory_space<vmem>>
      %dma_start3A_32 = tpu.memref_squeeze %dma_start3A_31 : memref<1x128xi32, #tpu.memory_space<vmem>> -> memref<128xi32, #tpu.memory_space<vmem>>
      %dma_start3A_33 = arith.constant 0 : i32
      %dma_start3A_34 = arith.constant 0 : i32
      %dma_start3A_35 = tpu.memref_slice %arg2[%dma_start3A_33, %dma_start3A_34] : memref<10240x32xf32, #tpu.memory_space<hbm>> -> memref<10240x32xf32, #tpu.memory_space<hbm>>
      tpu.enqueue_indirect_dma source(%dma_start3A_35 : memref<10240x32xf32, #tpu.memory_space<hbm>>) target(%dma_start3A_29 : memref<128x32xf32, #tpu.memory_space<vmem>>) offsets(%dma_start3A_32 : memref<128xi32, #tpu.memory_space<vmem>>) semaphore(%arg11 : memref<!tpu.dma_semaphore, #tpu.memory_space<semaphore_mem>>)
      %dma_start3A_36 = arith.constant 1 : i32
      %dma_start3A_37 = arith.constant 1 : i32
      %dma_start3A_38 = arith.constant 0 : i32
      %dma_start3A_39 = arith.constant 0 : i32
      %dma_start3A_40 = tpu.memref_slice %arg9[%dma_start3A_37, %dma_start3A_38, %dma_start3A_39] : memref<2x128x32xf32, #tpu.memory_space<vmem>> -> memref<1x128x32xf32, #tpu.memory_space<vmem>>
      %dma_start3A_41 = tpu.memref_squeeze %dma_start3A_40 : memref<1x128x32xf32, #tpu.memory_space<vmem>> -> memref<128x32xf32, #tpu.memory_space<vmem>>
      %dma_start3A_42 = arith.constant 0 : i32
      %dma_start3A_43 = tpu.memref_slice %arg7[%dma_start3A_36, %dma_start3A_42] : memref<20x128xi32, #tpu.memory_space<vmem>> -> memref<1x128xi32, #tpu.memory_space<vmem>>
      %dma_start3A_44 = tpu.memref_squeeze %dma_start3A_43 : memref<1x128xi32, #tpu.memory_space<vmem>> -> memref<128xi32, #tpu.memory_space<vmem>>
      %dma_start3A_45 = arith.constant 0 : i32
      %dma_start3A_46 = arith.constant 0 : i32
      %dma_start3A_47 = tpu.memref_slice %arg2[%dma_start3A_45, %dma_start3A_46] : memref<10240x32xf32, #tpu.memory_space<hbm>> -> memref<10240x32xf32, #tpu.memory_space<hbm>>
      tpu.enqueue_indirect_dma source(%dma_start3A_47 : memref<10240x32xf32, #tpu.memory_space<hbm>>) target(%dma_start3A_41 : memref<128x32xf32, #tpu.memory_space<vmem>>) offsets(%dma_start3A_44 : memref<128xi32, #tpu.memory_space<vmem>>) semaphore(%arg12 : memref<!tpu.dma_semaphore, #tpu.memory_space<semaphore_mem>>)
      %scan3A_48 = arith.constant 0 : i32
      %scan3A_49 = arith.constant 0 : i32
      %scan3A_50 = arith.constant 10 : i32
      %scan3A_51 = arith.addi %scan3A_49, %scan3A_50 : i32
      %scan3A_52 = arith.constant 1 : i32
      %scan3A_53 = scf.for %scan3A_56 = %scan3A_49 to %scan3A_51 step %scan3A_52 iter_args(%scan3A_57 = %scan3A_48) -> (i32)  : i32 {
        %mul3A_58 = arith.constant 2 : i32
        %mul3A_59 = arith.muli %mul3A_58, %scan3A_56 : i32
        %add3A_60 = arith.constant 0 : i32
        %add3A_61 = arith.addi %mul3A_59, %add3A_60 : i32
        %dma_wait3A = arith.constant 0 : i32
        %dma_wait3A_62 = arith.constant 0 : i32
        %dma_wait3A_63 = arith.constant 0 : i32
        %dma_wait3A_64 = tpu.memref_slice %arg9[%dma_wait3A, %dma_wait3A_62, %dma_wait3A_63] : memref<2x128x32xf32, #tpu.memory_space<vmem>> -> memref<1x128x32xf32, #tpu.memory_space<vmem>>
        %dma_wait3A_65 = tpu.memref_squeeze %dma_wait3A_64 : memref<1x128x32xf32, #tpu.memory_space<vmem>> -> memref<128x32xf32, #tpu.memory_space<vmem>>
        %dma_wait3A_66 = arith.constant 0 : i32
        %dma_wait3A_67 = tpu.memref_slice %arg7[%add3A_61, %dma_wait3A_66] : memref<20x128xi32, #tpu.memory_space<vmem>> -> memref<1x128xi32, #tpu.memory_space<vmem>>
        %dma_wait3A_68 = tpu.memref_squeeze %dma_wait3A_67 : memref<1x128xi32, #tpu.memory_space<vmem>> -> memref<128xi32, #tpu.memory_space<vmem>>
        %dma_wait3A_69 = arith.constant 0 : i32
        %dma_wait3A_70 = arith.constant 0 : i32
        %dma_wait3A_71 = tpu.memref_slice %arg2[%dma_wait3A_69, %dma_wait3A_70] : memref<10240x32xf32, #tpu.memory_space<hbm>> -> memref<10240x32xf32, #tpu.memory_space<hbm>>
        tpu.wait_indirect_dma semaphore(%arg11 : memref<!tpu.dma_semaphore, #tpu.memory_space<semaphore_mem>>) src(%dma_wait3A_71 : memref<10240x32xf32, #tpu.memory_space<hbm>>) dst(%dma_wait3A_65 : memref<128x32xf32, #tpu.memory_space<vmem>>)
        %run_scoped3A = arith.constant 0 : i32
        "tpu.region"() ({
          %run_scoped3A_100 = tpu.sem_alloc : memref<!tpu.dma_semaphore, #tpu.memory_space<semaphore_mem>>
          %dma_start3A_101 = arith.constant 0 : i32
          %dma_start3A_102 = arith.constant 0 : i32
          %dma_start3A_103 = tpu.memref_slice %arg9[%run_scoped3A, %dma_start3A_101, %dma_start3A_102] : memref<2x128x32xf32, #tpu.memory_space<vmem>> -> memref<1x128x32xf32, #tpu.memory_space<vmem>>
          %dma_start3A_104 = tpu.memref_squeeze %dma_start3A_103 : memref<1x128x32xf32, #tpu.memory_space<vmem>> -> memref<128x32xf32, #tpu.memory_space<vmem>>
          %dma_start3A_105 = arith.constant 0 : i32
          %dma_start3A_106 = tpu.memref_slice %arg8[%add3A_61, %dma_start3A_105] : memref<20x128xi32, #tpu.memory_space<vmem>> -> memref<1x128xi32, #tpu.memory_space<vmem>>
          %dma_start3A_107 = tpu.memref_squeeze %dma_start3A_106 : memref<1x128xi32, #tpu.memory_space<vmem>> -> memref<128xi32, #tpu.memory_space<vmem>>
          %dma_start3A_108 = arith.constant 0 : i32
          %dma_start3A_109 = arith.constant 0 : i32
          %dma_start3A_110 = tpu.memref_slice %arg10[%dma_start3A_108, %dma_start3A_109] : memref<10240x32xf32, #tpu.memory_space<vmem_shared>> -> memref<10240x32xf32, #tpu.memory_space<vmem_shared>>
          tpu.enqueue_indirect_dma source(%dma_start3A_104 : memref<128x32xf32, #tpu.memory_space<vmem>>) target(%dma_start3A_110 : memref<10240x32xf32, #tpu.memory_space<vmem_shared>>) offsets(%dma_start3A_107 : memref<128xi32, #tpu.memory_space<vmem>>) semaphore(%run_scoped3A_100 : memref<!tpu.dma_semaphore, #tpu.memory_space<semaphore_mem>>) {add = true}
          %dma_wait3A_111 = arith.constant 0 : i32
          %dma_wait3A_112 = arith.constant 0 : i32
          %dma_wait3A_113 = tpu.memref_slice %arg9[%run_scoped3A, %dma_wait3A_111, %dma_wait3A_112] : memref<2x128x32xf32, #tpu.memory_space<vmem>> -> memref<1x128x32xf32, #tpu.memory_space<vmem>>
          %dma_wait3A_114 = tpu.memref_squeeze %dma_wait3A_113 : memref<1x128x32xf32, #tpu.memory_space<vmem>> -> memref<128x32xf32, #tpu.memory_space<vmem>>
          %dma_wait3A_115 = arith.constant 0 : i32
          %dma_wait3A_116 = tpu.memref_slice %arg8[%add3A_61, %dma_wait3A_115] : memref<20x128xi32, #tpu.memory_space<vmem>> -> memref<1x128xi32, #tpu.memory_space<vmem>>
          %dma_wait3A_117 = tpu.memref_squeeze %dma_wait3A_116 : memref<1x128xi32, #tpu.memory_space<vmem>> -> memref<128xi32, #tpu.memory_space<vmem>>
          %dma_wait3A_118 = arith.constant 0 : i32
          %dma_wait3A_119 = arith.constant 0 : i32
          %dma_wait3A_120 = tpu.memref_slice %arg10[%dma_wait3A_118, %dma_wait3A_119] : memref<10240x32xf32, #tpu.memory_space<vmem_shared>> -> memref<10240x32xf32, #tpu.memory_space<vmem_shared>>
          tpu.wait_indirect_dma semaphore(%run_scoped3A_100 : memref<!tpu.dma_semaphore, #tpu.memory_space<semaphore_mem>>) src(%dma_wait3A_114 : memref<128x32xf32, #tpu.memory_space<vmem>>) dst(%dma_wait3A_120 : memref<10240x32xf32, #tpu.memory_space<vmem_shared>>)
          tpu.yield
        }) : () -> ()
        %add3A_72 = arith.constant 2 : i32
        %add3A_73 = arith.addi %add3A_61, %add3A_72 : i32
        %lt3A = arith.constant 20 : i32
        %lt3A_74 = arith.cmpi slt, %add3A_73, %lt3A : i32
        %convert_element_type3A = arith.extui %lt3A_74 : i1 to i32
        %cond3A = arith.constant 0 : i32
        %cond3A_75 = arith.cmpi ne, %convert_element_type3A, %cond3A : i32
        scf.if %cond3A_75 {
          %add3A_100 = arith.constant 2 : i32
          %add3A_101 = arith.addi %add3A_61, %add3A_100 : i32
          %dma_start3A_102 = arith.constant 0 : i32
          %dma_start3A_103 = arith.constant 0 : i32
          %dma_start3A_104 = arith.constant 0 : i32
          %dma_start3A_105 = tpu.memref_slice %arg9[%dma_start3A_102, %dma_start3A_103, %dma_start3A_104] : memref<2x128x32xf32, #tpu.memory_space<vmem>> -> memref<1x128x32xf32, #tpu.memory_space<vmem>>
          %dma_start3A_106 = tpu.memref_squeeze %dma_start3A_105 : memref<1x128x32xf32, #tpu.memory_space<vmem>> -> memref<128x32xf32, #tpu.memory_space<vmem>>
          %dma_start3A_107 = arith.constant 0 : i32
          %dma_start3A_108 = tpu.memref_slice %arg7[%add3A_101, %dma_start3A_107] : memref<20x128xi32, #tpu.memory_space<vmem>> -> memref<1x128xi32, #tpu.memory_space<vmem>>
          %dma_start3A_109 = tpu.memref_squeeze %dma_start3A_108 : memref<1x128xi32, #tpu.memory_space<vmem>> -> memref<128xi32, #tpu.memory_space<vmem>>
          %dma_start3A_110 = arith.constant 0 : i32
          %dma_start3A_111 = arith.constant 0 : i32
          %dma_start3A_112 = tpu.memref_slice %arg2[%dma_start3A_110, %dma_start3A_111] : memref<10240x32xf32, #tpu.memory_space<hbm>> -> memref<10240x32xf32, #tpu.memory_space<hbm>>
          tpu.enqueue_indirect_dma source(%dma_start3A_112 : memref<10240x32xf32, #tpu.memory_space<hbm>>) target(%dma_start3A_106 : memref<128x32xf32, #tpu.memory_space<vmem>>) offsets(%dma_start3A_109 : memref<128xi32, #tpu.memory_space<vmem>>) semaphore(%arg11 : memref<!tpu.dma_semaphore, #tpu.memory_space<semaphore_mem>>)
        } else {
        }
        %mul3A_76 = arith.constant 2 : i32
        %mul3A_77 = arith.muli %mul3A_76, %scan3A_56 : i32
        %add3A_78 = arith.constant 1 : i32
        %add3A_79 = arith.addi %mul3A_77, %add3A_78 : i32
        %dma_wait3A_80 = arith.constant 1 : i32
        %dma_wait3A_81 = arith.constant 0 : i32
        %dma_wait3A_82 = arith.constant 0 : i32
        %dma_wait3A_83 = tpu.memref_slice %arg9[%dma_wait3A_80, %dma_wait3A_81, %dma_wait3A_82] : memref<2x128x32xf32, #tpu.memory_space<vmem>> -> memref<1x128x32xf32, #tpu.memory_space<vmem>>
        %dma_wait3A_84 = tpu.memref_squeeze %dma_wait3A_83 : memref<1x128x32xf32, #tpu.memory_space<vmem>> -> memref<128x32xf32, #tpu.memory_space<vmem>>
        %dma_wait3A_85 = arith.constant 0 : i32
        %dma_wait3A_86 = tpu.memref_slice %arg7[%add3A_79, %dma_wait3A_85] : memref<20x128xi32, #tpu.memory_space<vmem>> -> memref<1x128xi32, #tpu.memory_space<vmem>>
        %dma_wait3A_87 = tpu.memref_squeeze %dma_wait3A_86 : memref<1x128xi32, #tpu.memory_space<vmem>> -> memref<128xi32, #tpu.memory_space<vmem>>
        %dma_wait3A_88 = arith.constant 0 : i32
        %dma_wait3A_89 = arith.constant 0 : i32
        %dma_wait3A_90 = tpu.memref_slice %arg2[%dma_wait3A_88, %dma_wait3A_89] : memref<10240x32xf32, #tpu.memory_space<hbm>> -> memref<10240x32xf32, #tpu.memory_space<hbm>>
        tpu.wait_indirect_dma semaphore(%arg12 : memref<!tpu.dma_semaphore, #tpu.memory_space<semaphore_mem>>) src(%dma_wait3A_90 : memref<10240x32xf32, #tpu.memory_space<hbm>>) dst(%dma_wait3A_84 : memref<128x32xf32, #tpu.memory_space<vmem>>)
        %run_scoped3A_91 = arith.constant 1 : i32
        "tpu.region"() ({
          %run_scoped3A_100 = tpu.sem_alloc : memref<!tpu.dma_semaphore, #tpu.memory_space<semaphore_mem>>
          %dma_start3A_101 = arith.constant 0 : i32
          %dma_start3A_102 = arith.constant 0 : i32
          %dma_start3A_103 = tpu.memref_slice %arg9[%run_scoped3A_91, %dma_start3A_101, %dma_start3A_102] : memref<2x128x32xf32, #tpu.memory_space<vmem>> -> memref<1x128x32xf32, #tpu.memory_space<vmem>>
          %dma_start3A_104 = tpu.memref_squeeze %dma_start3A_103 : memref<1x128x32xf32, #tpu.memory_space<vmem>> -> memref<128x32xf32, #tpu.memory_space<vmem>>
          %dma_start3A_105 = arith.constant 0 : i32
          %dma_start3A_106 = tpu.memref_slice %arg8[%add3A_79, %dma_start3A_105] : memref<20x128xi32, #tpu.memory_space<vmem>> -> memref<1x128xi32, #tpu.memory_space<vmem>>
          %dma_start3A_107 = tpu.memref_squeeze %dma_start3A_106 : memref<1x128xi32, #tpu.memory_space<vmem>> -> memref<128xi32, #tpu.memory_space<vmem>>
          %dma_start3A_108 = arith.constant 0 : i32
          %dma_start3A_109 = arith.constant 0 : i32
          %dma_start3A_110 = tpu.memref_slice %arg10[%dma_start3A_108, %dma_start3A_109] : memref<10240x32xf32, #tpu.memory_space<vmem_shared>> -> memref<10240x32xf32, #tpu.memory_space<vmem_shared>>
          tpu.enqueue_indirect_dma source(%dma_start3A_104 : memref<128x32xf32, #tpu.memory_space<vmem>>) target(%dma_start3A_110 : memref<10240x32xf32, #tpu.memory_space<vmem_shared>>) offsets(%dma_start3A_107 : memref<128xi32, #tpu.memory_space<vmem>>) semaphore(%run_scoped3A_100 : memref<!tpu.dma_semaphore, #tpu.memory_space<semaphore_mem>>) {add = true}
          %dma_wait3A_111 = arith.constant 0 : i32
          %dma_wait3A_112 = arith.constant 0 : i32
          %dma_wait3A_113 = tpu.memref_slice %arg9[%run_scoped3A_91, %dma_wait3A_111, %dma_wait3A_112] : memref<2x128x32xf32, #tpu.memory_space<vmem>> -> memref<1x128x32xf32, #tpu.memory_space<vmem>>
          %dma_wait3A_114 = tpu.memref_squeeze %dma_wait3A_113 : memref<1x128x32xf32, #tpu.memory_space<vmem>> -> memref<128x32xf32, #tpu.memory_space<vmem>>
          %dma_wait3A_115 = arith.constant 0 : i32
          %dma_wait3A_116 = tpu.memref_slice %arg8[%add3A_79, %dma_wait3A_115] : memref<20x128xi32, #tpu.memory_space<vmem>> -> memref<1x128xi32, #tpu.memory_space<vmem>>
          %dma_wait3A_117 = tpu.memref_squeeze %dma_wait3A_116 : memref<1x128xi32, #tpu.memory_space<vmem>> -> memref<128xi32, #tpu.memory_space<vmem>>
          %dma_wait3A_118 = arith.constant 0 : i32
          %dma_wait3A_119 = arith.constant 0 : i32
          %dma_wait3A_120 = tpu.memref_slice %arg10[%dma_wait3A_118, %dma_wait3A_119] : memref<10240x32xf32, #tpu.memory_space<vmem_shared>> -> memref<10240x32xf32, #tpu.memory_space<vmem_shared>>
          tpu.wait_indirect_dma semaphore(%run_scoped3A_100 : memref<!tpu.dma_semaphore, #tpu.memory_space<semaphore_mem>>) src(%dma_wait3A_114 : memref<128x32xf32, #tpu.memory_space<vmem>>) dst(%dma_wait3A_120 : memref<10240x32xf32, #tpu.memory_space<vmem_shared>>)
          tpu.yield
        }) : () -> ()
        %add3A_92 = arith.constant 2 : i32
        %add3A_93 = arith.addi %add3A_79, %add3A_92 : i32
        %lt3A_94 = arith.constant 20 : i32
        %lt3A_95 = arith.cmpi slt, %add3A_93, %lt3A_94 : i32
        %convert_element_type3A_96 = arith.extui %lt3A_95 : i1 to i32
        %cond3A_97 = arith.constant 0 : i32
        %cond3A_98 = arith.cmpi ne, %convert_element_type3A_96, %cond3A_97 : i32
        scf.if %cond3A_98 {
          %add3A_100 = arith.constant 2 : i32
          %add3A_101 = arith.addi %add3A_79, %add3A_100 : i32
          %dma_start3A_102 = arith.constant 1 : i32
          %dma_start3A_103 = arith.constant 0 : i32
          %dma_start3A_104 = arith.constant 0 : i32
          %dma_start3A_105 = tpu.memref_slice %arg9[%dma_start3A_102, %dma_start3A_103, %dma_start3A_104] : memref<2x128x32xf32, #tpu.memory_space<vmem>> -> memref<1x128x32xf32, #tpu.memory_space<vmem>>
          %dma_start3A_106 = tpu.memref_squeeze %dma_start3A_105 : memref<1x128x32xf32, #tpu.memory_space<vmem>> -> memref<128x32xf32, #tpu.memory_space<vmem>>
          %dma_start3A_107 = arith.constant 0 : i32
          %dma_start3A_108 = tpu.memref_slice %arg7[%add3A_101, %dma_start3A_107] : memref<20x128xi32, #tpu.memory_space<vmem>> -> memref<1x128xi32, #tpu.memory_space<vmem>>
          %dma_start3A_109 = tpu.memref_squeeze %dma_start3A_108 : memref<1x128xi32, #tpu.memory_space<vmem>> -> memref<128xi32, #tpu.memory_space<vmem>>
          %dma_start3A_110 = arith.constant 0 : i32
          %dma_start3A_111 = arith.constant 0 : i32
          %dma_start3A_112 = tpu.memref_slice %arg2[%dma_start3A_110, %dma_start3A_111] : memref<10240x32xf32, #tpu.memory_space<hbm>> -> memref<10240x32xf32, #tpu.memory_space<hbm>>
          tpu.enqueue_indirect_dma source(%dma_start3A_112 : memref<10240x32xf32, #tpu.memory_space<hbm>>) target(%dma_start3A_106 : memref<128x32xf32, #tpu.memory_space<vmem>>) offsets(%dma_start3A_109 : memref<128xi32, #tpu.memory_space<vmem>>) semaphore(%arg12 : memref<!tpu.dma_semaphore, #tpu.memory_space<semaphore_mem>>)
        } else {
        }
        %scan3A_99 = arith.constant 0 : i32
        scf.yield %scan3A_99 : i32
      }
      %scan3A_54 = arith.constant 10 : i32
      %scan3A_55 = arith.constant 0 : i32
      scf.yield %scan3A_55 : i32
    }
    %scan3A_10 = arith.constant 4 : i32
    %barrier3A_11 = arith.constant 0 : index
    tpu.barrier barrier_id(%barrier3A_11)
    %mul3A_12 = arith.constant 640 : i32
    %mul3A_13 = arith.muli %arg1, %mul3A_12 : i32
    %mul3A_14 = arith.constant 640 : i32
    %mul3A_15 = arith.muli %arg1, %mul3A_14 : i32
    "tpu.region"() ({
      %run_scoped3A = tpu.sem_alloc : memref<!tpu.dma_semaphore, #tpu.memory_space<semaphore_mem>>
      %dma_start3A = arith.constant 0 : i32
      %dma_start3A_16 = tpu.memref_slice %arg6[%arg0, %mul3A_15, %dma_start3A] : memref<2x10240x32xf32, #tpu.memory_space<hbm>> -> memref<1x640x32xf32, #tpu.memory_space<hbm>>
      %dma_start3A_17 = tpu.memref_squeeze %dma_start3A_16 : memref<1x640x32xf32, #tpu.memory_space<hbm>> -> memref<640x32xf32, #tpu.memory_space<hbm>>
      %dma_start3A_18 = arith.constant 0 : i32
      %dma_start3A_19 = tpu.memref_slice %arg10[%mul3A_13, %dma_start3A_18] : memref<10240x32xf32, #tpu.memory_space<vmem_shared>> -> memref<640x32xf32, #tpu.memory_space<vmem_shared>>
      tpu.enqueue_dma source(%dma_start3A_19 : memref<640x32xf32, #tpu.memory_space<vmem_shared>>) target(%dma_start3A_17 : memref<640x32xf32, #tpu.memory_space<hbm>>) target_semaphore(%run_scoped3A : memref<!tpu.dma_semaphore, #tpu.memory_space<semaphore_mem>>)
      %dma_wait3A = arith.constant 0 : i32
      %dma_wait3A_20 = tpu.memref_slice %arg6[%arg0, %mul3A_15, %dma_wait3A] : memref<2x10240x32xf32, #tpu.memory_space<hbm>> -> memref<1x640x32xf32, #tpu.memory_space<hbm>>
      %dma_wait3A_21 = tpu.memref_squeeze %dma_wait3A_20 : memref<1x640x32xf32, #tpu.memory_space<hbm>> -> memref<640x32xf32, #tpu.memory_space<hbm>>
      %dma_wait3A_22 = arith.constant 0 : i32
      %dma_wait3A_23 = tpu.memref_slice %arg10[%mul3A_13, %dma_wait3A_22] : memref<10240x32xf32, #tpu.memory_space<vmem_shared>> -> memref<640x32xf32, #tpu.memory_space<vmem_shared>>
      tpu.wait_dma2 semaphore(%run_scoped3A : memref<!tpu.dma_semaphore, #tpu.memory_space<semaphore_mem>>) src(%dma_wait3A_23 : memref<640x32xf32, #tpu.memory_space<vmem_shared>>) dst(%dma_wait3A_21 : memref<640x32xf32, #tpu.memory_space<hbm>>)
      tpu.yield
    }) : () -> ()
    return
  }
}

#map = affine_map<(d0, d1) -> (0, 0)>
#map1 = affine_map<(d0, d1) -> (0, 0, 0)>
module attributes {stable_mosaic.version = 14 : i64} {
  func.func @_scatter(%arg0: i32, %arg1: i32, %arg2: memref<10240x128xf32, #tpu.memory_space<hbm>>, %arg3: memref<5120x64xi32, #tpu.memory_space<hbm>>, %arg4: memref<5120x64xi32, #tpu.memory_space<hbm>>, %arg5: memref<10240x128xf32, #tpu.memory_space<hbm>>, %arg6: memref<2x10240x128xf32, #tpu.memory_space<hbm>>, %arg7: memref<32x64xi32, #tpu.memory_space<vmem>>, %arg8: memref<32x64xi32, #tpu.memory_space<vmem>>, %arg9: memref<2x64x128xf32, #tpu.memory_space<vmem>>, %arg10: memref<10240x128xf32, #tpu.memory_space<vmem_shared>>, %arg11: memref<!tpu.dma_semaphore, #tpu.memory_space<semaphore_mem>>, %arg12: memref<!tpu.dma_semaphore, #tpu.memory_space<semaphore_mem>>) attributes {dimension_semantics = [#tpu.dimension_semantics<core_parallel>, #tpu.dimension_semantics<subcore_parallel>], iteration_bounds = array<i64: 2, 16>, scalar_prefetch = 0 : i64, scratch_operands = 6 : i64, tpu.core_type = #tpu.core_type<sc_vector_subcore>, window_params = [{transform_indices = #map}, {transform_indices = #map}, {transform_indices = #map}, {transform_indices = #map}, {transform_indices = #map1}]} {
    %mul3A = arith.constant 640 : i32
    %mul3A_0 = arith.muli %arg1, %mul3A : i32
    %mul3A_1 = arith.constant 640 : i32
    %mul3A_2 = arith.muli %arg1, %mul3A_1 : i32
    "tpu.region"() ({
      %run_scoped3A = tpu.sem_alloc : memref<!tpu.dma_semaphore, #tpu.memory_space<semaphore_mem>>
      %dma_start3A = arith.constant 0 : i32
      %dma_start3A_16 = tpu.memref_slice %arg10[%mul3A_2, %dma_start3A] : memref<10240x128xf32, #tpu.memory_space<vmem_shared>> -> memref<640x128xf32, #tpu.memory_space<vmem_shared>>
      %dma_start3A_17 = arith.constant 0 : i32
      %dma_start3A_18 = tpu.memref_slice %arg5[%mul3A_0, %dma_start3A_17] : memref<10240x128xf32, #tpu.memory_space<hbm>> -> memref<640x128xf32, #tpu.memory_space<hbm>>
      tpu.enqueue_dma source(%dma_start3A_18 : memref<640x128xf32, #tpu.memory_space<hbm>>) target(%dma_start3A_16 : memref<640x128xf32, #tpu.memory_space<vmem_shared>>) target_semaphore(%run_scoped3A : memref<!tpu.dma_semaphore, #tpu.memory_space<semaphore_mem>>)
      %dma_wait3A = arith.constant 0 : i32
      %dma_wait3A_19 = tpu.memref_slice %arg10[%mul3A_2, %dma_wait3A] : memref<10240x128xf32, #tpu.memory_space<vmem_shared>> -> memref<640x128xf32, #tpu.memory_space<vmem_shared>>
      %dma_wait3A_20 = arith.constant 0 : i32
      %dma_wait3A_21 = tpu.memref_slice %arg5[%mul3A_0, %dma_wait3A_20] : memref<10240x128xf32, #tpu.memory_space<hbm>> -> memref<640x128xf32, #tpu.memory_space<hbm>>
      tpu.wait_dma2 semaphore(%run_scoped3A : memref<!tpu.dma_semaphore, #tpu.memory_space<semaphore_mem>>) src(%dma_wait3A_21 : memref<640x128xf32, #tpu.memory_space<hbm>>) dst(%dma_wait3A_19 : memref<640x128xf32, #tpu.memory_space<vmem_shared>>)
      tpu.yield
    }) : () -> ()
    %barrier3A = arith.constant 0 : index
    tpu.barrier barrier_id(%barrier3A)
    %mul3A_3 = arith.constant 16 : i32
    %mul3A_4 = arith.muli %arg0, %mul3A_3 : i32
    %add3A = arith.addi %mul3A_4, %arg1 : i32
    %scan3A = arith.constant 0 : i32
    %scan3A_5 = arith.constant 0 : i32
    %scan3A_6 = arith.constant 5 : i32
    %scan3A_7 = arith.addi %scan3A_5, %scan3A_6 : i32
    %scan3A_8 = arith.constant 1 : i32
    %scan3A_9 = scf.for %scan3A_16 = %scan3A_5 to %scan3A_7 step %scan3A_8 iter_args(%scan3A_17 = %scan3A) -> (i32)  : i32 {
      %mul3A_18 = arith.constant 5 : i32
      %mul3A_19 = arith.muli %add3A, %mul3A_18 : i32
      %add3A_20 = arith.addi %mul3A_19, %scan3A_16 : i32
      %mul3A_21 = arith.constant 32 : i32
      %mul3A_22 = arith.muli %add3A_20, %mul3A_21 : i32
      "tpu.region"() ({
        %run_scoped3A = tpu.sem_alloc : memref<!tpu.dma_semaphore, #tpu.memory_space<semaphore_mem>>
        %dma_start3A_56 = arith.constant 0 : i32
        %dma_start3A_57 = tpu.memref_slice %arg3[%mul3A_22, %dma_start3A_56] : memref<5120x64xi32, #tpu.memory_space<hbm>> -> memref<32x64xi32, #tpu.memory_space<hbm>>
        %dma_start3A_58 = arith.constant 0 : i32
        %dma_start3A_59 = tpu.memref_slice %arg3[%mul3A_22, %dma_start3A_58] : memref<5120x64xi32, #tpu.memory_space<hbm>> -> memref<32x64xi32, #tpu.memory_space<hbm>>
        tpu.enqueue_dma source(%dma_start3A_59 : memref<32x64xi32, #tpu.memory_space<hbm>>) target(%arg7 : memref<32x64xi32, #tpu.memory_space<vmem>>) target_semaphore(%run_scoped3A : memref<!tpu.dma_semaphore, #tpu.memory_space<semaphore_mem>>)
        %dma_wait3A = arith.constant 0 : i32
        %dma_wait3A_60 = tpu.memref_slice %arg3[%mul3A_22, %dma_wait3A] : memref<5120x64xi32, #tpu.memory_space<hbm>> -> memref<32x64xi32, #tpu.memory_space<hbm>>
        %dma_wait3A_61 = arith.constant 0 : i32
        %dma_wait3A_62 = tpu.memref_slice %arg3[%mul3A_22, %dma_wait3A_61] : memref<5120x64xi32, #tpu.memory_space<hbm>> -> memref<32x64xi32, #tpu.memory_space<hbm>>
        tpu.wait_dma2 semaphore(%run_scoped3A : memref<!tpu.dma_semaphore, #tpu.memory_space<semaphore_mem>>) src(%dma_wait3A_62 : memref<32x64xi32, #tpu.memory_space<hbm>>) dst(%arg7 : memref<32x64xi32, #tpu.memory_space<vmem>>)
        tpu.yield
      }) : () -> ()
      %mul3A_23 = arith.constant 32 : i32
      %mul3A_24 = arith.muli %add3A_20, %mul3A_23 : i32
      "tpu.region"() ({
        %run_scoped3A = tpu.sem_alloc : memref<!tpu.dma_semaphore, #tpu.memory_space<semaphore_mem>>
        %dma_start3A_56 = arith.constant 0 : i32
        %dma_start3A_57 = tpu.memref_slice %arg4[%mul3A_24, %dma_start3A_56] : memref<5120x64xi32, #tpu.memory_space<hbm>> -> memref<32x64xi32, #tpu.memory_space<hbm>>
        %dma_start3A_58 = arith.constant 0 : i32
        %dma_start3A_59 = tpu.memref_slice %arg4[%mul3A_24, %dma_start3A_58] : memref<5120x64xi32, #tpu.memory_space<hbm>> -> memref<32x64xi32, #tpu.memory_space<hbm>>
        tpu.enqueue_dma source(%dma_start3A_59 : memref<32x64xi32, #tpu.memory_space<hbm>>) target(%arg8 : memref<32x64xi32, #tpu.memory_space<vmem>>) target_semaphore(%run_scoped3A : memref<!tpu.dma_semaphore, #tpu.memory_space<semaphore_mem>>)
        %dma_wait3A = arith.constant 0 : i32
        %dma_wait3A_60 = tpu.memref_slice %arg4[%mul3A_24, %dma_wait3A] : memref<5120x64xi32, #tpu.memory_space<hbm>> -> memref<32x64xi32, #tpu.memory_space<hbm>>
        %dma_wait3A_61 = arith.constant 0 : i32
        %dma_wait3A_62 = tpu.memref_slice %arg4[%mul3A_24, %dma_wait3A_61] : memref<5120x64xi32, #tpu.memory_space<hbm>> -> memref<32x64xi32, #tpu.memory_space<hbm>>
        tpu.wait_dma2 semaphore(%run_scoped3A : memref<!tpu.dma_semaphore, #tpu.memory_space<semaphore_mem>>) src(%dma_wait3A_62 : memref<32x64xi32, #tpu.memory_space<hbm>>) dst(%arg8 : memref<32x64xi32, #tpu.memory_space<vmem>>)
        tpu.yield
      }) : () -> ()
      %dma_start3A = arith.constant 0 : i32
      %dma_start3A_25 = arith.constant 0 : i32
      %dma_start3A_26 = arith.constant 0 : i32
      %dma_start3A_27 = arith.constant 0 : i32
      %dma_start3A_28 = tpu.memref_slice %arg9[%dma_start3A_25, %dma_start3A_26, %dma_start3A_27] : memref<2x64x128xf32, #tpu.memory_space<vmem>> -> memref<1x64x128xf32, #tpu.memory_space<vmem>>
      %dma_start3A_29 = tpu.memref_squeeze %dma_start3A_28 : memref<1x64x128xf32, #tpu.memory_space<vmem>> -> memref<64x128xf32, #tpu.memory_space<vmem>>
      %dma_start3A_30 = arith.constant 0 : i32
      %dma_start3A_31 = tpu.memref_slice %arg7[%dma_start3A, %dma_start3A_30] : memref<32x64xi32, #tpu.memory_space<vmem>> -> memref<1x64xi32, #tpu.memory_space<vmem>>
      %dma_start3A_32 = tpu.memref_squeeze %dma_start3A_31 : memref<1x64xi32, #tpu.memory_space<vmem>> -> memref<64xi32, #tpu.memory_space<vmem>>
      %dma_start3A_33 = arith.constant 0 : i32
      %dma_start3A_34 = arith.constant 0 : i32
      %dma_start3A_35 = tpu.memref_slice %arg2[%dma_start3A_33, %dma_start3A_34] : memref<10240x128xf32, #tpu.memory_space<hbm>> -> memref<10240x128xf32, #tpu.memory_space<hbm>>
      tpu.enqueue_indirect_dma source(%dma_start3A_35 : memref<10240x128xf32, #tpu.memory_space<hbm>>) target(%dma_start3A_29 : memref<64x128xf32, #tpu.memory_space<vmem>>) offsets(%dma_start3A_32 : memref<64xi32, #tpu.memory_space<vmem>>) semaphore(%arg11 : memref<!tpu.dma_semaphore, #tpu.memory_space<semaphore_mem>>)
      %dma_start3A_36 = arith.constant 1 : i32
      %dma_start3A_37 = arith.constant 1 : i32
      %dma_start3A_38 = arith.constant 0 : i32
      %dma_start3A_39 = arith.constant 0 : i32
      %dma_start3A_40 = tpu.memref_slice %arg9[%dma_start3A_37, %dma_start3A_38, %dma_start3A_39] : memref<2x64x128xf32, #tpu.memory_space<vmem>> -> memref<1x64x128xf32, #tpu.memory_space<vmem>>
      %dma_start3A_41 = tpu.memref_squeeze %dma_start3A_40 : memref<1x64x128xf32, #tpu.memory_space<vmem>> -> memref<64x128xf32, #tpu.memory_space<vmem>>
      %dma_start3A_42 = arith.constant 0 : i32
      %dma_start3A_43 = tpu.memref_slice %arg7[%dma_start3A_36, %dma_start3A_42] : memref<32x64xi32, #tpu.memory_space<vmem>> -> memref<1x64xi32, #tpu.memory_space<vmem>>
      %dma_start3A_44 = tpu.memref_squeeze %dma_start3A_43 : memref<1x64xi32, #tpu.memory_space<vmem>> -> memref<64xi32, #tpu.memory_space<vmem>>
      %dma_start3A_45 = arith.constant 0 : i32
      %dma_start3A_46 = arith.constant 0 : i32
      %dma_start3A_47 = tpu.memref_slice %arg2[%dma_start3A_45, %dma_start3A_46] : memref<10240x128xf32, #tpu.memory_space<hbm>> -> memref<10240x128xf32, #tpu.memory_space<hbm>>
      tpu.enqueue_indirect_dma source(%dma_start3A_47 : memref<10240x128xf32, #tpu.memory_space<hbm>>) target(%dma_start3A_41 : memref<64x128xf32, #tpu.memory_space<vmem>>) offsets(%dma_start3A_44 : memref<64xi32, #tpu.memory_space<vmem>>) semaphore(%arg12 : memref<!tpu.dma_semaphore, #tpu.memory_space<semaphore_mem>>)
      %scan3A_48 = arith.constant 0 : i32
      %scan3A_49 = arith.constant 0 : i32
      %scan3A_50 = arith.constant 16 : i32
      %scan3A_51 = arith.addi %scan3A_49, %scan3A_50 : i32
      %scan3A_52 = arith.constant 1 : i32
      %scan3A_53 = scf.for %scan3A_56 = %scan3A_49 to %scan3A_51 step %scan3A_52 iter_args(%scan3A_57 = %scan3A_48) -> (i32)  : i32 {
        %mul3A_58 = arith.constant 2 : i32
        %mul3A_59 = arith.muli %mul3A_58, %scan3A_56 : i32
        %add3A_60 = arith.constant 0 : i32
        %add3A_61 = arith.addi %mul3A_59, %add3A_60 : i32
        %dma_wait3A = arith.constant 0 : i32
        %dma_wait3A_62 = arith.constant 0 : i32
        %dma_wait3A_63 = arith.constant 0 : i32
        %dma_wait3A_64 = tpu.memref_slice %arg9[%dma_wait3A, %dma_wait3A_62, %dma_wait3A_63] : memref<2x64x128xf32, #tpu.memory_space<vmem>> -> memref<1x64x128xf32, #tpu.memory_space<vmem>>
        %dma_wait3A_65 = tpu.memref_squeeze %dma_wait3A_64 : memref<1x64x128xf32, #tpu.memory_space<vmem>> -> memref<64x128xf32, #tpu.memory_space<vmem>>
        %dma_wait3A_66 = arith.constant 0 : i32
        %dma_wait3A_67 = tpu.memref_slice %arg7[%add3A_61, %dma_wait3A_66] : memref<32x64xi32, #tpu.memory_space<vmem>> -> memref<1x64xi32, #tpu.memory_space<vmem>>
        %dma_wait3A_68 = tpu.memref_squeeze %dma_wait3A_67 : memref<1x64xi32, #tpu.memory_space<vmem>> -> memref<64xi32, #tpu.memory_space<vmem>>
        %dma_wait3A_69 = arith.constant 0 : i32
        %dma_wait3A_70 = arith.constant 0 : i32
        %dma_wait3A_71 = tpu.memref_slice %arg2[%dma_wait3A_69, %dma_wait3A_70] : memref<10240x128xf32, #tpu.memory_space<hbm>> -> memref<10240x128xf32, #tpu.memory_space<hbm>>
        tpu.wait_indirect_dma semaphore(%arg11 : memref<!tpu.dma_semaphore, #tpu.memory_space<semaphore_mem>>) src(%dma_wait3A_71 : memref<10240x128xf32, #tpu.memory_space<hbm>>) dst(%dma_wait3A_65 : memref<64x128xf32, #tpu.memory_space<vmem>>)
        %run_scoped3A = arith.constant 0 : i32
        "tpu.region"() ({
          %run_scoped3A_100 = tpu.sem_alloc : memref<!tpu.dma_semaphore, #tpu.memory_space<semaphore_mem>>
          %dma_start3A_101 = arith.constant 0 : i32
          %dma_start3A_102 = arith.constant 0 : i32
          %dma_start3A_103 = tpu.memref_slice %arg9[%run_scoped3A, %dma_start3A_101, %dma_start3A_102] : memref<2x64x128xf32, #tpu.memory_space<vmem>> -> memref<1x64x128xf32, #tpu.memory_space<vmem>>
          %dma_start3A_104 = tpu.memref_squeeze %dma_start3A_103 : memref<1x64x128xf32, #tpu.memory_space<vmem>> -> memref<64x128xf32, #tpu.memory_space<vmem>>
          %dma_start3A_105 = arith.constant 0 : i32
          %dma_start3A_106 = tpu.memref_slice %arg8[%add3A_61, %dma_start3A_105] : memref<32x64xi32, #tpu.memory_space<vmem>> -> memref<1x64xi32, #tpu.memory_space<vmem>>
          %dma_start3A_107 = tpu.memref_squeeze %dma_start3A_106 : memref<1x64xi32, #tpu.memory_space<vmem>> -> memref<64xi32, #tpu.memory_space<vmem>>
          %dma_start3A_108 = arith.constant 0 : i32
          %dma_start3A_109 = arith.constant 0 : i32
          %dma_start3A_110 = tpu.memref_slice %arg10[%dma_start3A_108, %dma_start3A_109] : memref<10240x128xf32, #tpu.memory_space<vmem_shared>> -> memref<10240x128xf32, #tpu.memory_space<vmem_shared>>
          tpu.enqueue_indirect_dma source(%dma_start3A_104 : memref<64x128xf32, #tpu.memory_space<vmem>>) target(%dma_start3A_110 : memref<10240x128xf32, #tpu.memory_space<vmem_shared>>) offsets(%dma_start3A_107 : memref<64xi32, #tpu.memory_space<vmem>>) semaphore(%run_scoped3A_100 : memref<!tpu.dma_semaphore, #tpu.memory_space<semaphore_mem>>) {add = true}
          %dma_wait3A_111 = arith.constant 0 : i32
          %dma_wait3A_112 = arith.constant 0 : i32
          %dma_wait3A_113 = tpu.memref_slice %arg9[%run_scoped3A, %dma_wait3A_111, %dma_wait3A_112] : memref<2x64x128xf32, #tpu.memory_space<vmem>> -> memref<1x64x128xf32, #tpu.memory_space<vmem>>
          %dma_wait3A_114 = tpu.memref_squeeze %dma_wait3A_113 : memref<1x64x128xf32, #tpu.memory_space<vmem>> -> memref<64x128xf32, #tpu.memory_space<vmem>>
          %dma_wait3A_115 = arith.constant 0 : i32
          %dma_wait3A_116 = tpu.memref_slice %arg8[%add3A_61, %dma_wait3A_115] : memref<32x64xi32, #tpu.memory_space<vmem>> -> memref<1x64xi32, #tpu.memory_space<vmem>>
          %dma_wait3A_117 = tpu.memref_squeeze %dma_wait3A_116 : memref<1x64xi32, #tpu.memory_space<vmem>> -> memref<64xi32, #tpu.memory_space<vmem>>
          %dma_wait3A_118 = arith.constant 0 : i32
          %dma_wait3A_119 = arith.constant 0 : i32
          %dma_wait3A_120 = tpu.memref_slice %arg10[%dma_wait3A_118, %dma_wait3A_119] : memref<10240x128xf32, #tpu.memory_space<vmem_shared>> -> memref<10240x128xf32, #tpu.memory_space<vmem_shared>>
          tpu.wait_indirect_dma semaphore(%run_scoped3A_100 : memref<!tpu.dma_semaphore, #tpu.memory_space<semaphore_mem>>) src(%dma_wait3A_114 : memref<64x128xf32, #tpu.memory_space<vmem>>) dst(%dma_wait3A_120 : memref<10240x128xf32, #tpu.memory_space<vmem_shared>>)
          tpu.yield
        }) : () -> ()
        %add3A_72 = arith.constant 2 : i32
        %add3A_73 = arith.addi %add3A_61, %add3A_72 : i32
        %lt3A = arith.constant 32 : i32
        %lt3A_74 = arith.cmpi slt, %add3A_73, %lt3A : i32
        %convert_element_type3A = arith.extui %lt3A_74 : i1 to i32
        %cond3A = arith.constant 0 : i32
        %cond3A_75 = arith.cmpi ne, %convert_element_type3A, %cond3A : i32
        scf.if %cond3A_75 {
          %add3A_100 = arith.constant 2 : i32
          %add3A_101 = arith.addi %add3A_61, %add3A_100 : i32
          %dma_start3A_102 = arith.constant 0 : i32
          %dma_start3A_103 = arith.constant 0 : i32
          %dma_start3A_104 = arith.constant 0 : i32
          %dma_start3A_105 = tpu.memref_slice %arg9[%dma_start3A_102, %dma_start3A_103, %dma_start3A_104] : memref<2x64x128xf32, #tpu.memory_space<vmem>> -> memref<1x64x128xf32, #tpu.memory_space<vmem>>
          %dma_start3A_106 = tpu.memref_squeeze %dma_start3A_105 : memref<1x64x128xf32, #tpu.memory_space<vmem>> -> memref<64x128xf32, #tpu.memory_space<vmem>>
          %dma_start3A_107 = arith.constant 0 : i32
          %dma_start3A_108 = tpu.memref_slice %arg7[%add3A_101, %dma_start3A_107] : memref<32x64xi32, #tpu.memory_space<vmem>> -> memref<1x64xi32, #tpu.memory_space<vmem>>
          %dma_start3A_109 = tpu.memref_squeeze %dma_start3A_108 : memref<1x64xi32, #tpu.memory_space<vmem>> -> memref<64xi32, #tpu.memory_space<vmem>>
          %dma_start3A_110 = arith.constant 0 : i32
          %dma_start3A_111 = arith.constant 0 : i32
          %dma_start3A_112 = tpu.memref_slice %arg2[%dma_start3A_110, %dma_start3A_111] : memref<10240x128xf32, #tpu.memory_space<hbm>> -> memref<10240x128xf32, #tpu.memory_space<hbm>>
          tpu.enqueue_indirect_dma source(%dma_start3A_112 : memref<10240x128xf32, #tpu.memory_space<hbm>>) target(%dma_start3A_106 : memref<64x128xf32, #tpu.memory_space<vmem>>) offsets(%dma_start3A_109 : memref<64xi32, #tpu.memory_space<vmem>>) semaphore(%arg11 : memref<!tpu.dma_semaphore, #tpu.memory_space<semaphore_mem>>)
        } else {
        }
        %mul3A_76 = arith.constant 2 : i32
        %mul3A_77 = arith.muli %mul3A_76, %scan3A_56 : i32
        %add3A_78 = arith.constant 1 : i32
        %add3A_79 = arith.addi %mul3A_77, %add3A_78 : i32
        %dma_wait3A_80 = arith.constant 1 : i32
        %dma_wait3A_81 = arith.constant 0 : i32
        %dma_wait3A_82 = arith.constant 0 : i32
        %dma_wait3A_83 = tpu.memref_slice %arg9[%dma_wait3A_80, %dma_wait3A_81, %dma_wait3A_82] : memref<2x64x128xf32, #tpu.memory_space<vmem>> -> memref<1x64x128xf32, #tpu.memory_space<vmem>>
        %dma_wait3A_84 = tpu.memref_squeeze %dma_wait3A_83 : memref<1x64x128xf32, #tpu.memory_space<vmem>> -> memref<64x128xf32, #tpu.memory_space<vmem>>
        %dma_wait3A_85 = arith.constant 0 : i32
        %dma_wait3A_86 = tpu.memref_slice %arg7[%add3A_79, %dma_wait3A_85] : memref<32x64xi32, #tpu.memory_space<vmem>> -> memref<1x64xi32, #tpu.memory_space<vmem>>
        %dma_wait3A_87 = tpu.memref_squeeze %dma_wait3A_86 : memref<1x64xi32, #tpu.memory_space<vmem>> -> memref<64xi32, #tpu.memory_space<vmem>>
        %dma_wait3A_88 = arith.constant 0 : i32
        %dma_wait3A_89 = arith.constant 0 : i32
        %dma_wait3A_90 = tpu.memref_slice %arg2[%dma_wait3A_88, %dma_wait3A_89] : memref<10240x128xf32, #tpu.memory_space<hbm>> -> memref<10240x128xf32, #tpu.memory_space<hbm>>
        tpu.wait_indirect_dma semaphore(%arg12 : memref<!tpu.dma_semaphore, #tpu.memory_space<semaphore_mem>>) src(%dma_wait3A_90 : memref<10240x128xf32, #tpu.memory_space<hbm>>) dst(%dma_wait3A_84 : memref<64x128xf32, #tpu.memory_space<vmem>>)
        %run_scoped3A_91 = arith.constant 1 : i32
        "tpu.region"() ({
          %run_scoped3A_100 = tpu.sem_alloc : memref<!tpu.dma_semaphore, #tpu.memory_space<semaphore_mem>>
          %dma_start3A_101 = arith.constant 0 : i32
          %dma_start3A_102 = arith.constant 0 : i32
          %dma_start3A_103 = tpu.memref_slice %arg9[%run_scoped3A_91, %dma_start3A_101, %dma_start3A_102] : memref<2x64x128xf32, #tpu.memory_space<vmem>> -> memref<1x64x128xf32, #tpu.memory_space<vmem>>
          %dma_start3A_104 = tpu.memref_squeeze %dma_start3A_103 : memref<1x64x128xf32, #tpu.memory_space<vmem>> -> memref<64x128xf32, #tpu.memory_space<vmem>>
          %dma_start3A_105 = arith.constant 0 : i32
          %dma_start3A_106 = tpu.memref_slice %arg8[%add3A_79, %dma_start3A_105] : memref<32x64xi32, #tpu.memory_space<vmem>> -> memref<1x64xi32, #tpu.memory_space<vmem>>
          %dma_start3A_107 = tpu.memref_squeeze %dma_start3A_106 : memref<1x64xi32, #tpu.memory_space<vmem>> -> memref<64xi32, #tpu.memory_space<vmem>>
          %dma_start3A_108 = arith.constant 0 : i32
          %dma_start3A_109 = arith.constant 0 : i32
          %dma_start3A_110 = tpu.memref_slice %arg10[%dma_start3A_108, %dma_start3A_109] : memref<10240x128xf32, #tpu.memory_space<vmem_shared>> -> memref<10240x128xf32, #tpu.memory_space<vmem_shared>>
          tpu.enqueue_indirect_dma source(%dma_start3A_104 : memref<64x128xf32, #tpu.memory_space<vmem>>) target(%dma_start3A_110 : memref<10240x128xf32, #tpu.memory_space<vmem_shared>>) offsets(%dma_start3A_107 : memref<64xi32, #tpu.memory_space<vmem>>) semaphore(%run_scoped3A_100 : memref<!tpu.dma_semaphore, #tpu.memory_space<semaphore_mem>>) {add = true}
          %dma_wait3A_111 = arith.constant 0 : i32
          %dma_wait3A_112 = arith.constant 0 : i32
          %dma_wait3A_113 = tpu.memref_slice %arg9[%run_scoped3A_91, %dma_wait3A_111, %dma_wait3A_112] : memref<2x64x128xf32, #tpu.memory_space<vmem>> -> memref<1x64x128xf32, #tpu.memory_space<vmem>>
          %dma_wait3A_114 = tpu.memref_squeeze %dma_wait3A_113 : memref<1x64x128xf32, #tpu.memory_space<vmem>> -> memref<64x128xf32, #tpu.memory_space<vmem>>
          %dma_wait3A_115 = arith.constant 0 : i32
          %dma_wait3A_116 = tpu.memref_slice %arg8[%add3A_79, %dma_wait3A_115] : memref<32x64xi32, #tpu.memory_space<vmem>> -> memref<1x64xi32, #tpu.memory_space<vmem>>
          %dma_wait3A_117 = tpu.memref_squeeze %dma_wait3A_116 : memref<1x64xi32, #tpu.memory_space<vmem>> -> memref<64xi32, #tpu.memory_space<vmem>>
          %dma_wait3A_118 = arith.constant 0 : i32
          %dma_wait3A_119 = arith.constant 0 : i32
          %dma_wait3A_120 = tpu.memref_slice %arg10[%dma_wait3A_118, %dma_wait3A_119] : memref<10240x128xf32, #tpu.memory_space<vmem_shared>> -> memref<10240x128xf32, #tpu.memory_space<vmem_shared>>
          tpu.wait_indirect_dma semaphore(%run_scoped3A_100 : memref<!tpu.dma_semaphore, #tpu.memory_space<semaphore_mem>>) src(%dma_wait3A_114 : memref<64x128xf32, #tpu.memory_space<vmem>>) dst(%dma_wait3A_120 : memref<10240x128xf32, #tpu.memory_space<vmem_shared>>)
          tpu.yield
        }) : () -> ()
        %add3A_92 = arith.constant 2 : i32
        %add3A_93 = arith.addi %add3A_79, %add3A_92 : i32
        %lt3A_94 = arith.constant 32 : i32
        %lt3A_95 = arith.cmpi slt, %add3A_93, %lt3A_94 : i32
        %convert_element_type3A_96 = arith.extui %lt3A_95 : i1 to i32
        %cond3A_97 = arith.constant 0 : i32
        %cond3A_98 = arith.cmpi ne, %convert_element_type3A_96, %cond3A_97 : i32
        scf.if %cond3A_98 {
          %add3A_100 = arith.constant 2 : i32
          %add3A_101 = arith.addi %add3A_79, %add3A_100 : i32
          %dma_start3A_102 = arith.constant 1 : i32
          %dma_start3A_103 = arith.constant 0 : i32
          %dma_start3A_104 = arith.constant 0 : i32
          %dma_start3A_105 = tpu.memref_slice %arg9[%dma_start3A_102, %dma_start3A_103, %dma_start3A_104] : memref<2x64x128xf32, #tpu.memory_space<vmem>> -> memref<1x64x128xf32, #tpu.memory_space<vmem>>
          %dma_start3A_106 = tpu.memref_squeeze %dma_start3A_105 : memref<1x64x128xf32, #tpu.memory_space<vmem>> -> memref<64x128xf32, #tpu.memory_space<vmem>>
          %dma_start3A_107 = arith.constant 0 : i32
          %dma_start3A_108 = tpu.memref_slice %arg7[%add3A_101, %dma_start3A_107] : memref<32x64xi32, #tpu.memory_space<vmem>> -> memref<1x64xi32, #tpu.memory_space<vmem>>
          %dma_start3A_109 = tpu.memref_squeeze %dma_start3A_108 : memref<1x64xi32, #tpu.memory_space<vmem>> -> memref<64xi32, #tpu.memory_space<vmem>>
          %dma_start3A_110 = arith.constant 0 : i32
          %dma_start3A_111 = arith.constant 0 : i32
          %dma_start3A_112 = tpu.memref_slice %arg2[%dma_start3A_110, %dma_start3A_111] : memref<10240x128xf32, #tpu.memory_space<hbm>> -> memref<10240x128xf32, #tpu.memory_space<hbm>>
          tpu.enqueue_indirect_dma source(%dma_start3A_112 : memref<10240x128xf32, #tpu.memory_space<hbm>>) target(%dma_start3A_106 : memref<64x128xf32, #tpu.memory_space<vmem>>) offsets(%dma_start3A_109 : memref<64xi32, #tpu.memory_space<vmem>>) semaphore(%arg12 : memref<!tpu.dma_semaphore, #tpu.memory_space<semaphore_mem>>)
        } else {
        }
        %scan3A_99 = arith.constant 0 : i32
        scf.yield %scan3A_99 : i32
      }
      %scan3A_54 = arith.constant 16 : i32
      %scan3A_55 = arith.constant 0 : i32
      scf.yield %scan3A_55 : i32
    }
    %scan3A_10 = arith.constant 5 : i32
    %barrier3A_11 = arith.constant 0 : index
    tpu.barrier barrier_id(%barrier3A_11)
    %mul3A_12 = arith.constant 640 : i32
    %mul3A_13 = arith.muli %arg1, %mul3A_12 : i32
    %mul3A_14 = arith.constant 640 : i32
    %mul3A_15 = arith.muli %arg1, %mul3A_14 : i32
    "tpu.region"() ({
      %run_scoped3A = tpu.sem_alloc : memref<!tpu.dma_semaphore, #tpu.memory_space<semaphore_mem>>
      %dma_start3A = arith.constant 0 : i32
      %dma_start3A_16 = tpu.memref_slice %arg6[%arg0, %mul3A_15, %dma_start3A] : memref<2x10240x128xf32, #tpu.memory_space<hbm>> -> memref<1x640x128xf32, #tpu.memory_space<hbm>>
      %dma_start3A_17 = tpu.memref_squeeze %dma_start3A_16 : memref<1x640x128xf32, #tpu.memory_space<hbm>> -> memref<640x128xf32, #tpu.memory_space<hbm>>
      %dma_start3A_18 = arith.constant 0 : i32
      %dma_start3A_19 = tpu.memref_slice %arg10[%mul3A_13, %dma_start3A_18] : memref<10240x128xf32, #tpu.memory_space<vmem_shared>> -> memref<640x128xf32, #tpu.memory_space<vmem_shared>>
      tpu.enqueue_dma source(%dma_start3A_19 : memref<640x128xf32, #tpu.memory_space<vmem_shared>>) target(%dma_start3A_17 : memref<640x128xf32, #tpu.memory_space<hbm>>) target_semaphore(%run_scoped3A : memref<!tpu.dma_semaphore, #tpu.memory_space<semaphore_mem>>)
      %dma_wait3A = arith.constant 0 : i32
      %dma_wait3A_20 = tpu.memref_slice %arg6[%arg0, %mul3A_15, %dma_wait3A] : memref<2x10240x128xf32, #tpu.memory_space<hbm>> -> memref<1x640x128xf32, #tpu.memory_space<hbm>>
      %dma_wait3A_21 = tpu.memref_squeeze %dma_wait3A_20 : memref<1x640x128xf32, #tpu.memory_space<hbm>> -> memref<640x128xf32, #tpu.memory_space<hbm>>
      %dma_wait3A_22 = arith.constant 0 : i32
      %dma_wait3A_23 = tpu.memref_slice %arg10[%mul3A_13, %dma_wait3A_22] : memref<10240x128xf32, #tpu.memory_space<vmem_shared>> -> memref<640x128xf32, #tpu.memory_space<vmem_shared>>
      tpu.wait_dma2 semaphore(%run_scoped3A : memref<!tpu.dma_semaphore, #tpu.memory_space<semaphore_mem>>) src(%dma_wait3A_23 : memref<640x128xf32, #tpu.memory_space<vmem_shared>>) dst(%dma_wait3A_21 : memref<640x128xf32, #tpu.memory_space<hbm>>)
      tpu.yield
    }) : () -> ()
    return
  }
}

#map = affine_map<(d0, d1) -> (0, 0)>
#map1 = affine_map<(d0, d1) -> (0, 0, 0)>
module attributes {stable_mosaic.version = 14 : i64} {
  func.func @_scatter(%arg0: i32, %arg1: i32, %arg2: memref<10240x64xf32, #tpu.memory_space<hbm>>, %arg3: memref<2560x128xi32, #tpu.memory_space<hbm>>, %arg4: memref<2560x128xi32, #tpu.memory_space<hbm>>, %arg5: memref<10240x64xf32, #tpu.memory_space<hbm>>, %arg6: memref<2x10240x64xf32, #tpu.memory_space<hbm>>, %arg7: memref<20x128xi32, #tpu.memory_space<vmem>>, %arg8: memref<20x128xi32, #tpu.memory_space<vmem>>, %arg9: memref<2x128x64xf32, #tpu.memory_space<vmem>>, %arg10: memref<10240x64xf32, #tpu.memory_space<vmem_shared>>, %arg11: memref<!tpu.dma_semaphore, #tpu.memory_space<semaphore_mem>>, %arg12: memref<!tpu.dma_semaphore, #tpu.memory_space<semaphore_mem>>) attributes {dimension_semantics = [#tpu.dimension_semantics<core_parallel>, #tpu.dimension_semantics<subcore_parallel>], iteration_bounds = array<i64: 2, 16>, scalar_prefetch = 0 : i64, scratch_operands = 6 : i64, tpu.core_type = #tpu.core_type<sc_vector_subcore>, window_params = [{transform_indices = #map}, {transform_indices = #map}, {transform_indices = #map}, {transform_indices = #map}, {transform_indices = #map1}]} {
    %mul3A = arith.constant 640 : i32
    %mul3A_0 = arith.muli %arg1, %mul3A : i32
    %mul3A_1 = arith.constant 640 : i32
    %mul3A_2 = arith.muli %arg1, %mul3A_1 : i32
    "tpu.region"() ({
      %run_scoped3A = tpu.sem_alloc : memref<!tpu.dma_semaphore, #tpu.memory_space<semaphore_mem>>
      %dma_start3A = arith.constant 0 : i32
      %dma_start3A_16 = tpu.memref_slice %arg10[%mul3A_2, %dma_start3A] : memref<10240x64xf32, #tpu.memory_space<vmem_shared>> -> memref<640x64xf32, #tpu.memory_space<vmem_shared>>
      %dma_start3A_17 = arith.constant 0 : i32
      %dma_start3A_18 = tpu.memref_slice %arg5[%mul3A_0, %dma_start3A_17] : memref<10240x64xf32, #tpu.memory_space<hbm>> -> memref<640x64xf32, #tpu.memory_space<hbm>>
      tpu.enqueue_dma source(%dma_start3A_18 : memref<640x64xf32, #tpu.memory_space<hbm>>) target(%dma_start3A_16 : memref<640x64xf32, #tpu.memory_space<vmem_shared>>) target_semaphore(%run_scoped3A : memref<!tpu.dma_semaphore, #tpu.memory_space<semaphore_mem>>)
      %dma_wait3A = arith.constant 0 : i32
      %dma_wait3A_19 = tpu.memref_slice %arg10[%mul3A_2, %dma_wait3A] : memref<10240x64xf32, #tpu.memory_space<vmem_shared>> -> memref<640x64xf32, #tpu.memory_space<vmem_shared>>
      %dma_wait3A_20 = arith.constant 0 : i32
      %dma_wait3A_21 = tpu.memref_slice %arg5[%mul3A_0, %dma_wait3A_20] : memref<10240x64xf32, #tpu.memory_space<hbm>> -> memref<640x64xf32, #tpu.memory_space<hbm>>
      tpu.wait_dma2 semaphore(%run_scoped3A : memref<!tpu.dma_semaphore, #tpu.memory_space<semaphore_mem>>) src(%dma_wait3A_21 : memref<640x64xf32, #tpu.memory_space<hbm>>) dst(%dma_wait3A_19 : memref<640x64xf32, #tpu.memory_space<vmem_shared>>)
      tpu.yield
    }) : () -> ()
    %barrier3A = arith.constant 0 : index
    tpu.barrier barrier_id(%barrier3A)
    %mul3A_3 = arith.constant 16 : i32
    %mul3A_4 = arith.muli %arg0, %mul3A_3 : i32
    %add3A = arith.addi %mul3A_4, %arg1 : i32
    %scan3A = arith.constant 0 : i32
    %scan3A_5 = arith.constant 0 : i32
    %scan3A_6 = arith.constant 4 : i32
    %scan3A_7 = arith.addi %scan3A_5, %scan3A_6 : i32
    %scan3A_8 = arith.constant 1 : i32
    %scan3A_9 = scf.for %scan3A_16 = %scan3A_5 to %scan3A_7 step %scan3A_8 iter_args(%scan3A_17 = %scan3A) -> (i32)  : i32 {
      %mul3A_18 = arith.constant 4 : i32
      %mul3A_19 = arith.muli %add3A, %mul3A_18 : i32
      %add3A_20 = arith.addi %mul3A_19, %scan3A_16 : i32
      %mul3A_21 = arith.constant 20 : i32
      %mul3A_22 = arith.muli %add3A_20, %mul3A_21 : i32
      "tpu.region"() ({
        %run_scoped3A = tpu.sem_alloc : memref<!tpu.dma_semaphore, #tpu.memory_space<semaphore_mem>>
        %dma_start3A_56 = arith.constant 0 : i32
        %dma_start3A_57 = tpu.memref_slice %arg3[%mul3A_22, %dma_start3A_56] : memref<2560x128xi32, #tpu.memory_space<hbm>> -> memref<20x128xi32, #tpu.memory_space<hbm>>
        %dma_start3A_58 = arith.constant 0 : i32
        %dma_start3A_59 = tpu.memref_slice %arg3[%mul3A_22, %dma_start3A_58] : memref<2560x128xi32, #tpu.memory_space<hbm>> -> memref<20x128xi32, #tpu.memory_space<hbm>>
        tpu.enqueue_dma source(%dma_start3A_59 : memref<20x128xi32, #tpu.memory_space<hbm>>) target(%arg7 : memref<20x128xi32, #tpu.memory_space<vmem>>) target_semaphore(%run_scoped3A : memref<!tpu.dma_semaphore, #tpu.memory_space<semaphore_mem>>)
        %dma_wait3A = arith.constant 0 : i32
        %dma_wait3A_60 = tpu.memref_slice %arg3[%mul3A_22, %dma_wait3A] : memref<2560x128xi32, #tpu.memory_space<hbm>> -> memref<20x128xi32, #tpu.memory_space<hbm>>
        %dma_wait3A_61 = arith.constant 0 : i32
        %dma_wait3A_62 = tpu.memref_slice %arg3[%mul3A_22, %dma_wait3A_61] : memref<2560x128xi32, #tpu.memory_space<hbm>> -> memref<20x128xi32, #tpu.memory_space<hbm>>
        tpu.wait_dma2 semaphore(%run_scoped3A : memref<!tpu.dma_semaphore, #tpu.memory_space<semaphore_mem>>) src(%dma_wait3A_62 : memref<20x128xi32, #tpu.memory_space<hbm>>) dst(%arg7 : memref<20x128xi32, #tpu.memory_space<vmem>>)
        tpu.yield
      }) : () -> ()
      %mul3A_23 = arith.constant 20 : i32
      %mul3A_24 = arith.muli %add3A_20, %mul3A_23 : i32
      "tpu.region"() ({
        %run_scoped3A = tpu.sem_alloc : memref<!tpu.dma_semaphore, #tpu.memory_space<semaphore_mem>>
        %dma_start3A_56 = arith.constant 0 : i32
        %dma_start3A_57 = tpu.memref_slice %arg4[%mul3A_24, %dma_start3A_56] : memref<2560x128xi32, #tpu.memory_space<hbm>> -> memref<20x128xi32, #tpu.memory_space<hbm>>
        %dma_start3A_58 = arith.constant 0 : i32
        %dma_start3A_59 = tpu.memref_slice %arg4[%mul3A_24, %dma_start3A_58] : memref<2560x128xi32, #tpu.memory_space<hbm>> -> memref<20x128xi32, #tpu.memory_space<hbm>>
        tpu.enqueue_dma source(%dma_start3A_59 : memref<20x128xi32, #tpu.memory_space<hbm>>) target(%arg8 : memref<20x128xi32, #tpu.memory_space<vmem>>) target_semaphore(%run_scoped3A : memref<!tpu.dma_semaphore, #tpu.memory_space<semaphore_mem>>)
        %dma_wait3A = arith.constant 0 : i32
        %dma_wait3A_60 = tpu.memref_slice %arg4[%mul3A_24, %dma_wait3A] : memref<2560x128xi32, #tpu.memory_space<hbm>> -> memref<20x128xi32, #tpu.memory_space<hbm>>
        %dma_wait3A_61 = arith.constant 0 : i32
        %dma_wait3A_62 = tpu.memref_slice %arg4[%mul3A_24, %dma_wait3A_61] : memref<2560x128xi32, #tpu.memory_space<hbm>> -> memref<20x128xi32, #tpu.memory_space<hbm>>
        tpu.wait_dma2 semaphore(%run_scoped3A : memref<!tpu.dma_semaphore, #tpu.memory_space<semaphore_mem>>) src(%dma_wait3A_62 : memref<20x128xi32, #tpu.memory_space<hbm>>) dst(%arg8 : memref<20x128xi32, #tpu.memory_space<vmem>>)
        tpu.yield
      }) : () -> ()
      %dma_start3A = arith.constant 0 : i32
      %dma_start3A_25 = arith.constant 0 : i32
      %dma_start3A_26 = arith.constant 0 : i32
      %dma_start3A_27 = arith.constant 0 : i32
      %dma_start3A_28 = tpu.memref_slice %arg9[%dma_start3A_25, %dma_start3A_26, %dma_start3A_27] : memref<2x128x64xf32, #tpu.memory_space<vmem>> -> memref<1x128x64xf32, #tpu.memory_space<vmem>>
      %dma_start3A_29 = tpu.memref_squeeze %dma_start3A_28 : memref<1x128x64xf32, #tpu.memory_space<vmem>> -> memref<128x64xf32, #tpu.memory_space<vmem>>
      %dma_start3A_30 = arith.constant 0 : i32
      %dma_start3A_31 = tpu.memref_slice %arg7[%dma_start3A, %dma_start3A_30] : memref<20x128xi32, #tpu.memory_space<vmem>> -> memref<1x128xi32, #tpu.memory_space<vmem>>
      %dma_start3A_32 = tpu.memref_squeeze %dma_start3A_31 : memref<1x128xi32, #tpu.memory_space<vmem>> -> memref<128xi32, #tpu.memory_space<vmem>>
      %dma_start3A_33 = arith.constant 0 : i32
      %dma_start3A_34 = arith.constant 0 : i32
      %dma_start3A_35 = tpu.memref_slice %arg2[%dma_start3A_33, %dma_start3A_34] : memref<10240x64xf32, #tpu.memory_space<hbm>> -> memref<10240x64xf32, #tpu.memory_space<hbm>>
      tpu.enqueue_indirect_dma source(%dma_start3A_35 : memref<10240x64xf32, #tpu.memory_space<hbm>>) target(%dma_start3A_29 : memref<128x64xf32, #tpu.memory_space<vmem>>) offsets(%dma_start3A_32 : memref<128xi32, #tpu.memory_space<vmem>>) semaphore(%arg11 : memref<!tpu.dma_semaphore, #tpu.memory_space<semaphore_mem>>)
      %dma_start3A_36 = arith.constant 1 : i32
      %dma_start3A_37 = arith.constant 1 : i32
      %dma_start3A_38 = arith.constant 0 : i32
      %dma_start3A_39 = arith.constant 0 : i32
      %dma_start3A_40 = tpu.memref_slice %arg9[%dma_start3A_37, %dma_start3A_38, %dma_start3A_39] : memref<2x128x64xf32, #tpu.memory_space<vmem>> -> memref<1x128x64xf32, #tpu.memory_space<vmem>>
      %dma_start3A_41 = tpu.memref_squeeze %dma_start3A_40 : memref<1x128x64xf32, #tpu.memory_space<vmem>> -> memref<128x64xf32, #tpu.memory_space<vmem>>
      %dma_start3A_42 = arith.constant 0 : i32
      %dma_start3A_43 = tpu.memref_slice %arg7[%dma_start3A_36, %dma_start3A_42] : memref<20x128xi32, #tpu.memory_space<vmem>> -> memref<1x128xi32, #tpu.memory_space<vmem>>
      %dma_start3A_44 = tpu.memref_squeeze %dma_start3A_43 : memref<1x128xi32, #tpu.memory_space<vmem>> -> memref<128xi32, #tpu.memory_space<vmem>>
      %dma_start3A_45 = arith.constant 0 : i32
      %dma_start3A_46 = arith.constant 0 : i32
      %dma_start3A_47 = tpu.memref_slice %arg2[%dma_start3A_45, %dma_start3A_46] : memref<10240x64xf32, #tpu.memory_space<hbm>> -> memref<10240x64xf32, #tpu.memory_space<hbm>>
      tpu.enqueue_indirect_dma source(%dma_start3A_47 : memref<10240x64xf32, #tpu.memory_space<hbm>>) target(%dma_start3A_41 : memref<128x64xf32, #tpu.memory_space<vmem>>) offsets(%dma_start3A_44 : memref<128xi32, #tpu.memory_space<vmem>>) semaphore(%arg12 : memref<!tpu.dma_semaphore, #tpu.memory_space<semaphore_mem>>)
      %scan3A_48 = arith.constant 0 : i32
      %scan3A_49 = arith.constant 0 : i32
      %scan3A_50 = arith.constant 10 : i32
      %scan3A_51 = arith.addi %scan3A_49, %scan3A_50 : i32
      %scan3A_52 = arith.constant 1 : i32
      %scan3A_53 = scf.for %scan3A_56 = %scan3A_49 to %scan3A_51 step %scan3A_52 iter_args(%scan3A_57 = %scan3A_48) -> (i32)  : i32 {
        %mul3A_58 = arith.constant 2 : i32
        %mul3A_59 = arith.muli %mul3A_58, %scan3A_56 : i32
        %add3A_60 = arith.constant 0 : i32
        %add3A_61 = arith.addi %mul3A_59, %add3A_60 : i32
        %dma_wait3A = arith.constant 0 : i32
        %dma_wait3A_62 = arith.constant 0 : i32
        %dma_wait3A_63 = arith.constant 0 : i32
        %dma_wait3A_64 = tpu.memref_slice %arg9[%dma_wait3A, %dma_wait3A_62, %dma_wait3A_63] : memref<2x128x64xf32, #tpu.memory_space<vmem>> -> memref<1x128x64xf32, #tpu.memory_space<vmem>>
        %dma_wait3A_65 = tpu.memref_squeeze %dma_wait3A_64 : memref<1x128x64xf32, #tpu.memory_space<vmem>> -> memref<128x64xf32, #tpu.memory_space<vmem>>
        %dma_wait3A_66 = arith.constant 0 : i32
        %dma_wait3A_67 = tpu.memref_slice %arg7[%add3A_61, %dma_wait3A_66] : memref<20x128xi32, #tpu.memory_space<vmem>> -> memref<1x128xi32, #tpu.memory_space<vmem>>
        %dma_wait3A_68 = tpu.memref_squeeze %dma_wait3A_67 : memref<1x128xi32, #tpu.memory_space<vmem>> -> memref<128xi32, #tpu.memory_space<vmem>>
        %dma_wait3A_69 = arith.constant 0 : i32
        %dma_wait3A_70 = arith.constant 0 : i32
        %dma_wait3A_71 = tpu.memref_slice %arg2[%dma_wait3A_69, %dma_wait3A_70] : memref<10240x64xf32, #tpu.memory_space<hbm>> -> memref<10240x64xf32, #tpu.memory_space<hbm>>
        tpu.wait_indirect_dma semaphore(%arg11 : memref<!tpu.dma_semaphore, #tpu.memory_space<semaphore_mem>>) src(%dma_wait3A_71 : memref<10240x64xf32, #tpu.memory_space<hbm>>) dst(%dma_wait3A_65 : memref<128x64xf32, #tpu.memory_space<vmem>>)
        %run_scoped3A = arith.constant 0 : i32
        "tpu.region"() ({
          %run_scoped3A_100 = tpu.sem_alloc : memref<!tpu.dma_semaphore, #tpu.memory_space<semaphore_mem>>
          %dma_start3A_101 = arith.constant 0 : i32
          %dma_start3A_102 = arith.constant 0 : i32
          %dma_start3A_103 = tpu.memref_slice %arg9[%run_scoped3A, %dma_start3A_101, %dma_start3A_102] : memref<2x128x64xf32, #tpu.memory_space<vmem>> -> memref<1x128x64xf32, #tpu.memory_space<vmem>>
          %dma_start3A_104 = tpu.memref_squeeze %dma_start3A_103 : memref<1x128x64xf32, #tpu.memory_space<vmem>> -> memref<128x64xf32, #tpu.memory_space<vmem>>
          %dma_start3A_105 = arith.constant 0 : i32
          %dma_start3A_106 = tpu.memref_slice %arg8[%add3A_61, %dma_start3A_105] : memref<20x128xi32, #tpu.memory_space<vmem>> -> memref<1x128xi32, #tpu.memory_space<vmem>>
          %dma_start3A_107 = tpu.memref_squeeze %dma_start3A_106 : memref<1x128xi32, #tpu.memory_space<vmem>> -> memref<128xi32, #tpu.memory_space<vmem>>
          %dma_start3A_108 = arith.constant 0 : i32
          %dma_start3A_109 = arith.constant 0 : i32
          %dma_start3A_110 = tpu.memref_slice %arg10[%dma_start3A_108, %dma_start3A_109] : memref<10240x64xf32, #tpu.memory_space<vmem_shared>> -> memref<10240x64xf32, #tpu.memory_space<vmem_shared>>
          tpu.enqueue_indirect_dma source(%dma_start3A_104 : memref<128x64xf32, #tpu.memory_space<vmem>>) target(%dma_start3A_110 : memref<10240x64xf32, #tpu.memory_space<vmem_shared>>) offsets(%dma_start3A_107 : memref<128xi32, #tpu.memory_space<vmem>>) semaphore(%run_scoped3A_100 : memref<!tpu.dma_semaphore, #tpu.memory_space<semaphore_mem>>) {add = true}
          %dma_wait3A_111 = arith.constant 0 : i32
          %dma_wait3A_112 = arith.constant 0 : i32
          %dma_wait3A_113 = tpu.memref_slice %arg9[%run_scoped3A, %dma_wait3A_111, %dma_wait3A_112] : memref<2x128x64xf32, #tpu.memory_space<vmem>> -> memref<1x128x64xf32, #tpu.memory_space<vmem>>
          %dma_wait3A_114 = tpu.memref_squeeze %dma_wait3A_113 : memref<1x128x64xf32, #tpu.memory_space<vmem>> -> memref<128x64xf32, #tpu.memory_space<vmem>>
          %dma_wait3A_115 = arith.constant 0 : i32
          %dma_wait3A_116 = tpu.memref_slice %arg8[%add3A_61, %dma_wait3A_115] : memref<20x128xi32, #tpu.memory_space<vmem>> -> memref<1x128xi32, #tpu.memory_space<vmem>>
          %dma_wait3A_117 = tpu.memref_squeeze %dma_wait3A_116 : memref<1x128xi32, #tpu.memory_space<vmem>> -> memref<128xi32, #tpu.memory_space<vmem>>
          %dma_wait3A_118 = arith.constant 0 : i32
          %dma_wait3A_119 = arith.constant 0 : i32
          %dma_wait3A_120 = tpu.memref_slice %arg10[%dma_wait3A_118, %dma_wait3A_119] : memref<10240x64xf32, #tpu.memory_space<vmem_shared>> -> memref<10240x64xf32, #tpu.memory_space<vmem_shared>>
          tpu.wait_indirect_dma semaphore(%run_scoped3A_100 : memref<!tpu.dma_semaphore, #tpu.memory_space<semaphore_mem>>) src(%dma_wait3A_114 : memref<128x64xf32, #tpu.memory_space<vmem>>) dst(%dma_wait3A_120 : memref<10240x64xf32, #tpu.memory_space<vmem_shared>>)
          tpu.yield
        }) : () -> ()
        %add3A_72 = arith.constant 2 : i32
        %add3A_73 = arith.addi %add3A_61, %add3A_72 : i32
        %lt3A = arith.constant 20 : i32
        %lt3A_74 = arith.cmpi slt, %add3A_73, %lt3A : i32
        %convert_element_type3A = arith.extui %lt3A_74 : i1 to i32
        %cond3A = arith.constant 0 : i32
        %cond3A_75 = arith.cmpi ne, %convert_element_type3A, %cond3A : i32
        scf.if %cond3A_75 {
          %add3A_100 = arith.constant 2 : i32
          %add3A_101 = arith.addi %add3A_61, %add3A_100 : i32
          %dma_start3A_102 = arith.constant 0 : i32
          %dma_start3A_103 = arith.constant 0 : i32
          %dma_start3A_104 = arith.constant 0 : i32
          %dma_start3A_105 = tpu.memref_slice %arg9[%dma_start3A_102, %dma_start3A_103, %dma_start3A_104] : memref<2x128x64xf32, #tpu.memory_space<vmem>> -> memref<1x128x64xf32, #tpu.memory_space<vmem>>
          %dma_start3A_106 = tpu.memref_squeeze %dma_start3A_105 : memref<1x128x64xf32, #tpu.memory_space<vmem>> -> memref<128x64xf32, #tpu.memory_space<vmem>>
          %dma_start3A_107 = arith.constant 0 : i32
          %dma_start3A_108 = tpu.memref_slice %arg7[%add3A_101, %dma_start3A_107] : memref<20x128xi32, #tpu.memory_space<vmem>> -> memref<1x128xi32, #tpu.memory_space<vmem>>
          %dma_start3A_109 = tpu.memref_squeeze %dma_start3A_108 : memref<1x128xi32, #tpu.memory_space<vmem>> -> memref<128xi32, #tpu.memory_space<vmem>>
          %dma_start3A_110 = arith.constant 0 : i32
          %dma_start3A_111 = arith.constant 0 : i32
          %dma_start3A_112 = tpu.memref_slice %arg2[%dma_start3A_110, %dma_start3A_111] : memref<10240x64xf32, #tpu.memory_space<hbm>> -> memref<10240x64xf32, #tpu.memory_space<hbm>>
          tpu.enqueue_indirect_dma source(%dma_start3A_112 : memref<10240x64xf32, #tpu.memory_space<hbm>>) target(%dma_start3A_106 : memref<128x64xf32, #tpu.memory_space<vmem>>) offsets(%dma_start3A_109 : memref<128xi32, #tpu.memory_space<vmem>>) semaphore(%arg11 : memref<!tpu.dma_semaphore, #tpu.memory_space<semaphore_mem>>)
        } else {
        }
        %mul3A_76 = arith.constant 2 : i32
        %mul3A_77 = arith.muli %mul3A_76, %scan3A_56 : i32
        %add3A_78 = arith.constant 1 : i32
        %add3A_79 = arith.addi %mul3A_77, %add3A_78 : i32
        %dma_wait3A_80 = arith.constant 1 : i32
        %dma_wait3A_81 = arith.constant 0 : i32
        %dma_wait3A_82 = arith.constant 0 : i32
        %dma_wait3A_83 = tpu.memref_slice %arg9[%dma_wait3A_80, %dma_wait3A_81, %dma_wait3A_82] : memref<2x128x64xf32, #tpu.memory_space<vmem>> -> memref<1x128x64xf32, #tpu.memory_space<vmem>>
        %dma_wait3A_84 = tpu.memref_squeeze %dma_wait3A_83 : memref<1x128x64xf32, #tpu.memory_space<vmem>> -> memref<128x64xf32, #tpu.memory_space<vmem>>
        %dma_wait3A_85 = arith.constant 0 : i32
        %dma_wait3A_86 = tpu.memref_slice %arg7[%add3A_79, %dma_wait3A_85] : memref<20x128xi32, #tpu.memory_space<vmem>> -> memref<1x128xi32, #tpu.memory_space<vmem>>
        %dma_wait3A_87 = tpu.memref_squeeze %dma_wait3A_86 : memref<1x128xi32, #tpu.memory_space<vmem>> -> memref<128xi32, #tpu.memory_space<vmem>>
        %dma_wait3A_88 = arith.constant 0 : i32
        %dma_wait3A_89 = arith.constant 0 : i32
        %dma_wait3A_90 = tpu.memref_slice %arg2[%dma_wait3A_88, %dma_wait3A_89] : memref<10240x64xf32, #tpu.memory_space<hbm>> -> memref<10240x64xf32, #tpu.memory_space<hbm>>
        tpu.wait_indirect_dma semaphore(%arg12 : memref<!tpu.dma_semaphore, #tpu.memory_space<semaphore_mem>>) src(%dma_wait3A_90 : memref<10240x64xf32, #tpu.memory_space<hbm>>) dst(%dma_wait3A_84 : memref<128x64xf32, #tpu.memory_space<vmem>>)
        %run_scoped3A_91 = arith.constant 1 : i32
        "tpu.region"() ({
          %run_scoped3A_100 = tpu.sem_alloc : memref<!tpu.dma_semaphore, #tpu.memory_space<semaphore_mem>>
          %dma_start3A_101 = arith.constant 0 : i32
          %dma_start3A_102 = arith.constant 0 : i32
          %dma_start3A_103 = tpu.memref_slice %arg9[%run_scoped3A_91, %dma_start3A_101, %dma_start3A_102] : memref<2x128x64xf32, #tpu.memory_space<vmem>> -> memref<1x128x64xf32, #tpu.memory_space<vmem>>
          %dma_start3A_104 = tpu.memref_squeeze %dma_start3A_103 : memref<1x128x64xf32, #tpu.memory_space<vmem>> -> memref<128x64xf32, #tpu.memory_space<vmem>>
          %dma_start3A_105 = arith.constant 0 : i32
          %dma_start3A_106 = tpu.memref_slice %arg8[%add3A_79, %dma_start3A_105] : memref<20x128xi32, #tpu.memory_space<vmem>> -> memref<1x128xi32, #tpu.memory_space<vmem>>
          %dma_start3A_107 = tpu.memref_squeeze %dma_start3A_106 : memref<1x128xi32, #tpu.memory_space<vmem>> -> memref<128xi32, #tpu.memory_space<vmem>>
          %dma_start3A_108 = arith.constant 0 : i32
          %dma_start3A_109 = arith.constant 0 : i32
          %dma_start3A_110 = tpu.memref_slice %arg10[%dma_start3A_108, %dma_start3A_109] : memref<10240x64xf32, #tpu.memory_space<vmem_shared>> -> memref<10240x64xf32, #tpu.memory_space<vmem_shared>>
          tpu.enqueue_indirect_dma source(%dma_start3A_104 : memref<128x64xf32, #tpu.memory_space<vmem>>) target(%dma_start3A_110 : memref<10240x64xf32, #tpu.memory_space<vmem_shared>>) offsets(%dma_start3A_107 : memref<128xi32, #tpu.memory_space<vmem>>) semaphore(%run_scoped3A_100 : memref<!tpu.dma_semaphore, #tpu.memory_space<semaphore_mem>>) {add = true}
          %dma_wait3A_111 = arith.constant 0 : i32
          %dma_wait3A_112 = arith.constant 0 : i32
          %dma_wait3A_113 = tpu.memref_slice %arg9[%run_scoped3A_91, %dma_wait3A_111, %dma_wait3A_112] : memref<2x128x64xf32, #tpu.memory_space<vmem>> -> memref<1x128x64xf32, #tpu.memory_space<vmem>>
          %dma_wait3A_114 = tpu.memref_squeeze %dma_wait3A_113 : memref<1x128x64xf32, #tpu.memory_space<vmem>> -> memref<128x64xf32, #tpu.memory_space<vmem>>
          %dma_wait3A_115 = arith.constant 0 : i32
          %dma_wait3A_116 = tpu.memref_slice %arg8[%add3A_79, %dma_wait3A_115] : memref<20x128xi32, #tpu.memory_space<vmem>> -> memref<1x128xi32, #tpu.memory_space<vmem>>
          %dma_wait3A_117 = tpu.memref_squeeze %dma_wait3A_116 : memref<1x128xi32, #tpu.memory_space<vmem>> -> memref<128xi32, #tpu.memory_space<vmem>>
          %dma_wait3A_118 = arith.constant 0 : i32
          %dma_wait3A_119 = arith.constant 0 : i32
          %dma_wait3A_120 = tpu.memref_slice %arg10[%dma_wait3A_118, %dma_wait3A_119] : memref<10240x64xf32, #tpu.memory_space<vmem_shared>> -> memref<10240x64xf32, #tpu.memory_space<vmem_shared>>
          tpu.wait_indirect_dma semaphore(%run_scoped3A_100 : memref<!tpu.dma_semaphore, #tpu.memory_space<semaphore_mem>>) src(%dma_wait3A_114 : memref<128x64xf32, #tpu.memory_space<vmem>>) dst(%dma_wait3A_120 : memref<10240x64xf32, #tpu.memory_space<vmem_shared>>)
          tpu.yield
        }) : () -> ()
        %add3A_92 = arith.constant 2 : i32
        %add3A_93 = arith.addi %add3A_79, %add3A_92 : i32
        %lt3A_94 = arith.constant 20 : i32
        %lt3A_95 = arith.cmpi slt, %add3A_93, %lt3A_94 : i32
        %convert_element_type3A_96 = arith.extui %lt3A_95 : i1 to i32
        %cond3A_97 = arith.constant 0 : i32
        %cond3A_98 = arith.cmpi ne, %convert_element_type3A_96, %cond3A_97 : i32
        scf.if %cond3A_98 {
          %add3A_100 = arith.constant 2 : i32
          %add3A_101 = arith.addi %add3A_79, %add3A_100 : i32
          %dma_start3A_102 = arith.constant 1 : i32
          %dma_start3A_103 = arith.constant 0 : i32
          %dma_start3A_104 = arith.constant 0 : i32
          %dma_start3A_105 = tpu.memref_slice %arg9[%dma_start3A_102, %dma_start3A_103, %dma_start3A_104] : memref<2x128x64xf32, #tpu.memory_space<vmem>> -> memref<1x128x64xf32, #tpu.memory_space<vmem>>
          %dma_start3A_106 = tpu.memref_squeeze %dma_start3A_105 : memref<1x128x64xf32, #tpu.memory_space<vmem>> -> memref<128x64xf32, #tpu.memory_space<vmem>>
          %dma_start3A_107 = arith.constant 0 : i32
          %dma_start3A_108 = tpu.memref_slice %arg7[%add3A_101, %dma_start3A_107] : memref<20x128xi32, #tpu.memory_space<vmem>> -> memref<1x128xi32, #tpu.memory_space<vmem>>
          %dma_start3A_109 = tpu.memref_squeeze %dma_start3A_108 : memref<1x128xi32, #tpu.memory_space<vmem>> -> memref<128xi32, #tpu.memory_space<vmem>>
          %dma_start3A_110 = arith.constant 0 : i32
          %dma_start3A_111 = arith.constant 0 : i32
          %dma_start3A_112 = tpu.memref_slice %arg2[%dma_start3A_110, %dma_start3A_111] : memref<10240x64xf32, #tpu.memory_space<hbm>> -> memref<10240x64xf32, #tpu.memory_space<hbm>>
          tpu.enqueue_indirect_dma source(%dma_start3A_112 : memref<10240x64xf32, #tpu.memory_space<hbm>>) target(%dma_start3A_106 : memref<128x64xf32, #tpu.memory_space<vmem>>) offsets(%dma_start3A_109 : memref<128xi32, #tpu.memory_space<vmem>>) semaphore(%arg12 : memref<!tpu.dma_semaphore, #tpu.memory_space<semaphore_mem>>)
        } else {
        }
        %scan3A_99 = arith.constant 0 : i32
        scf.yield %scan3A_99 : i32
      }
      %scan3A_54 = arith.constant 10 : i32
      %scan3A_55 = arith.constant 0 : i32
      scf.yield %scan3A_55 : i32
    }
    %scan3A_10 = arith.constant 4 : i32
    %barrier3A_11 = arith.constant 0 : index
    tpu.barrier barrier_id(%barrier3A_11)
    %mul3A_12 = arith.constant 640 : i32
    %mul3A_13 = arith.muli %arg1, %mul3A_12 : i32
    %mul3A_14 = arith.constant 640 : i32
    %mul3A_15 = arith.muli %arg1, %mul3A_14 : i32
    "tpu.region"() ({
      %run_scoped3A = tpu.sem_alloc : memref<!tpu.dma_semaphore, #tpu.memory_space<semaphore_mem>>
      %dma_start3A = arith.constant 0 : i32
      %dma_start3A_16 = tpu.memref_slice %arg6[%arg0, %mul3A_15, %dma_start3A] : memref<2x10240x64xf32, #tpu.memory_space<hbm>> -> memref<1x640x64xf32, #tpu.memory_space<hbm>>
      %dma_start3A_17 = tpu.memref_squeeze %dma_start3A_16 : memref<1x640x64xf32, #tpu.memory_space<hbm>> -> memref<640x64xf32, #tpu.memory_space<hbm>>
      %dma_start3A_18 = arith.constant 0 : i32
      %dma_start3A_19 = tpu.memref_slice %arg10[%mul3A_13, %dma_start3A_18] : memref<10240x64xf32, #tpu.memory_space<vmem_shared>> -> memref<640x64xf32, #tpu.memory_space<vmem_shared>>
      tpu.enqueue_dma source(%dma_start3A_19 : memref<640x64xf32, #tpu.memory_space<vmem_shared>>) target(%dma_start3A_17 : memref<640x64xf32, #tpu.memory_space<hbm>>) target_semaphore(%run_scoped3A : memref<!tpu.dma_semaphore, #tpu.memory_space<semaphore_mem>>)
      %dma_wait3A = arith.constant 0 : i32
      %dma_wait3A_20 = tpu.memref_slice %arg6[%arg0, %mul3A_15, %dma_wait3A] : memref<2x10240x64xf32, #tpu.memory_space<hbm>> -> memref<1x640x64xf32, #tpu.memory_space<hbm>>
      %dma_wait3A_21 = tpu.memref_squeeze %dma_wait3A_20 : memref<1x640x64xf32, #tpu.memory_space<hbm>> -> memref<640x64xf32, #tpu.memory_space<hbm>>
      %dma_wait3A_22 = arith.constant 0 : i32
      %dma_wait3A_23 = tpu.memref_slice %arg10[%mul3A_13, %dma_wait3A_22] : memref<10240x64xf32, #tpu.memory_space<vmem_shared>> -> memref<640x64xf32, #tpu.memory_space<vmem_shared>>
      tpu.wait_dma2 semaphore(%run_scoped3A : memref<!tpu.dma_semaphore, #tpu.memory_space<semaphore_mem>>) src(%dma_wait3A_23 : memref<640x64xf32, #tpu.memory_space<vmem_shared>>) dst(%dma_wait3A_21 : memref<640x64xf32, #tpu.memory_space<hbm>>)
      tpu.yield
    }) : () -> ()
    return
  }
}

module attributes {stable_mosaic.version = 14 : i64} {
  func.func @_layer1_body(%arg0: i32, %arg1: memref<512x128xf32, #tpu.memory_space<vmem>>, %arg2: memref<128x128xf32, #tpu.memory_space<vmem>>, %arg3: memref<2x512x32xf32, #tpu.memory_space<vmem>>, %arg4: memref<512x128xf32, #tpu.memory_space<vmem>>) attributes {dimension_semantics = [#tpu.dimension_semantics<arbitrary>], iteration_bounds = array<i64: 20>, scalar_prefetch = 0 : i64, scratch_operands = 0 : i64, tpu.core_type = #tpu.core_type<tc>, window_params = [{transform_indices = @transform_0, window_bounds = array<i64: 512, 128>}, {pipeline_mode = #tpu.pipeline_mode<synchronous>, transform_indices = @transform_1, window_bounds = array<i64: 128, 128>}, {transform_indices = @transform_2, window_bounds = array<i64: 2, 512, 32>}, {transform_indices = @transform_3, window_bounds = array<i64: 512, 128>}]} {
    %get3A = arith.constant 0 : index
    %get3A_0 = arith.constant 0 : index
    %get3A_1 = arith.constant 0 : index
    %get3A_2 = vector.load %arg3[%get3A, %get3A_0, %get3A_1] : memref<2x512x32xf32, #tpu.memory_space<vmem>>, vector<2x512x32xf32>
    %slice3A = vector.extract_strided_slice %get3A_2 {offsets = [0, 0, 0], sizes = [1, 512, 1], strides = [1, 1, 1]} : vector<2x512x32xf32> to vector<1x512x1xf32>
    %squeeze3A = vector.shape_cast %slice3A : vector<1x512x1xf32> to vector<512xf32>
    %add3A = arith.constant 1.000000e+00 : f32
    %add3A_3 = vector.broadcast %add3A : f32 to vector<512xf32>
    %add3A_4 = arith.addf %add3A_3, %squeeze3A : vector<512xf32>
    %slice3A_5 = vector.extract_strided_slice %get3A_2 {offsets = [1, 0, 0], sizes = [1, 512, 1], strides = [1, 1, 1]} : vector<2x512x32xf32> to vector<1x512x1xf32>
    %squeeze3A_6 = vector.shape_cast %slice3A_5 : vector<1x512x1xf32> to vector<512xf32>
    %add3A_7 = arith.addf %add3A_4, %squeeze3A_6 : vector<512xf32>
    %rsqrt3A = math.rsqrt %add3A_7 : vector<512xf32>
    %get3A_8 = arith.constant 0 : index
    %get3A_9 = arith.constant 0 : index
    %get3A_10 = vector.load %arg1[%get3A_8, %get3A_9] : memref<512x128xf32, #tpu.memory_space<vmem>>, vector<512x128xf32>
    %get3A_11 = arith.constant 0 : index
    %get3A_12 = arith.constant 0 : index
    %get3A_13 = vector.load %arg2[%get3A_11, %get3A_12] : memref<128x128xf32, #tpu.memory_space<vmem>>, vector<128x128xf32>
    %dot_general3A = arith.constant dense<0.000000e+00> : vector<512x128xf32>
    %dot_general3A_14 = tpu.matmul %get3A_10, %get3A_13, %dot_general3A {dimension_numbers = #tpu.dot_dimension_numbers<[1], [0], [0], [1], [0, 0, 1, 1], [], []>, transpose_lhs_hint = false} : vector<512x128xf32>, vector<128x128xf32>, vector<512x128xf32> -> vector<512x128xf32>
    %broadcast_in_dim3A = vector.shape_cast %rsqrt3A : vector<512xf32> to vector<512x1xf32>
    %mul3A = vector.broadcast %broadcast_in_dim3A : vector<512x1xf32> to vector<512x128xf32>
    %mul3A_15 = arith.mulf %mul3A, %dot_general3A_14 : vector<512x128xf32>
    %swap3A = arith.constant 0 : index
    %swap3A_16 = arith.constant 0 : index
    %swap3A_17 = vector.load %arg4[%swap3A, %swap3A_16] : memref<512x128xf32, #tpu.memory_space<vmem>>, vector<512x128xf32>
    tpu.vector_store %arg4[%swap3A, %swap3A_16], %mul3A_15 {strides = array<i32>} : memref<512x128xf32, #tpu.memory_space<vmem>>, vector<512x128xf32>,
    return
  }
  func.func @transform_0(%arg0: i32) -> (i32, i32) {
    %c0_i32 = arith.constant 0 : i32
    %c0_i32_0 = arith.constant 0 : i32
    return %arg0, %c0_i32 : i32, i32
  }
  func.func @transform_1(%arg0: i32) -> (i32, i32) {
    %c0_i32 = arith.constant 0 : i32
    %c0_i32_0 = arith.constant 0 : i32
    %c0_i32_1 = arith.constant 0 : i32
    return %c0_i32, %c0_i32_0 : i32, i32
  }
  func.func @transform_2(%arg0: i32) -> (i32, i32, i32) {
    %c0_i32 = arith.constant 0 : i32
    %c0_i32_0 = arith.constant 0 : i32
    %c0_i32_1 = arith.constant 0 : i32
    return %c0_i32, %arg0, %c0_i32_0 : i32, i32, i32
  }
  func.func @transform_3(%arg0: i32) -> (i32, i32) {
    %c0_i32 = arith.constant 0 : i32
    %c0_i32_0 = arith.constant 0 : i32
    return %arg0, %c0_i32 : i32, i32
  }
}

module attributes {stable_mosaic.version = 14 : i64} {
  func.func @_layer_body(%arg0: i32, %arg1: memref<2x512x128xf32, #tpu.memory_space<vmem>>, %arg2: memref<512x128xf32, #tpu.memory_space<vmem>>, %arg3: memref<2x512x32xf32, #tpu.memory_space<vmem>>, %arg4: memref<1x128xf32, #tpu.memory_space<vmem>>, %arg5: memref<128x64xf32, #tpu.memory_space<vmem>>, %arg6: memref<512x64xf32, #tpu.memory_space<vmem>>) attributes {dimension_semantics = [#tpu.dimension_semantics<arbitrary>], iteration_bounds = array<i64: 20>, scalar_prefetch = 0 : i64, scratch_operands = 0 : i64, tpu.core_type = #tpu.core_type<tc>, window_params = [{transform_indices = @transform_0, window_bounds = array<i64: 2, 512, 128>}, {transform_indices = @transform_1, window_bounds = array<i64: 512, 128>}, {transform_indices = @transform_2, window_bounds = array<i64: 2, 512, 32>}, {pipeline_mode = #tpu.pipeline_mode<synchronous>, transform_indices = @transform_3, window_bounds = array<i64: 1, 128>}, {pipeline_mode = #tpu.pipeline_mode<synchronous>, transform_indices = @transform_4, window_bounds = array<i64: 128, 64>}, {transform_indices = @transform_5, window_bounds = array<i64: 512, 64>}]} {
    %get3A = arith.constant 0 : index
    %get3A_0 = arith.constant 0 : index
    %get3A_1 = arith.constant 0 : index
    %get3A_2 = vector.load %arg3[%get3A, %get3A_0, %get3A_1] : memref<2x512x32xf32, #tpu.memory_space<vmem>>, vector<2x512x32xf32>
    %slice3A = vector.extract_strided_slice %get3A_2 {offsets = [0, 0, 0], sizes = [1, 512, 1], strides = [1, 1, 1]} : vector<2x512x32xf32> to vector<1x512x1xf32>
    %squeeze3A = vector.shape_cast %slice3A : vector<1x512x1xf32> to vector<512xf32>
    %add3A = arith.constant 1.000000e+00 : f32
    %add3A_3 = vector.broadcast %add3A : f32 to vector<512xf32>
    %add3A_4 = arith.addf %add3A_3, %squeeze3A : vector<512xf32>
    %slice3A_5 = vector.extract_strided_slice %get3A_2 {offsets = [1, 0, 0], sizes = [1, 512, 1], strides = [1, 1, 1]} : vector<2x512x32xf32> to vector<1x512x1xf32>
    %squeeze3A_6 = vector.shape_cast %slice3A_5 : vector<1x512x1xf32> to vector<512xf32>
    %add3A_7 = arith.addf %add3A_4, %squeeze3A_6 : vector<512xf32>
    %rsqrt3A = math.rsqrt %add3A_7 : vector<512xf32>
    %get3A_8 = arith.constant 0 : index
    %get3A_9 = arith.constant 0 : index
    %get3A_10 = arith.constant 0 : index
    %get3A_11 = vector.load %arg1[%get3A_8, %get3A_9, %get3A_10] : memref<2x512x128xf32, #tpu.memory_space<vmem>>, vector<1x512x128xf32>
    %get3A_12 = vector.shape_cast %get3A_11 : vector<1x512x128xf32> to vector<512x128xf32>
    %get3A_13 = arith.constant 1 : index
    %get3A_14 = arith.constant 0 : index
    %get3A_15 = arith.constant 0 : index
    %get3A_16 = vector.load %arg1[%get3A_13, %get3A_14, %get3A_15] : memref<2x512x128xf32, #tpu.memory_space<vmem>>, vector<1x512x128xf32>
    %get3A_17 = vector.shape_cast %get3A_16 : vector<1x512x128xf32> to vector<512x128xf32>
    %add3A_18 = arith.addf %get3A_12, %get3A_17 : vector<512x128xf32>
    %get3A_19 = arith.constant 0 : index
    %get3A_20 = arith.constant 0 : index
    %get3A_21 = vector.load %arg2[%get3A_19, %get3A_20] : memref<512x128xf32, #tpu.memory_space<vmem>>, vector<512x128xf32>
    %add3A_22 = arith.addf %add3A_18, %get3A_21 : vector<512x128xf32>
    %broadcast_in_dim3A = vector.shape_cast %rsqrt3A : vector<512xf32> to vector<512x1xf32>
    %mul3A = vector.broadcast %broadcast_in_dim3A : vector<512x1xf32> to vector<512x128xf32>
    %mul3A_23 = arith.mulf %mul3A, %add3A_22 : vector<512x128xf32>
    %get3A_24 = arith.constant 0 : index
    %get3A_25 = arith.constant 0 : index
    %get3A_26 = vector.load %arg4[%get3A_24, %get3A_25] : memref<1x128xf32, #tpu.memory_space<vmem>>, vector<1x128xf32>
    %add3A_27 = vector.broadcast %get3A_26 : vector<1x128xf32> to vector<512x128xf32>
    %add3A_28 = arith.addf %mul3A_23, %add3A_27 : vector<512x128xf32>
    %max3A = arith.constant 0.000000e+00 : f32
    %max3A_29 = vector.broadcast %max3A : f32 to vector<512x128xf32>
    %max3A_30 = arith.maximumf %add3A_28, %max3A_29 : vector<512x128xf32>
    %get3A_31 = arith.constant 0 : index
    %get3A_32 = arith.constant 0 : index
    %get3A_33 = vector.load %arg5[%get3A_31, %get3A_32] : memref<128x64xf32, #tpu.memory_space<vmem>>, vector<128x64xf32>
    %dot_general3A = arith.constant dense<0.000000e+00> : vector<512x64xf32>
    %dot_general3A_34 = tpu.matmul %max3A_30, %get3A_33, %dot_general3A {dimension_numbers = #tpu.dot_dimension_numbers<[1], [0], [0], [1], [0, 0, 1, 1], [], []>, transpose_lhs_hint = false} : vector<512x128xf32>, vector<128x64xf32>, vector<512x64xf32> -> vector<512x64xf32>
    %broadcast_in_dim3A_35 = vector.shape_cast %rsqrt3A : vector<512xf32> to vector<512x1xf32>
    %mul3A_36 = vector.broadcast %broadcast_in_dim3A_35 : vector<512x1xf32> to vector<512x64xf32>
    %mul3A_37 = arith.mulf %mul3A_36, %dot_general3A_34 : vector<512x64xf32>
    %swap3A = arith.constant 0 : index
    %swap3A_38 = arith.constant 0 : index
    %swap3A_39 = vector.load %arg6[%swap3A, %swap3A_38] : memref<512x64xf32, #tpu.memory_space<vmem>>, vector<512x64xf32>
    tpu.vector_store %arg6[%swap3A, %swap3A_38], %mul3A_37 {strides = array<i32>} : memref<512x64xf32, #tpu.memory_space<vmem>>, vector<512x64xf32>,
    return
  }
  func.func @transform_0(%arg0: i32) -> (i32, i32, i32) {
    %c0_i32 = arith.constant 0 : i32
    %c0_i32_0 = arith.constant 0 : i32
    %c0_i32_1 = arith.constant 0 : i32
    return %c0_i32, %arg0, %c0_i32_0 : i32, i32, i32
  }
  func.func @transform_1(%arg0: i32) -> (i32, i32) {
    %c0_i32 = arith.constant 0 : i32
    %c0_i32_0 = arith.constant 0 : i32
    return %arg0, %c0_i32 : i32, i32
  }
  func.func @transform_2(%arg0: i32) -> (i32, i32, i32) {
    %c0_i32 = arith.constant 0 : i32
    %c0_i32_0 = arith.constant 0 : i32
    %c0_i32_1 = arith.constant 0 : i32
    return %c0_i32, %arg0, %c0_i32_0 : i32, i32, i32
  }
  func.func @transform_3(%arg0: i32) -> (i32, i32) {
    %c0_i32 = arith.constant 0 : i32
    %c0_i32_0 = arith.constant 0 : i32
    %c0_i32_1 = arith.constant 0 : i32
    return %c0_i32, %c0_i32_0 : i32, i32
  }
  func.func @transform_4(%arg0: i32) -> (i32, i32) {
    %c0_i32 = arith.constant 0 : i32
    %c0_i32_0 = arith.constant 0 : i32
    %c0_i32_1 = arith.constant 0 : i32
    return %c0_i32, %c0_i32_0 : i32, i32
  }
  func.func @transform_5(%arg0: i32) -> (i32, i32) {
    %c0_i32 = arith.constant 0 : i32
    %c0_i32_0 = arith.constant 0 : i32
    return %arg0, %c0_i32 : i32, i32
  }
}

module attributes {stable_mosaic.version = 14 : i64} {
  func.func @_layer_body(%arg0: i32, %arg1: memref<2x512x64xf32, #tpu.memory_space<vmem>>, %arg2: memref<512x64xf32, #tpu.memory_space<vmem>>, %arg3: memref<2x512x32xf32, #tpu.memory_space<vmem>>, %arg4: memref<1x64xf32, #tpu.memory_space<vmem>>, %arg5: memref<64x32xf32, #tpu.memory_space<vmem>>, %arg6: memref<512x32xf32, #tpu.memory_space<vmem>>) attributes {dimension_semantics = [#tpu.dimension_semantics<arbitrary>], iteration_bounds = array<i64: 20>, scalar_prefetch = 0 : i64, scratch_operands = 0 : i64, tpu.core_type = #tpu.core_type<tc>, window_params = [{transform_indices = @transform_0, window_bounds = array<i64: 2, 512, 64>}, {transform_indices = @transform_1, window_bounds = array<i64: 512, 64>}, {transform_indices = @transform_2, window_bounds = array<i64: 2, 512, 32>}, {pipeline_mode = #tpu.pipeline_mode<synchronous>, transform_indices = @transform_3, window_bounds = array<i64: 1, 64>}, {pipeline_mode = #tpu.pipeline_mode<synchronous>, transform_indices = @transform_4, window_bounds = array<i64: 64, 32>}, {transform_indices = @transform_5, window_bounds = array<i64: 512, 32>}]} {
    %get3A = arith.constant 0 : index
    %get3A_0 = arith.constant 0 : index
    %get3A_1 = arith.constant 0 : index
    %get3A_2 = vector.load %arg3[%get3A, %get3A_0, %get3A_1] : memref<2x512x32xf32, #tpu.memory_space<vmem>>, vector<2x512x32xf32>
    %slice3A = vector.extract_strided_slice %get3A_2 {offsets = [0, 0, 0], sizes = [1, 512, 1], strides = [1, 1, 1]} : vector<2x512x32xf32> to vector<1x512x1xf32>
    %squeeze3A = vector.shape_cast %slice3A : vector<1x512x1xf32> to vector<512xf32>
    %add3A = arith.constant 1.000000e+00 : f32
    %add3A_3 = vector.broadcast %add3A : f32 to vector<512xf32>
    %add3A_4 = arith.addf %add3A_3, %squeeze3A : vector<512xf32>
    %slice3A_5 = vector.extract_strided_slice %get3A_2 {offsets = [1, 0, 0], sizes = [1, 512, 1], strides = [1, 1, 1]} : vector<2x512x32xf32> to vector<1x512x1xf32>
    %squeeze3A_6 = vector.shape_cast %slice3A_5 : vector<1x512x1xf32> to vector<512xf32>
    %add3A_7 = arith.addf %add3A_4, %squeeze3A_6 : vector<512xf32>
    %rsqrt3A = math.rsqrt %add3A_7 : vector<512xf32>
    %get3A_8 = arith.constant 0 : index
    %get3A_9 = arith.constant 0 : index
    %get3A_10 = arith.constant 0 : index
    %get3A_11 = vector.load %arg1[%get3A_8, %get3A_9, %get3A_10] : memref<2x512x64xf32, #tpu.memory_space<vmem>>, vector<1x512x64xf32>
    %get3A_12 = vector.shape_cast %get3A_11 : vector<1x512x64xf32> to vector<512x64xf32>
    %get3A_13 = arith.constant 1 : index
    %get3A_14 = arith.constant 0 : index
    %get3A_15 = arith.constant 0 : index
    %get3A_16 = vector.load %arg1[%get3A_13, %get3A_14, %get3A_15] : memref<2x512x64xf32, #tpu.memory_space<vmem>>, vector<1x512x64xf32>
    %get3A_17 = vector.shape_cast %get3A_16 : vector<1x512x64xf32> to vector<512x64xf32>
    %add3A_18 = arith.addf %get3A_12, %get3A_17 : vector<512x64xf32>
    %get3A_19 = arith.constant 0 : index
    %get3A_20 = arith.constant 0 : index
    %get3A_21 = vector.load %arg2[%get3A_19, %get3A_20] : memref<512x64xf32, #tpu.memory_space<vmem>>, vector<512x64xf32>
    %add3A_22 = arith.addf %add3A_18, %get3A_21 : vector<512x64xf32>
    %broadcast_in_dim3A = vector.shape_cast %rsqrt3A : vector<512xf32> to vector<512x1xf32>
    %mul3A = vector.broadcast %broadcast_in_dim3A : vector<512x1xf32> to vector<512x64xf32>
    %mul3A_23 = arith.mulf %mul3A, %add3A_22 : vector<512x64xf32>
    %get3A_24 = arith.constant 0 : index
    %get3A_25 = arith.constant 0 : index
    %get3A_26 = vector.load %arg4[%get3A_24, %get3A_25] : memref<1x64xf32, #tpu.memory_space<vmem>>, vector<1x64xf32>
    %add3A_27 = vector.broadcast %get3A_26 : vector<1x64xf32> to vector<512x64xf32>
    %add3A_28 = arith.addf %mul3A_23, %add3A_27 : vector<512x64xf32>
    %max3A = arith.constant 0.000000e+00 : f32
    %max3A_29 = vector.broadcast %max3A : f32 to vector<512x64xf32>
    %max3A_30 = arith.maximumf %add3A_28, %max3A_29 : vector<512x64xf32>
    %get3A_31 = arith.constant 0 : index
    %get3A_32 = arith.constant 0 : index
    %get3A_33 = vector.load %arg5[%get3A_31, %get3A_32] : memref<64x32xf32, #tpu.memory_space<vmem>>, vector<64x32xf32>
    %dot_general3A = arith.constant dense<0.000000e+00> : vector<512x32xf32>
    %dot_general3A_34 = tpu.matmul %max3A_30, %get3A_33, %dot_general3A {dimension_numbers = #tpu.dot_dimension_numbers<[1], [0], [0], [1], [0, 0, 1, 1], [], []>, transpose_lhs_hint = false} : vector<512x64xf32>, vector<64x32xf32>, vector<512x32xf32> -> vector<512x32xf32>
    %broadcast_in_dim3A_35 = vector.shape_cast %rsqrt3A : vector<512xf32> to vector<512x1xf32>
    %mul3A_36 = vector.broadcast %broadcast_in_dim3A_35 : vector<512x1xf32> to vector<512x32xf32>
    %mul3A_37 = arith.mulf %mul3A_36, %dot_general3A_34 : vector<512x32xf32>
    %swap3A = arith.constant 0 : index
    %swap3A_38 = arith.constant 0 : index
    %swap3A_39 = vector.load %arg6[%swap3A, %swap3A_38] : memref<512x32xf32, #tpu.memory_space<vmem>>, vector<512x32xf32>
    tpu.vector_store %arg6[%swap3A, %swap3A_38], %mul3A_37 {strides = array<i32>} : memref<512x32xf32, #tpu.memory_space<vmem>>, vector<512x32xf32>,
    return
  }
  func.func @transform_0(%arg0: i32) -> (i32, i32, i32) {
    %c0_i32 = arith.constant 0 : i32
    %c0_i32_0 = arith.constant 0 : i32
    %c0_i32_1 = arith.constant 0 : i32
    return %c0_i32, %arg0, %c0_i32_0 : i32, i32, i32
  }
  func.func @transform_1(%arg0: i32) -> (i32, i32) {
    %c0_i32 = arith.constant 0 : i32
    %c0_i32_0 = arith.constant 0 : i32
    return %arg0, %c0_i32 : i32, i32
  }
  func.func @transform_2(%arg0: i32) -> (i32, i32, i32) {
    %c0_i32 = arith.constant 0 : i32
    %c0_i32_0 = arith.constant 0 : i32
    %c0_i32_1 = arith.constant 0 : i32
    return %c0_i32, %arg0, %c0_i32_0 : i32, i32, i32
  }
  func.func @transform_3(%arg0: i32) -> (i32, i32) {
    %c0_i32 = arith.constant 0 : i32
    %c0_i32_0 = arith.constant 0 : i32
    %c0_i32_1 = arith.constant 0 : i32
    return %c0_i32, %c0_i32_0 : i32, i32
  }
  func.func @transform_4(%arg0: i32) -> (i32, i32) {
    %c0_i32 = arith.constant 0 : i32
    %c0_i32_0 = arith.constant 0 : i32
    %c0_i32_1 = arith.constant 0 : i32
    return %c0_i32, %c0_i32_0 : i32, i32
  }
  func.func @transform_5(%arg0: i32) -> (i32, i32) {
    %c0_i32 = arith.constant 0 : i32
    %c0_i32_0 = arith.constant 0 : i32
    return %arg0, %c0_i32 : i32, i32
  }
}

module attributes {stable_mosaic.version = 14 : i64} {
  func.func @_pool_body(%arg0: i32, %arg1: memref<2x512x32xf32, #tpu.memory_space<vmem>>, %arg2: memref<512x32xf32, #tpu.memory_space<vmem>>, %arg3: memref<2x512x32xf32, #tpu.memory_space<vmem>>, %arg4: memref<1x32xf32, #tpu.memory_space<vmem>>, %arg5: memref<1x1x512xi32, #tpu.memory_space<vmem>>, %arg6: memref<32x16xf32, #tpu.memory_space<vmem>>, %arg7: memref<1x16xf32, #tpu.memory_space<vmem>>, %arg8: memref<16x1xf32, #tpu.memory_space<vmem>>, %arg9: memref<1x1xf32, #tpu.memory_space<vmem>>, %arg10: memref<512x1xf32, #tpu.memory_space<vmem>>, %arg11: memref<512x32xf32, #tpu.memory_space<vmem>>, %arg12: memref<512x1xf32, #tpu.memory_space<vmem>>) attributes {dimension_semantics = [#tpu.dimension_semantics<arbitrary>], iteration_bounds = array<i64: 20>, scalar_prefetch = 0 : i64, scratch_operands = 2 : i64, tpu.core_type = #tpu.core_type<tc>, window_params = [{transform_indices = @transform_0, window_bounds = array<i64: 2, 512, 32>}, {transform_indices = @transform_1, window_bounds = array<i64: 512, 32>}, {transform_indices = @transform_2, window_bounds = array<i64: 2, 512, 32>}, {pipeline_mode = #tpu.pipeline_mode<synchronous>, transform_indices = @transform_3, window_bounds = array<i64: 1, 32>}, {transform_indices = @transform_4, window_bounds = array<i64: 1, 1, 512>}, {pipeline_mode = #tpu.pipeline_mode<synchronous>, transform_indices = @transform_5, window_bounds = array<i64: 32, 16>}, {pipeline_mode = #tpu.pipeline_mode<synchronous>, transform_indices = @transform_6, window_bounds = array<i64: 1, 16>}, {pipeline_mode = #tpu.pipeline_mode<synchronous>, transform_indices = @transform_7, window_bounds = array<i64: 16, 1>}, {pipeline_mode = #tpu.pipeline_mode<synchronous>, transform_indices = @transform_8, window_bounds = array<i64: 1, 1>}, {pipeline_mode = #tpu.pipeline_mode<synchronous>, transform_indices = @transform_9, window_bounds = array<i64: 512, 1>}]} {
    %eq3A = arith.constant 0 : i32
    %eq3A_0 = arith.cmpi eq, %arg0, %eq3A : i32
    %convert_element_type3A = arith.extui %eq3A_0 : i1 to i32
    %cond3A = arith.constant 0 : i32
    %cond3A_1 = arith.cmpi ne, %convert_element_type3A, %cond3A : i32
    scf.if %cond3A_1 {
      %broadcast_in_dim3A_63 = arith.constant 0.000000e+00 : f32
      %broadcast_in_dim3A_64 = vector.broadcast %broadcast_in_dim3A_63 : f32 to vector<512x32xf32>
      %swap3A_65 = arith.constant 0 : index
      %swap3A_66 = arith.constant 0 : index
      %swap3A_67 = vector.load %arg11[%swap3A_65, %swap3A_66] : memref<512x32xf32, #tpu.memory_space<vmem>>, vector<512x32xf32>
      tpu.vector_store %arg11[%swap3A_65, %swap3A_66], %broadcast_in_dim3A_64 {strides = array<i32>} : memref<512x32xf32, #tpu.memory_space<vmem>>, vector<512x32xf32>,
      %broadcast_in_dim3A_68 = arith.constant 0.000000e+00 : f32
      %broadcast_in_dim3A_69 = vector.broadcast %broadcast_in_dim3A_68 : f32 to vector<512x1xf32>
      %swap3A_70 = arith.constant 0 : index
      %swap3A_71 = arith.constant 0 : index
      %swap3A_72 = vector.load %arg12[%swap3A_70, %swap3A_71] : memref<512x1xf32, #tpu.memory_space<vmem>>, vector<512x1xf32>
      tpu.vector_store %arg12[%swap3A_70, %swap3A_71], %broadcast_in_dim3A_69 {strides = array<i32>} : memref<512x1xf32, #tpu.memory_space<vmem>>, vector<512x1xf32>,
    } else {
    }
    %get3A = arith.constant 0 : index
    %get3A_2 = arith.constant 0 : index
    %get3A_3 = arith.constant 0 : index
    %get3A_4 = vector.load %arg3[%get3A, %get3A_2, %get3A_3] : memref<2x512x32xf32, #tpu.memory_space<vmem>>, vector<2x512x32xf32>
    %slice3A = vector.extract_strided_slice %get3A_4 {offsets = [0, 0, 0], sizes = [1, 512, 1], strides = [1, 1, 1]} : vector<2x512x32xf32> to vector<1x512x1xf32>
    %squeeze3A = vector.shape_cast %slice3A : vector<1x512x1xf32> to vector<512xf32>
    %add3A = arith.constant 1.000000e+00 : f32
    %add3A_5 = vector.broadcast %add3A : f32 to vector<512xf32>
    %add3A_6 = arith.addf %add3A_5, %squeeze3A : vector<512xf32>
    %slice3A_7 = vector.extract_strided_slice %get3A_4 {offsets = [1, 0, 0], sizes = [1, 512, 1], strides = [1, 1, 1]} : vector<2x512x32xf32> to vector<1x512x1xf32>
    %squeeze3A_8 = vector.shape_cast %slice3A_7 : vector<1x512x1xf32> to vector<512xf32>
    %add3A_9 = arith.addf %add3A_6, %squeeze3A_8 : vector<512xf32>
    %rsqrt3A = math.rsqrt %add3A_9 : vector<512xf32>
    %get3A_10 = arith.constant 0 : index
    %get3A_11 = arith.constant 0 : index
    %get3A_12 = arith.constant 0 : index
    %get3A_13 = vector.load %arg1[%get3A_10, %get3A_11, %get3A_12] : memref<2x512x32xf32, #tpu.memory_space<vmem>>, vector<1x512x32xf32>
    %get3A_14 = vector.shape_cast %get3A_13 : vector<1x512x32xf32> to vector<512x32xf32>
    %get3A_15 = arith.constant 1 : index
    %get3A_16 = arith.constant 0 : index
    %get3A_17 = arith.constant 0 : index
    %get3A_18 = vector.load %arg1[%get3A_15, %get3A_16, %get3A_17] : memref<2x512x32xf32, #tpu.memory_space<vmem>>, vector<1x512x32xf32>
    %get3A_19 = vector.shape_cast %get3A_18 : vector<1x512x32xf32> to vector<512x32xf32>
    %add3A_20 = arith.addf %get3A_14, %get3A_19 : vector<512x32xf32>
    %get3A_21 = arith.constant 0 : index
    %get3A_22 = arith.constant 0 : index
    %get3A_23 = vector.load %arg2[%get3A_21, %get3A_22] : memref<512x32xf32, #tpu.memory_space<vmem>>, vector<512x32xf32>
    %add3A_24 = arith.addf %add3A_20, %get3A_23 : vector<512x32xf32>
    %broadcast_in_dim3A = vector.shape_cast %rsqrt3A : vector<512xf32> to vector<512x1xf32>
    %mul3A = vector.broadcast %broadcast_in_dim3A : vector<512x1xf32> to vector<512x32xf32>
    %mul3A_25 = arith.mulf %mul3A, %add3A_24 : vector<512x32xf32>
    %get3A_26 = arith.constant 0 : index
    %get3A_27 = arith.constant 0 : index
    %get3A_28 = vector.load %arg4[%get3A_26, %get3A_27] : memref<1x32xf32, #tpu.memory_space<vmem>>, vector<1x32xf32>
    %add3A_29 = vector.broadcast %get3A_28 : vector<1x32xf32> to vector<512x32xf32>
    %add3A_30 = arith.addf %mul3A_25, %add3A_29 : vector<512x32xf32>
    %max3A = arith.constant 0.000000e+00 : f32
    %max3A_31 = vector.broadcast %max3A : f32 to vector<512x32xf32>
    %max3A_32 = arith.maximumf %add3A_30, %max3A_31 : vector<512x32xf32>
    %get3A_33 = arith.constant 0 : index
    %get3A_34 = arith.constant 0 : index
    %get3A_35 = arith.constant 0 : index
    %get3A_36 = vector.load %arg5[%get3A_33, %get3A_34, %get3A_35] : memref<1x1x512xi32, #tpu.memory_space<vmem>>, vector<1x1x512xi32>
    %get3A_37 = vector.shape_cast %get3A_36 : vector<1x1x512xi32> to vector<1x512xi32>
    %iota3A = tpu.iota {dimensions = array<i32: 0>} : vector<512x512xi32>
    %eq3A_38 = vector.broadcast %get3A_37 : vector<1x512xi32> to vector<512x512xi32>
    %eq3A_39 = arith.cmpi eq, %iota3A, %eq3A_38 : vector<512x512xi32>
    %convert_element_type3A_40 = arith.extui %eq3A_39 : vector<512x512xi1> to vector<512x512xi32>
    %convert_element_type3A_41 = arith.sitofp %convert_element_type3A_40 : vector<512x512xi32> to vector<512x512xf32>
    %get3A_42 = arith.constant 0 : index
    %get3A_43 = arith.constant 0 : index
    %get3A_44 = vector.load %arg11[%get3A_42, %get3A_43] : memref<512x32xf32, #tpu.memory_space<vmem>>, vector<512x32xf32>
    %dot_general3A = arith.constant dense<0.000000e+00> : vector<512x32xf32>
    %dot_general3A_45 = tpu.matmul %convert_element_type3A_41, %max3A_32, %dot_general3A {dimension_numbers = #tpu.dot_dimension_numbers<[1], [0], [0], [1], [0, 0, 1, 1], [], []>, precision = #tpu.contract_precision<fp32>, transpose_lhs_hint = false} : vector<512x512xf32>, vector<512x32xf32>, vector<512x32xf32> -> vector<512x32xf32>
    %add3A_46 = arith.addf %get3A_44, %dot_general3A_45 : vector<512x32xf32>
    %swap3A = arith.constant 0 : index
    %swap3A_47 = arith.constant 0 : index
    %swap3A_48 = vector.load %arg11[%swap3A, %swap3A_47] : memref<512x32xf32, #tpu.memory_space<vmem>>, vector<512x32xf32>
    tpu.vector_store %arg11[%swap3A, %swap3A_47], %add3A_46 {strides = array<i32>} : memref<512x32xf32, #tpu.memory_space<vmem>>, vector<512x32xf32>,
    %get3A_49 = arith.constant 0 : index
    %get3A_50 = arith.constant 0 : index
    %get3A_51 = vector.load %arg12[%get3A_49, %get3A_50] : memref<512x1xf32, #tpu.memory_space<vmem>>, vector<512x1xf32>
    %reduce_sum3A = arith.constant dense<0.000000e+00> : vector<512xf32>
    %reduce_sum3A_52 = vector.multi_reduction <add>, %convert_element_type3A_41, %reduce_sum3A [1] : vector<512x512xf32> to vector<512xf32>
    %broadcast_in_dim3A_53 = vector.shape_cast %reduce_sum3A_52 : vector<512xf32> to vector<512x1xf32>
    %add3A_54 = arith.addf %get3A_51, %broadcast_in_dim3A_53 : vector<512x1xf32>
    %swap3A_55 = arith.constant 0 : index
    %swap3A_56 = arith.constant 0 : index
    %swap3A_57 = vector.load %arg12[%swap3A_55, %swap3A_56] : memref<512x1xf32, #tpu.memory_space<vmem>>, vector<512x1xf32>
    tpu.vector_store %arg12[%swap3A_55, %swap3A_56], %add3A_54 {strides = array<i32>} : memref<512x1xf32, #tpu.memory_space<vmem>>, vector<512x1xf32>,
    %eq3A_58 = arith.constant 19 : i32
    %eq3A_59 = arith.cmpi eq, %arg0, %eq3A_58 : i32
    %convert_element_type3A_60 = arith.extui %eq3A_59 : i1 to i32
    %cond3A_61 = arith.constant 0 : i32
    %cond3A_62 = arith.cmpi ne, %convert_element_type3A_60, %cond3A_61 : i32
    scf.if %cond3A_62 {
      %get3A_63 = arith.constant 0 : index
      %get3A_64 = arith.constant 0 : index
      %get3A_65 = vector.load %arg11[%get3A_63, %get3A_64] : memref<512x32xf32, #tpu.memory_space<vmem>>, vector<512x32xf32>
      %get3A_66 = arith.constant 0 : index
      %get3A_67 = arith.constant 0 : index
      %get3A_68 = vector.load %arg12[%get3A_66, %get3A_67] : memref<512x1xf32, #tpu.memory_space<vmem>>, vector<512x1xf32>
      %max3A_69 = arith.constant 1.000000e+00 : f32
      %max3A_70 = vector.broadcast %max3A_69 : f32 to vector<512x1xf32>
      %max3A_71 = arith.maximumf %get3A_68, %max3A_70 : vector<512x1xf32>
      %div3A = vector.broadcast %max3A_71 : vector<512x1xf32> to vector<512x32xf32>
      %div3A_72 = arith.divf %get3A_65, %div3A : vector<512x32xf32>
      %get3A_73 = arith.constant 0 : index
      %get3A_74 = arith.constant 0 : index
      %get3A_75 = vector.load %arg6[%get3A_73, %get3A_74] : memref<32x16xf32, #tpu.memory_space<vmem>>, vector<32x16xf32>
      %dot_general3A_76 = arith.constant dense<0.000000e+00> : vector<512x16xf32>
      %dot_general3A_77 = tpu.matmul %div3A_72, %get3A_75, %dot_general3A_76 {dimension_numbers = #tpu.dot_dimension_numbers<[1], [0], [0], [1], [0, 0, 1, 1], [], []>, transpose_lhs_hint = false} : vector<512x32xf32>, vector<32x16xf32>, vector<512x16xf32> -> vector<512x16xf32>
      %get3A_78 = arith.constant 0 : index
      %get3A_79 = arith.constant 0 : index
      %get3A_80 = vector.load %arg7[%get3A_78, %get3A_79] : memref<1x16xf32, #tpu.memory_space<vmem>>, vector<1x16xf32>
      %add3A_81 = vector.broadcast %get3A_80 : vector<1x16xf32> to vector<512x16xf32>
      %add3A_82 = arith.addf %dot_general3A_77, %add3A_81 : vector<512x16xf32>
      %max3A_83 = arith.constant 0.000000e+00 : f32
      %max3A_84 = vector.broadcast %max3A_83 : f32 to vector<512x16xf32>
      %max3A_85 = arith.maximumf %add3A_82, %max3A_84 : vector<512x16xf32>
      %get3A_86 = arith.constant 0 : index
      %get3A_87 = arith.constant 0 : index
      %get3A_88 = vector.load %arg8[%get3A_86, %get3A_87] : memref<16x1xf32, #tpu.memory_space<vmem>>, vector<16x1xf32>
      %dot_general3A_89 = arith.constant dense<0.000000e+00> : vector<512x1xf32>
      %dot_general3A_90 = tpu.matmul %max3A_85, %get3A_88, %dot_general3A_89 {dimension_numbers = #tpu.dot_dimension_numbers<[1], [0], [0], [1], [0, 0, 1, 1], [], []>, transpose_lhs_hint = false} : vector<512x16xf32>, vector<16x1xf32>, vector<512x1xf32> -> vector<512x1xf32>
      %get3A_91 = arith.constant 0 : index
      %get3A_92 = arith.constant 0 : index
      %get3A_93 = vector.load %arg9[%get3A_91, %get3A_92] : memref<1x1xf32, #tpu.memory_space<vmem>>, vector<1x1xf32>
      %add3A_94 = vector.broadcast %get3A_93 : vector<1x1xf32> to vector<512x1xf32>
      %add3A_95 = arith.addf %dot_general3A_90, %add3A_94 : vector<512x1xf32>
      %swap3A_96 = arith.constant 0 : index
      %swap3A_97 = arith.constant 0 : index
      %swap3A_98 = vector.load %arg10[%swap3A_96, %swap3A_97] : memref<512x1xf32, #tpu.memory_space<vmem>>, vector<512x1xf32>
      tpu.vector_store %arg10[%swap3A_96, %swap3A_97], %add3A_95 {strides = array<i32>} : memref<512x1xf32, #tpu.memory_space<vmem>>, vector<512x1xf32>,
    } else {
    }
    return
  }
  func.func @transform_0(%arg0: i32) -> (i32, i32, i32) {
    %c0_i32 = arith.constant 0 : i32
    %c0_i32_0 = arith.constant 0 : i32
    %c0_i32_1 = arith.constant 0 : i32
    return %c0_i32, %arg0, %c0_i32_0 : i32, i32, i32
  }
  func.func @transform_1(%arg0: i32) -> (i32, i32) {
    %c0_i32 = arith.constant 0 : i32
    %c0_i32_0 = arith.constant 0 : i32
    return %arg0, %c0_i32 : i32, i32
  }
  func.func @transform_2(%arg0: i32) -> (i32, i32, i32) {
    %c0_i32 = arith.constant 0 : i32
    %c0_i32_0 = arith.constant 0 : i32
    %c0_i32_1 = arith.constant 0 : i32
    return %c0_i32, %arg0, %c0_i32_0 : i32, i32, i32
  }
  func.func @transform_3(%arg0: i32) -> (i32, i32) {
    %c0_i32 = arith.constant 0 : i32
    %c0_i32_0 = arith.constant 0 : i32
    %c0_i32_1 = arith.constant 0 : i32
    return %c0_i32, %c0_i32_0 : i32, i32
  }
  func.func @transform_4(%arg0: i32) -> (i32, i32, i32) {
    %c0_i32 = arith.constant 0 : i32
    %c0_i32_0 = arith.constant 0 : i32
    %c0_i32_1 = arith.constant 0 : i32
    return %arg0, %c0_i32, %c0_i32_0 : i32, i32, i32
  }
  func.func @transform_5(%arg0: i32) -> (i32, i32) {
    %c0_i32 = arith.constant 0 : i32
    %c0_i32_0 = arith.constant 0 : i32
    %c0_i32_1 = arith.constant 0 : i32
    return %c0_i32, %c0_i32_0 : i32, i32
  }
  func.func @transform_6(%arg0: i32) -> (i32, i32) {
    %c0_i32 = arith.constant 0 : i32
    %c0_i32_0 = arith.constant 0 : i32
    %c0_i32_1 = arith.constant 0 : i32
    return %c0_i32, %c0_i32_0 : i32, i32
  }
  func.func @transform_7(%arg0: i32) -> (i32, i32) {
    %c0_i32 = arith.constant 0 : i32
    %c0_i32_0 = arith.constant 0 : i32
    %c0_i32_1 = arith.constant 0 : i32
    return %c0_i32, %c0_i32_0 : i32, i32
  }
  func.func @transform_8(%arg0: i32) -> (i32, i32) {
    %c0_i32 = arith.constant 0 : i32
    %c0_i32_0 = arith.constant 0 : i32
    %c0_i32_1 = arith.constant 0 : i32
    return %c0_i32, %c0_i32_0 : i32, i32
  }
  func.func @transform_9(%arg0: i32) -> (i32, i32) {
    %c0_i32 = arith.constant 0 : i32
    %c0_i32_0 = arith.constant 0 : i32
    %c0_i32_1 = arith.constant 0 : i32
    return %c0_i32, %c0_i32_0 : i32, i32
  }
}

</mosaic_0001>

<sc_bundles>
// kernel: kernel.10.cloned.1.call-start
scs
__scs_entry_jumppad:
0x0: {  	(pc) =	sbr.rel $0x88, $3  }
0x1: {  	(tag) =	ssettag $0x0;
	lr =	simm.s32 $0x1  }
0x2: {  	[smem:$0x3F94] =	sst lr;
	_ =	strace $0xD0000000  }
0x3: {  	_ = 	snop  }
0x4: {  	_ = 	snop  }
0x5: {  	_ = 	snop  }
0x6: {  	_ = 	snop  }
0x7: {  	_ = 	snop  }
__scs_overlays_trampoline_lowered:
0x8: {  	[smem:$0x3FA3] =	sst s0  }
0x9: {  	[smem:$0x3FA4] =	sst s1  }
0xa: {  	[smem:$0x3FA5] =	sst s2  }
0xb: {  	[smem:$0x3FA6] =	sst s3  }
0xc: {  	[smem:$0x3FA7] =	sst s4  }
0xd: {  	[smem:$0x3FA8] =	sst s5  }
0xe: {  	[smem:$0x3FA9] =	sst s6  }
0xf: {  	[smem:$0x3FAA] =	sst s7  }
0x10: {  	[smem:$0x3FAB] =	sst s8  }
0x11: {  	[smem:$0x3FAC] =	sst s9;
	s0 =	simm.s32 @!p0 $0x0  }
0x12: {  	s1 =	sld [smem:$0x3F92];
	s0 =	simm.s32 @p0 $0x1  }
0x13: {  	[smem:$0x3FAD] =	sst s0;
	s0 =	simm.s32 @!p1 $0x0  }
0x14: {  	s2 =	sld [smem:$0x3F91];
	s0 =	simm.s32 @p1 $0x1  }
0x15: {  	[smem:$0x3FAE] =	sst s0;
	s0 =	simm.s32 @!p2 $0x0  }
0x16: {  	s3 =	sld [smem:$0x3FDB];
	s0 =	simm.s32 @p2 $0x1  }
0x17: {  	s4 =	simm.s32 $0x1BF5;
	[smem:$0x3FB0] =	sst s0  }
0x18: {  	s0 =	sld [smem:$0x3F93];
	_ =	swait.ge [sflag:s4], $0x0  }
0x19: {  	s7 =	sld [smem:$0x3F94]  }
0x1a: {  	s8 =	sadd.s32 $0xFFFFE003, lr  }
0x1b: {  	s9 =	sadd.s32 $0xFFFFFEF7, lr;
	s5 =	simm.s32 $0xFFFFFFFF;
	p2 =	slt.u32 s8, $0xFFFFF086  }
0x1c: {  	p1 =	slt.u32 s9, $0xF7A;
	s5 =	simm.s32 @!p2 $0x0  }
0x1d: {  	s5 =	simm.s32 @p1 $0x1;
	p0 =	seq.s32 s7, s2  }
0x1e: {  	s7 =	smul.u32 @!p0 $0xF7A, s2;
	p2 =	seq.s32 @!p0 s5, $0x0  }
0x1f: {  	s9 =	smul.u32 $0xF7A, s1;
	s8 =	simm.s32 @!p0 $0x1BF5;
	p2 =	por !p2, p0  }
0x20: {  	[sflag:s8] =	ssyncset.s32 @!p0 $0xFFFFF086;
	s6 =	sadd.s32 @!p0 s3, s7;
	s7 =	simm.s32 @!p0 $0x108  }
0x21: {  	s3 =	sadd.s32 s3, s9;
	s6 =	sadd.s32 @!p0 $0x88, s6;
	s7 =	simm.s32 @p2 $0x1082  }
0x22: {  	[simem:s7], [sflag:s8] =	dma.local @!p0 [hbm:s6], $0xF7A  }
0x23: {  	s9 =	sor.u32 $0xD0000000, s2;
	s6 =	simm.s32 $0x108;
	_ =	swait.ge @!p0 [sflag:s8], $0x0  }
0x24: {  	s3 =	sadd.s32 $0x88, s3;
	s6 =	simm.s32 @!p1 $0x1082;
	[sflag:s4] =	ssyncset.s32 $0xFFFFF086  }
0x25: {  	[simem:s6], [sflag:s4] =	dma.local [hbm:s3], $0xF7A  }
0x26: {  	[smem:$0x3F94] =	sst s1;
	(tag) =	ssettag s2;
	_ =	strace s9  }
0x27: {  	s1 =	sld [smem:$0x3FA4]  }
0x28: {  	s2 =	sld [smem:$0x3FA5]  }
0x29: {  	s4 =	sld [smem:$0x3FA7]  }
0x2a: {  	p0 =	seq.s32 s5, $0x0;
	s5 =	sld [smem:$0x3FA8]  }
0x2b: {  	s6 =	sld [smem:$0x3FA9]  }
0x2c: {  	s7 =	sld [smem:$0x3FAA]  }
0x2d: {  	s3 =	simm.s32 $0x108;
	s8 =	sld [smem:$0x3FAB]  }
0x2e: {  	s3 =	simm.s32 @!p0 $0x1082;
	s9 =	sld [smem:$0x3FAC]  }
0x2f: {  	lr =	sadd.s32 s0, s3;
	s0 =	sld [smem:$0x3FA3]  }
0x30: {  	s3 =	sld [smem:$0x3FA6]  }
0x31: {  	[smem:$0x3FAF] =	sst s10  }
0x32: {  	s10 =	sld [smem:$0x3FAD];
	_ =	sdelay $0x3  }
0x33: {  	p0 =	seq.s32 s10, $0x1;
	s10 =	sld [smem:$0x3FAF];
	_ =	sdelay $0x3  }
0x34: {  	[smem:$0x3FAF] =	sst s10  }
0x35: {  	s10 =	sld [smem:$0x3FAE];
	_ =	sdelay $0x3  }
0x36: {  	p1 =	seq.s32 s10, $0x1;
	s10 =	sld [smem:$0x3FAF];
	_ =	sdelay $0x3  }
0x37: {  	[smem:$0x3FAF] =	sst s10  }
0x38: {  	s10 =	sld [smem:$0x3FB0]  }
0x39: {  	_ = 	snop;
	(pc) =	sbr.ind lr, $3  }
0x3a: {  	_ = 	snop  }
0x3b: {  	_ = 	snop  }
0x3c: {  	p2 =	seq.s32 s10, $0x1;
	s10 =	sld [smem:$0x3FAF]  }
0x3d: {  	_ =	shalt  }
0x3e: {  	_ =	shalt  }
0x3f: {  	_ =	shalt  }
0x40: {  	_ =	shalt  }
0x41: {  	_ =	shalt  }
0x42: {  	_ =	shalt  }
0x43: {  	_ =	shalt  }
0x44: {  	_ =	shalt  }
0x45: {  	_ =	shalt  }
0x46: {  	_ =	shalt  }
0x47: {  	_ =	shalt  }
0x48: {  	_ =	shalt  }
0x49: {  	_ =	shalt  }
0x4a: {  	_ =	shalt  }
0x4b: {  	_ =	shalt  }
0x4c: {  	_ =	shalt  }
0x4d: {  	_ =	shalt  }
0x4e: {  	_ =	shalt  }
0x4f: {  	_ =	shalt  }
0x50: {  	_ =	shalt  }
0x51: {  	_ =	shalt  }
0x52: {  	_ =	shalt  }
0x53: {  	_ =	shalt  }
0x54: {  	_ =	shalt  }
0x55: {  	_ =	shalt  }
0x56: {  	_ =	shalt  }
0x57: {  	_ =	shalt  }
0x58: {  	_ =	shalt  }
0x59: {  	_ =	shalt  }
0x5a: {  	_ =	shalt  }
0x5b: {  	_ =	shalt  }
0x5c: {  	_ =	shalt  }
0x5d: {  	_ =	shalt  }
0x5e: {  	_ =	shalt  }
0x5f: {  	_ =	shalt  }
0x60: {  	_ =	shalt  }
0x61: {  	_ =	shalt  }
0x62: {  	_ =	shalt  }
0x63: {  	_ =	shalt  }
0x64: {  	_ =	shalt  }
0x65: {  	_ =	shalt  }
0x66: {  	_ =	shalt  }
0x67: {  	_ =	shalt  }
0x68: {  	_ =	shalt  }
0x69: {  	_ =	shalt  }
0x6a: {  	_ =	shalt  }
0x6b: {  	_ =	shalt  }
0x6c: {  	_ =	shalt  }
0x6d: {  	_ =	shalt  }
0x6e: {  	_ =	shalt  }
0x6f: {  	_ =	shalt  }
0x70: {  	_ =	shalt  }
0x71: {  	_ =	shalt  }
0x72: {  	_ =	shalt  }
0x73: {  	_ =	shalt  }
0x74: {  	_ =	shalt  }
0x75: {  	_ =	shalt  }
0x76: {  	_ =	shalt  }
0x77: {  	_ =	shalt  }
0x78: {  	_ =	shalt  }
0x79: {  	_ =	shalt  }
0x7a: {  	_ =	shalt  }
0x7b: {  	_ =	shalt  }
0x7c: {  	_ =	shalt  }
0x7d: {  	_ =	shalt  }
0x7e: {  	_ =	shalt  }
0x7f: {  	_ =	shalt  }
0x80: {  	_ =	shalt  }
0x81: {  	_ =	shalt  }
0x82: {  	_ =	shalt  }
0x83: {  	_ =	shalt  }
0x84: {  	_ =	shalt  }
0x85: {  	_ =	shalt  }
0x86: {  	_ =	shalt  }
0x87: {  	_ =	shalt  }
.Lfunc_end0:
.L_simem_size_0:
called_computation_lowered:
.L_overlay_start_0:
0x88: {  	s2 =	sld [smem:$0x3FD9]  }
0x89: {  	s3 =	sld [smem:$0x3FFE];
	_ =	sdelay $0x1  }
0x8a: {  	s1 =	srdreg.scid  }
0x8b: {  	s0 =	sand.u32 $0x1, s1  }
0x8c: {  	s16 =	sshll.u32 s0, $0xA;
	s2 =	sadd.s32 s3, s2  }
0x8d: {  	s2 =	sadd.s32 s2, s16  }
0x8e: {  	[smem:$0x3FBB] =	sst s2  }
0x8f: {  	_ = 	snop  }
0x90: {  	(tm) =	ssettm $0x1  }
0x91: {  	s17 =	sld [smem:$0x3FFB];
	_ =	sdelay $0x3  }
0x92: {  	_ =	strace s17  }
0x93: {  	s2 =	sld [smem:$0x3FFC];
	_ =	sdelay $0x3  }
0x94: {  	_ =	strace s2  }
0x95: {  	s2 =	sld [smem:$0x3FFD];
	_ =	sdelay $0x3  }
0x96: {  	_ =	strace s2  }
0x97: {  	_ =	strace $0x8FFFFFFF  }
0x98: {  	s18 =	sld [smem:$0x3FDB];
	_ =	sdelay $0x1  }
0x99: {  	s19 =	simm.s32 $_scs_section_size  }
0x9a: {  	s4 =	simm.s32 $_size__tile_overlayer_lowered;
	s5 =	simm.s32 $_tile_overlayer_lowered  }
0x9b: {  	s22 =	simm.s32 $0x1BFF;
	s21 =	sshll.u32 s5, $0x1;
	s2 =	sadd.s32 s19, s18  }
0x9c: {  	s6 =	simm.s32 $0x0;
	s20 =	sshll.u32 s4, $0x1;
	s4 =	sadd.s32 s21, s2  }
0x9d: {  	[timem:s6], [sflag:s22] =	dma.local [hbm:s4], s20  }
0x9e: {  	_ =	swait.ge [sflag:s22], s20  }
0x9f: {  	s3 =	ssub.s32 $0x0, s20;
	[sflag:s22] =	ssyncset.done $0x0  }
0xa0: {  	[sflag:s22] =	ssyncadd.s32 s3;
	_ =	sdelay $0x1  }
0xa1: {  	s23 =	simm.s32 $0x1B8B  }
0xa2: {  	_ =	swait.ge [sflag:s23], $0x1  }
0xa3: {  	[sflag:s23] =	ssyncset.done $0x0  }
0xa4: {  	s25 =	simm.s32 $0x1B8E;
	s24 =	sld [smem:$0x3FFE];
	[sflag:s23] =	ssyncadd.s32 $0xFFFFFFFF  }
0xa5: {  	s26 =	simm.s32 $execute0_lowered;
	[smem:$0x3FD2] =	sst s25  }
0xa6: {  	s4 =	sshll.u32 s26, $0x1;
	_ =	strace $0x80000046;
	[dreg:$0x1] =	wrdreg $0xFFFFFFFF  }
0xa7: {  	s28 =	simm.s32 $_size_execute0_lowered;
	s2 =	sadd.s32 s2, s4;
	[dreg:$0x0] =	wrdreg $0x0  }
0xa8: {  	s4 =	sshll.u32 s28, $0x1;
	[dreg:$0x2] =	wrdreg s2  }
0xa9: {  	[dreg:$0x3] =	wrdreg s4  }
0xaa: {  	[dreg:$0x4] =	wrdreg $0xC0  }
0xab: {  	_ =	task [dreg:s6], $0x5FFFF  }
0xac: {  	[dreg:$0x1] =	wrdreg $0xFFFFFFFF  }
0xad: {  	[dreg:$0x0] =	wrdreg $0x60  }
0xae: {  	[dreg:$0x2] =	wrdreg s24  }
0xaf: {  	[dreg:$0x3] =	wrdreg $0x1A000  }
0xb0: {  	[dreg:$0x4] =	wrdreg $0x9  }
0xb1: {  	_ =	task.clear_ibuf [dreg:s6], $0x5FFFF;
	_ =	strace $0x90000046  }
0xb2: {  	s29 =	simm.s32 $0x9;
	_ =	strace $0x80000048  }
0xb3: {  	_ =	swait.ge [sflag:s29], $0x1  }
0xb4: {  	[sflag:s29] =	ssyncadd.s32 $0xFFFFFFFF  }
0xb5: {  	_ =	strace $0x90000048  }
0xb6: {  	_ =	sfence  }
0xb7: {  	s30 =	sld [smem:$0x0];
	_ =	sdelay $0x2  }
0xb8: {  	s31 =	sshll.u32 s1, $0xD;
	s1 =	sshrl.u32 s1, $0x2  }
0xb9: {  	s3 =	sand.u32 $0x4000, s31;
	s1 =	sadd.s32 s1, s30  }
0xba: {  	s0 =	sor.u32 s3, s0;
	s1 =	sshll.u32 s1, $0x11  }
0xbb: {  	s0 =	sor.u32 s1, s0  }
0xbc: {  	s0 =	sadd.s32 $0x8F2B, s0  }
0xbd: {  	[sflag:s0] =	ssyncadd.remote.s32 $0x1  }
0xbe: {  	_ =	sfence.sel $0xFFFF  }
0xbf: {  	[dreg:$0x0] =	wrdreg $0xFFFFFFFF;
	(pc) =	sbr.abs _section_cstart, $3  }
0xc0: {  	[dreg:$0x1] =	wrdreg $0xFFFFFFFF  }
0xc1: {  	_ =	task.clear_ibuf [dreg:s6], $0x2FFFF;
	_ =	strace $0x9FFFFFFF  }
0xc2: {  	(tm) =	ssettm $0x7FFFFFFF  }
0xc3: {  	_ =	shalt  }
tec
execute0_lowered:
.L_overlay_start_1:
0x0: {  	(tag) =	ssettag $0x1  }
0x1: {  	s0 =	rddreg [dreg:$0x0]  }
0x2: {  	s1 =	srdreg.scid;
	s2 =	rddreg [dreg:$0x1]  }
0x3: {  	s8 =	stileid.u32;
	s3 =	simm.s32 $0x0;
	s11 =	simm.s32 $0x1  }
0x4: {  	s12 =	simm.s32 $0xA00;
	s13 =	simm.s32 $0x80;
	s14 =	simm.s32 $0x100  }
0x5: {  	s15 =	simm.s32 $0x180;
	s16 =	simm.s32 $0x200;
	s17 =	simm.s32 $0x280  }
0x6: {  	s18 =	simm.s32 $0x300;
	s19 =	simm.s32 $0x380;
	s20 =	simm.s32 $0x400  }
0x7: {  	s21 =	simm.s32 $0x480;
	s28 =	simm.s32 $0x780;
	s29 =	simm.s32 $0x800  }
0x8: {  	s30 =	simm.s32 $0x880;
	s31 =	simm.s32 $0x900;
	s5 =	smul.u32 $0x5000, s8  }
0x9: {  	s1 =	sand.u32 $0x1, s1;
	[smem:$0x7FF] =	sst s3;
	s9 =	smul.u32 $0x500, s8  }
0xa: {  	s7 =	sadd.s32 $0x17200, s0;
	s24 =	sshll.u32 s8, $0x6;
	s4 =	smul.u32 $0x5000, s1  }
0xb: {  	s6 =	smul.u32 $0x50000, s1;
	_ =	strace $0x80000047;
	s1 =	ssub.s32 $0x2, s1  }
0xc: {  	[dreg:$0x3] =	wrdreg s7;
	s22 =	sshrl.u32 s5, $0x3;
	s23 =	sshrl.u32 s1, $0x1  }
0xd: {  	s4 =	sadd.s32 s4, s0;
	s6 =	sadd.s32 s5, s6;
	s7 =	sadd.s32 s22, s0  }
0xe: {  	s1 =	ssub.s32 s1, s23;
	s5 =	sadd.s32 s5, s2;
	s22 =	simm.s32 $0x500  }
0xf: {  	s23 =	simm.s32 $0x580;
	s6 =	sshrl.u32 s6, $0x3;
	s7 =	sadd.s32 $0xD200, s7  }
0x10: {  	s25 =	smax.u32 s1, $0x1;
	s26 =	sadd.s32 s9, s4;
	s10 =	sshrl.u32 s5, $0x3  }
0x11: {  	s1 =	simm.s32 $0x0;
	s0 =	sadd.s32 s6, s0;
	[dreg:$0x4] =	wrdreg s7  }
0x12: {  	s6 =	sor.u32 $0x1C01, s24;
	[dreg:$0x6] =	wrdreg s25;
	s9 =	sadd.s32 $0x3200, s26  }
0x13: {  	s24 =	simm.s32 $0x600;
	s25 =	simm.s32 $0x680;
	s0 =	sadd.s32 $0x17400, s0  }
0x14: {  	s26 =	simm.s32 $0x700;
	[dreg:$0x5] =	wrdreg s0;
	s0 =	simm.s32 $0x980  }
.LBB2_1:
0x15: {  	s4 =	rddreg [dreg:$0x4]  }
0x16: {  	[spmem:s10], [sflag:s6] =	dma.local [hbm:s4], $0xA00  }
0x17: {  	_ =	swait.ge [sflag:s11], $0xA00  }
0x18: {  	[sflag:s11] =	ssyncset.done $0x0  }
0x19: {  	s7 =	rddreg [dreg:$0x3];
	[sflag:s11] =	ssyncadd.s32 $0xFFFFF600  }
0x1a: {  	[tilespmem:s12], [sflag:$0x1] =	stream.linear.gather [hbm4b:s7+s3], $0x1000, $0x38;
	[tilespmem:$0x6A00] =	vst v63  }
0x1b: {  	_ =	swait.ge [sflag:s11], $0x1000  }
0x1c: {  	[sflag:s11] =	ssyncset.done $0x0  }
0x1d: {  	[sflag:s11] =	ssyncadd.s32 $0xFFFFF000  }
0x1e: {  	s8 =	sadd.s32 $0x0, s9;
	[bflag:$0x0] =	sbarrier.arrive $0xFFFF  }
0x1f: {  	[tilespmem:s3], [sflag:$0x1] =	stream.linear.gather [hbm4b:s8+s3], $0xA00, $0x38;
	[tilespmem:$0x6A00] =	vst v63  }
0x20: {  	_ =	swait.ge [sflag:s11], $0xA00  }
0x21: {  	[sflag:s11] =	ssyncset.done $0x0  }
0x22: {  	[sflag:s11] =	ssyncadd.s32 $0xFFFFF600  }
0x23: {  	[spmem:s2] =	stream.indirect.scatter.add.f32 [tilespmem:s12], [sflag:$0x1], $0x20, s3, s13, $0xb8;
	[tilespmem:$0x6A00] =	vst v63  }
0x24: {  	_ =	swait.ge [sflag:s11], $0x1000  }
0x25: {  	[sflag:s11] =	ssyncset.done $0x0  }
0x26: {  	[sflag:s11] =	ssyncadd.s32 $0xFFFFF000  }
0x27: {  	[spmem:s2] =	stream.indirect.scatter.add.f32 [tilespmem:s12], [sflag:$0x1], $0x20, s13, s13, $0xb8;
	[tilespmem:$0x6A00] =	vst v63  }
0x28: {  	_ =	swait.ge [sflag:s11], $0x1000  }
0x29: {  	[sflag:s11] =	ssyncset.done $0x0  }
0x2a: {  	[sflag:s11] =	ssyncadd.s32 $0xFFFFF000  }
0x2b: {  	[spmem:s2] =	stream.indirect.scatter.add.f32 [tilespmem:s12], [sflag:$0x1], $0x20, s14, s13, $0xb8;
	[tilespmem:$0x6A00] =	vst v63  }
0x2c: {  	_ =	swait.ge [sflag:s11], $0x1000  }
0x2d: {  	[sflag:s11] =	ssyncset.done $0x0  }
0x2e: {  	[sflag:s11] =	ssyncadd.s32 $0xFFFFF000  }
0x2f: {  	[spmem:s2] =	stream.indirect.scatter.add.f32 [tilespmem:s12], [sflag:$0x1], $0x20, s15, s13, $0xb8;
	[tilespmem:$0x6A00] =	vst v63  }
0x30: {  	_ =	swait.ge [sflag:s11], $0x1000  }
0x31: {  	[sflag:s11] =	ssyncset.done $0x0  }
0x32: {  	[sflag:s11] =	ssyncadd.s32 $0xFFFFF000  }
0x33: {  	[spmem:s2] =	stream.indirect.scatter.add.f32 [tilespmem:s12], [sflag:$0x1], $0x20, s16, s13, $0xb8;
	[tilespmem:$0x6A00] =	vst v63  }
0x34: {  	_ =	swait.ge [sflag:s11], $0x1000  }
0x35: {  	[sflag:s11] =	ssyncset.done $0x0  }
0x36: {  	[sflag:s11] =	ssyncadd.s32 $0xFFFFF000  }
0x37: {  	[spmem:s2] =	stream.indirect.scatter.add.f32 [tilespmem:s12], [sflag:$0x1], $0x20, s17, s13, $0xb8;
	[tilespmem:$0x6A00] =	vst v63  }
0x38: {  	_ =	swait.ge [sflag:s11], $0x1000  }
0x39: {  	[sflag:s11] =	ssyncset.done $0x0  }
0x3a: {  	[sflag:s11] =	ssyncadd.s32 $0xFFFFF000  }
0x3b: {  	[spmem:s2] =	stream.indirect.scatter.add.f32 [tilespmem:s12], [sflag:$0x1], $0x20, s18, s13, $0xb8;
	[tilespmem:$0x6A00] =	vst v63  }
0x3c: {  	_ =	swait.ge [sflag:s11], $0x1000  }
0x3d: {  	[sflag:s11] =	ssyncset.done $0x0  }
0x3e: {  	[sflag:s11] =	ssyncadd.s32 $0xFFFFF000  }
0x3f: {  	[spmem:s2] =	stream.indirect.scatter.add.f32 [tilespmem:s12], [sflag:$0x1], $0x20, s19, s13, $0xb8;
	[tilespmem:$0x6A00] =	vst v63  }
0x40: {  	_ =	swait.ge [sflag:s11], $0x1000  }
0x41: {  	[sflag:s11] =	ssyncset.done $0x0  }
0x42: {  	[sflag:s11] =	ssyncadd.s32 $0xFFFFF000  }
0x43: {  	[spmem:s2] =	stream.indirect.scatter.add.f32 [tilespmem:s12], [sflag:$0x1], $0x20, s20, s13, $0xb8;
	[tilespmem:$0x6A00] =	vst v63  }
0x44: {  	_ =	swait.ge [sflag:s11], $0x1000  }
0x45: {  	[sflag:s11] =	ssyncset.done $0x0  }
0x46: {  	[sflag:s11] =	ssyncadd.s32 $0xFFFFF000  }
0x47: {  	[spmem:s2] =	stream.indirect.scatter.add.f32 [tilespmem:s12], [sflag:$0x1], $0x20, s21, s13, $0xb8;
	[tilespmem:$0x6A00] =	vst v63  }
0x48: {  	_ =	swait.ge [sflag:s11], $0x1000  }
0x49: {  	[sflag:s11] =	ssyncset.done $0x0  }
0x4a: {  	[sflag:s11] =	ssyncadd.s32 $0xFFFFF000  }
0x4b: {  	[spmem:s2] =	stream.indirect.scatter.add.f32 [tilespmem:s12], [sflag:$0x1], $0x20, s22, s13, $0xb8;
	[tilespmem:$0x6A00] =	vst v63  }
0x4c: {  	_ =	swait.ge [sflag:s11], $0x1000  }
0x4d: {  	[sflag:s11] =	ssyncset.done $0x0  }
0x4e: {  	[sflag:s11] =	ssyncadd.s32 $0xFFFFF000  }
0x4f: {  	[spmem:s2] =	stream.indirect.scatter.add.f32 [tilespmem:s12], [sflag:$0x1], $0x20, s23, s13, $0xb8;
	[tilespmem:$0x6A00] =	vst v63  }
0x50: {  	_ =	swait.ge [sflag:s11], $0x1000  }
0x51: {  	[sflag:s11] =	ssyncset.done $0x0  }
0x52: {  	[sflag:s11] =	ssyncadd.s32 $0xFFFFF000  }
0x53: {  	[spmem:s2] =	stream.indirect.scatter.add.f32 [tilespmem:s12], [sflag:$0x1], $0x20, s24, s13, $0xb8;
	[tilespmem:$0x6A00] =	vst v63  }
0x54: {  	_ =	swait.ge [sflag:s11], $0x1000  }
0x55: {  	[sflag:s11] =	ssyncset.done $0x0  }
0x56: {  	[sflag:s11] =	ssyncadd.s32 $0xFFFFF000  }
0x57: {  	[spmem:s2] =	stream.indirect.scatter.add.f32 [tilespmem:s12], [sflag:$0x1], $0x20, s25, s13, $0xb8;
	[tilespmem:$0x6A00] =	vst v63  }
0x58: {  	_ =	swait.ge [sflag:s11], $0x1000  }
0x59: {  	[sflag:s11] =	ssyncset.done $0x0  }
0x5a: {  	[sflag:s11] =	ssyncadd.s32 $0xFFFFF000  }
0x5b: {  	[spmem:s2] =	stream.indirect.scatter.add.f32 [tilespmem:s12], [sflag:$0x1], $0x20, s26, s13, $0xb8;
	[tilespmem:$0x6A00] =	vst v63  }
0x5c: {  	_ =	swait.ge [sflag:s11], $0x1000  }
0x5d: {  	[sflag:s11] =	ssyncset.done $0x0  }
0x5e: {  	[sflag:s11] =	ssyncadd.s32 $0xFFFFF000  }
0x5f: {  	[spmem:s2] =	stream.indirect.scatter.add.f32 [tilespmem:s12], [sflag:$0x1], $0x20, s28, s13, $0xb8;
	[tilespmem:$0x6A00] =	vst v63  }
0x60: {  	_ =	swait.ge [sflag:s11], $0x1000  }
0x61: {  	[sflag:s11] =	ssyncset.done $0x0  }
0x62: {  	[sflag:s11] =	ssyncadd.s32 $0xFFFFF000  }
0x63: {  	[spmem:s2] =	stream.indirect.scatter.add.f32 [tilespmem:s12], [sflag:$0x1], $0x20, s29, s13, $0xb8;
	[tilespmem:$0x6A00] =	vst v63  }
0x64: {  	_ =	swait.ge [sflag:s11], $0x1000  }
0x65: {  	[sflag:s11] =	ssyncset.done $0x0  }
0x66: {  	[sflag:s11] =	ssyncadd.s32 $0xFFFFF000  }
0x67: {  	[spmem:s2] =	stream.indirect.scatter.add.f32 [tilespmem:s12], [sflag:$0x1], $0x20, s30, s13, $0xb8;
	[tilespmem:$0x6A00] =	vst v63  }
0x68: {  	_ =	swait.ge [sflag:s11], $0x1000  }
0x69: {  	[sflag:s11] =	ssyncset.done $0x0  }
0x6a: {  	[sflag:s11] =	ssyncadd.s32 $0xFFFFF000  }
0x6b: {  	[spmem:s2] =	stream.indirect.scatter.add.f32 [tilespmem:s12], [sflag:$0x1], $0x20, s31, s13, $0xb8;
	[tilespmem:$0x6A00] =	vst v63  }
0x6c: {  	_ =	swait.ge [sflag:s11], $0x1000  }
0x6d: {  	[sflag:s11] =	ssyncset.done $0x0  }
0x6e: {  	[sflag:s11] =	ssyncadd.s32 $0xFFFFF000  }
0x6f: {  	[spmem:s2] =	stream.indirect.scatter.add.f32 [tilespmem:s12], [sflag:$0x1], $0x20, s0, s13, $0xb8;
	[tilespmem:$0x6A00] =	vst v63  }
0x70: {  	_ =	swait.ge [sflag:s11], $0x1000  }
0x71: {  	s5 =	simm.s32 $0x280;
	s4 =	simm.s32 $0x140;
	[sflag:s11] =	ssyncset.done $0x0  }
.LBB2_2:
0x72: {  	s8 =	sadd.s32 s4, s9  }
0x73: {  	[sflag:s11] =	ssyncadd.s32 $0xFFFFF000;
	s4 =	smov.u32 s5;
	s7 =	sadd.s32 $0x140, s5  }
0x74: {  	[tilespmem:s3], [sflag:$0x1] =	stream.linear.gather [hbm4b:s8+s3], $0xA00, $0x38;
	[tilespmem:$0x6A00] =	vst v63  }
0x75: {  	p0 =	sne.s32 s5, $0x3C0;
	_ =	swait.ge [sflag:s11], $0xA00  }
0x76: {  	[sflag:s11] =	ssyncset.done $0x0  }
0x77: {  	[sflag:s11] =	ssyncadd.s32 $0xFFFFF600  }
0x78: {  	[spmem:s2] =	stream.indirect.scatter.add.f32 [tilespmem:s12], [sflag:$0x1], $0x20, s3, s13, $0xb8;
	[tilespmem:$0x6A00] =	vst v63  }
0x79: {  	_ =	swait.ge [sflag:s11], $0x1000  }
0x7a: {  	[sflag:s11] =	ssyncset.done $0x0  }
0x7b: {  	[sflag:s11] =	ssyncadd.s32 $0xFFFFF000  }
0x7c: {  	[spmem:s2] =	stream.indirect.scatter.add.f32 [tilespmem:s12], [sflag:$0x1], $0x20, s13, s13, $0xb8;
	[tilespmem:$0x6A00] =	vst v63  }
0x7d: {  	_ =	swait.ge [sflag:s11], $0x1000  }
0x7e: {  	[sflag:s11] =	ssyncset.done $0x0  }
0x7f: {  	[sflag:s11] =	ssyncadd.s32 $0xFFFFF000  }
0x80: {  	[spmem:s2] =	stream.indirect.scatter.add.f32 [tilespmem:s12], [sflag:$0x1], $0x20, s14, s13, $0xb8;
	[tilespmem:$0x6A00] =	vst v63  }
0x81: {  	_ =	swait.ge [sflag:s11], $0x1000  }
0x82: {  	[sflag:s11] =	ssyncset.done $0x0  }
0x83: {  	[sflag:s11] =	ssyncadd.s32 $0xFFFFF000  }
0x84: {  	[spmem:s2] =	stream.indirect.scatter.add.f32 [tilespmem:s12], [sflag:$0x1], $0x20, s15, s13, $0xb8;
	[tilespmem:$0x6A00] =	vst v63  }
0x85: {  	_ =	swait.ge [sflag:s11], $0x1000  }
0x86: {  	[sflag:s11] =	ssyncset.done $0x0  }
0x87: {  	[sflag:s11] =	ssyncadd.s32 $0xFFFFF000  }
0x88: {  	[spmem:s2] =	stream.indirect.scatter.add.f32 [tilespmem:s12], [sflag:$0x1], $0x20, s16, s13, $0xb8;
	[tilespmem:$0x6A00] =	vst v63  }
0x89: {  	_ =	swait.ge [sflag:s11], $0x1000  }
0x8a: {  	[sflag:s11] =	ssyncset.done $0x0  }
0x8b: {  	[sflag:s11] =	ssyncadd.s32 $0xFFFFF000  }
0x8c: {  	[spmem:s2] =	stream.indirect.scatter.add.f32 [tilespmem:s12], [sflag:$0x1], $0x20, s17, s13, $0xb8;
	[tilespmem:$0x6A00] =	vst v63  }
0x8d: {  	_ =	swait.ge [sflag:s11], $0x1000  }
0x8e: {  	[sflag:s11] =	ssyncset.done $0x0  }
0x8f: {  	[sflag:s11] =	ssyncadd.s32 $0xFFFFF000  }
0x90: {  	[spmem:s2] =	stream.indirect.scatter.add.f32 [tilespmem:s12], [sflag:$0x1], $0x20, s18, s13, $0xb8;
	[tilespmem:$0x6A00] =	vst v63  }
0x91: {  	_ =	swait.ge [sflag:s11], $0x1000  }
0x92: {  	[sflag:s11] =	ssyncset.done $0x0  }
0x93: {  	[sflag:s11] =	ssyncadd.s32 $0xFFFFF000  }
0x94: {  	[spmem:s2] =	stream.indirect.scatter.add.f32 [tilespmem:s12], [sflag:$0x1], $0x20, s19, s13, $0xb8;
	[tilespmem:$0x6A00] =	vst v63  }
0x95: {  	_ =	swait.ge [sflag:s11], $0x1000  }
0x96: {  	[sflag:s11] =	ssyncset.done $0x0  }
0x97: {  	[sflag:s11] =	ssyncadd.s32 $0xFFFFF000  }
0x98: {  	[spmem:s2] =	stream.indirect.scatter.add.f32 [tilespmem:s12], [sflag:$0x1], $0x20, s20, s13, $0xb8;
	[tilespmem:$0x6A00] =	vst v63  }
0x99: {  	_ =	swait.ge [sflag:s11], $0x1000  }
0x9a: {  	[sflag:s11] =	ssyncset.done $0x0  }
0x9b: {  	[sflag:s11] =	ssyncadd.s32 $0xFFFFF000  }
0x9c: {  	[spmem:s2] =	stream.indirect.scatter.add.f32 [tilespmem:s12], [sflag:$0x1], $0x20, s21, s13, $0xb8;
	[tilespmem:$0x6A00] =	vst v63  }
0x9d: {  	_ =	swait.ge [sflag:s11], $0x1000  }
0x9e: {  	[sflag:s11] =	ssyncset.done $0x0  }
0x9f: {  	[sflag:s11] =	ssyncadd.s32 $0xFFFFF000  }
0xa0: {  	[spmem:s2] =	stream.indirect.scatter.add.f32 [tilespmem:s12], [sflag:$0x1], $0x20, s22, s13, $0xb8;
	[tilespmem:$0x6A00] =	vst v63  }
0xa1: {  	_ =	swait.ge [sflag:s11], $0x1000  }
0xa2: {  	[sflag:s11] =	ssyncset.done $0x0  }
0xa3: {  	[sflag:s11] =	ssyncadd.s32 $0xFFFFF000  }
0xa4: {  	[spmem:s2] =	stream.indirect.scatter.add.f32 [tilespmem:s12], [sflag:$0x1], $0x20, s23, s13, $0xb8;
	[tilespmem:$0x6A00] =	vst v63  }
0xa5: {  	_ =	swait.ge [sflag:s11], $0x1000  }
0xa6: {  	[sflag:s11] =	ssyncset.done $0x0  }
0xa7: {  	[sflag:s11] =	ssyncadd.s32 $0xFFFFF000  }
0xa8: {  	[spmem:s2] =	stream.indirect.scatter.add.f32 [tilespmem:s12], [sflag:$0x1], $0x20, s24, s13, $0xb8;
	[tilespmem:$0x6A00] =	vst v63  }
0xa9: {  	_ =	swait.ge [sflag:s11], $0x1000  }
0xaa: {  	[sflag:s11] =	ssyncset.done $0x0  }
0xab: {  	[sflag:s11] =	ssyncadd.s32 $0xFFFFF000  }
0xac: {  	[spmem:s2] =	stream.indirect.scatter.add.f32 [tilespmem:s12], [sflag:$0x1], $0x20, s25, s13, $0xb8;
	[tilespmem:$0x6A00] =	vst v63  }
0xad: {  	_ =	swait.ge [sflag:s11], $0x1000  }
0xae: {  	[sflag:s11] =	ssyncset.done $0x0  }
0xaf: {  	[sflag:s11] =	ssyncadd.s32 $0xFFFFF000  }
0xb0: {  	[spmem:s2] =	stream.indirect.scatter.add.f32 [tilespmem:s12], [sflag:$0x1], $0x20, s26, s13, $0xb8;
	[tilespmem:$0x6A00] =	vst v63  }
0xb1: {  	_ =	swait.ge [sflag:s11], $0x1000  }
0xb2: {  	[sflag:s11] =	ssyncset.done $0x0  }
0xb3: {  	[sflag:s11] =	ssyncadd.s32 $0xFFFFF000  }
0xb4: {  	[spmem:s2] =	stream.indirect.scatter.add.f32 [tilespmem:s12], [sflag:$0x1], $0x20, s28, s13, $0xb8;
	[tilespmem:$0x6A00] =	vst v63  }
0xb5: {  	_ =	swait.ge [sflag:s11], $0x1000  }
0xb6: {  	[sflag:s11] =	ssyncset.done $0x0  }
0xb7: {  	[sflag:s11] =	ssyncadd.s32 $0xFFFFF000  }
0xb8: {  	[spmem:s2] =	stream.indirect.scatter.add.f32 [tilespmem:s12], [sflag:$0x1], $0x20, s29, s13, $0xb8;
	[tilespmem:$0x6A00] =	vst v63  }
0xb9: {  	_ =	swait.ge [sflag:s11], $0x1000  }
0xba: {  	[sflag:s11] =	ssyncset.done $0x0  }
0xbb: {  	[sflag:s11] =	ssyncadd.s32 $0xFFFFF000  }
0xbc: {  	[spmem:s2] =	stream.indirect.scatter.add.f32 [tilespmem:s12], [sflag:$0x1], $0x20, s30, s13, $0xb8;
	[tilespmem:$0x6A00] =	vst v63  }
0xbd: {  	_ =	swait.ge [sflag:s11], $0x1000  }
0xbe: {  	[sflag:s11] =	ssyncset.done $0x0  }
0xbf: {  	[sflag:s11] =	ssyncadd.s32 $0xFFFFF000  }
0xc0: {  	[spmem:s2] =	stream.indirect.scatter.add.f32 [tilespmem:s12], [sflag:$0x1], $0x20, s31, s13, $0xb8;
	[tilespmem:$0x6A00] =	vst v63  }
0xc1: {  	_ =	swait.ge [sflag:s11], $0x1000  }
.Ltmp0:
0xc2: {  	[sflag:s11] =	ssyncset.done $0x0;
	(pc) =	sbr.rel @p0 .LBB2_2-.Ltmp0, $4  }
0xc3: {  	[sflag:s11] =	ssyncadd.s32 $0xFFFFF000  }
0xc4: {  	[spmem:s2] =	stream.indirect.scatter.add.f32 [tilespmem:s12], [sflag:$0x1], $0x20, s0, s13, $0xb8;
	[tilespmem:$0x6A00] =	vst v63  }
0xc5: {  	_ =	swait.ge [sflag:s11], $0x1000  }
0xc6: {  	s5 =	smov.u32 s7;
	[sflag:s11] =	ssyncset.done $0x0  }
0xc7: {  	s4 =	sadd.s32 s4, s9;
	[sflag:s11] =	ssyncadd.s32 $0xFFFFF000  }
0xc8: {  	[tilespmem:s3], [sflag:$0x1] =	stream.linear.gather [hbm4b:s4+s3], $0xA00, $0x38;
	[tilespmem:$0x6A00] =	vst v63  }
0xc9: {  	_ =	swait.ge [sflag:s11], $0xA00  }
0xca: {  	[sflag:s11] =	ssyncset.done $0x0  }
0xcb: {  	[sflag:s11] =	ssyncadd.s32 $0xFFFFF600  }
0xcc: {  	[spmem:s2] =	stream.indirect.scatter.add.f32 [tilespmem:s12], [sflag:$0x1], $0x20, s3, s13, $0xb8;
	[tilespmem:$0x6A00] =	vst v63  }
0xcd: {  	_ =	swait.ge [sflag:s11], $0x1000  }
0xce: {  	[sflag:s11] =	ssyncset.done $0x0  }
0xcf: {  	[sflag:s11] =	ssyncadd.s32 $0xFFFFF000  }
0xd0: {  	[spmem:s2] =	stream.indirect.scatter.add.f32 [tilespmem:s12], [sflag:$0x1], $0x20, s13, s13, $0xb8;
	[tilespmem:$0x6A00] =	vst v63  }
0xd1: {  	_ =	swait.ge [sflag:s11], $0x1000  }
0xd2: {  	[sflag:s11] =	ssyncset.done $0x0  }
0xd3: {  	[sflag:s11] =	ssyncadd.s32 $0xFFFFF000  }
0xd4: {  	[spmem:s2] =	stream.indirect.scatter.add.f32 [tilespmem:s12], [sflag:$0x1], $0x20, s14, s13, $0xb8;
	[tilespmem:$0x6A00] =	vst v63  }
0xd5: {  	_ =	swait.ge [sflag:s11], $0x1000  }
0xd6: {  	[sflag:s11] =	ssyncset.done $0x0  }
0xd7: {  	[sflag:s11] =	ssyncadd.s32 $0xFFFFF000  }
0xd8: {  	[spmem:s2] =	stream.indirect.scatter.add.f32 [tilespmem:s12], [sflag:$0x1], $0x20, s15, s13, $0xb8;
	[tilespmem:$0x6A00] =	vst v63  }
0xd9: {  	_ =	swait.ge [sflag:s11], $0x1000  }
0xda: {  	[sflag:s11] =	ssyncset.done $0x0  }
0xdb: {  	[sflag:s11] =	ssyncadd.s32 $0xFFFFF000  }
0xdc: {  	[spmem:s2] =	stream.indirect.scatter.add.f32 [tilespmem:s12], [sflag:$0x1], $0x20, s16, s13, $0xb8;
	[tilespmem:$0x6A00] =	vst v63  }
0xdd: {  	_ =	swait.ge [sflag:s11], $0x1000  }
0xde: {  	[sflag:s11] =	ssyncset.done $0x0  }
0xdf: {  	[sflag:s11] =	ssyncadd.s32 $0xFFFFF000  }
0xe0: {  	[spmem:s2] =	stream.indirect.scatter.add.f32 [tilespmem:s12], [sflag:$0x1], $0x20, s17, s13, $0xb8;
	[tilespmem:$0x6A00] =	vst v63  }
0xe1: {  	_ =	swait.ge [sflag:s11], $0x1000  }
0xe2: {  	[sflag:s11] =	ssyncset.done $0x0  }
0xe3: {  	[sflag:s11] =	ssyncadd.s32 $0xFFFFF000  }
0xe4: {  	[spmem:s2] =	stream.indirect.scatter.add.f32 [tilespmem:s12], [sflag:$0x1], $0x20, s18, s13, $0xb8;
	[tilespmem:$0x6A00] =	vst v63  }
0xe5: {  	_ =	swait.ge [sflag:s11], $0x1000  }
0xe6: {  	[sflag:s11] =	ssyncset.done $0x0  }
0xe7: {  	[sflag:s11] =	ssyncadd.s32 $0xFFFFF000  }
0xe8: {  	[spmem:s2] =	stream.indirect.scatter.add.f32 [tilespmem:s12], [sflag:$0x1], $0x20, s19, s13, $0xb8;
	[tilespmem:$0x6A00] =	vst v63  }
0xe9: {  	_ =	swait.ge [sflag:s11], $0x1000  }
0xea: {  	[sflag:s11] =	ssyncset.done $0x0  }
0xeb: {  	[sflag:s11] =	ssyncadd.s32 $0xFFFFF000  }
0xec: {  	[spmem:s2] =	stream.indirect.scatter.add.f32 [tilespmem:s12], [sflag:$0x1], $0x20, s20, s13, $0xb8;
	[tilespmem:$0x6A00] =	vst v63  }
0xed: {  	_ =	swait.ge [sflag:s11], $0x1000  }
0xee: {  	[sflag:s11] =	ssyncset.done $0x0  }
0xef: {  	[sflag:s11] =	ssyncadd.s32 $0xFFFFF000  }
0xf0: {  	[spmem:s2] =	stream.indirect.scatter.add.f32 [tilespmem:s12], [sflag:$0x1], $0x20, s21, s13, $0xb8;
	[tilespmem:$0x6A00] =	vst v63  }
0xf1: {  	_ =	swait.ge [sflag:s11], $0x1000  }
0xf2: {  	[sflag:s11] =	ssyncset.done $0x0  }
0xf3: {  	[sflag:s11] =	ssyncadd.s32 $0xFFFFF000  }
0xf4: {  	[spmem:s2] =	stream.indirect.scatter.add.f32 [tilespmem:s12], [sflag:$0x1], $0x20, s22, s13, $0xb8;
	[tilespmem:$0x6A00] =	vst v63  }
0xf5: {  	_ =	swait.ge [sflag:s11], $0x1000  }
0xf6: {  	[sflag:s11] =	ssyncset.done $0x0  }
0xf7: {  	[sflag:s11] =	ssyncadd.s32 $0xFFFFF000  }
0xf8: {  	[spmem:s2] =	stream.indirect.scatter.add.f32 [tilespmem:s12], [sflag:$0x1], $0x20, s23, s13, $0xb8;
	[tilespmem:$0x6A00] =	vst v63  }
0xf9: {  	_ =	swait.ge [sflag:s11], $0x1000  }
0xfa: {  	[sflag:s11] =	ssyncset.done $0x0  }
0xfb: {  	[sflag:s11] =	ssyncadd.s32 $0xFFFFF000  }
0xfc: {  	[spmem:s2] =	stream.indirect.scatter.add.f32 [tilespmem:s12], [sflag:$0x1], $0x20, s24, s13, $0xb8;
	[tilespmem:$0x6A00] =	vst v63  }
0xfd: {  	_ =	swait.ge [sflag:s11], $0x1000  }
0xfe: {  	[sflag:s11] =	ssyncset.done $0x0  }
0xff: {  	[sflag:s11] =	ssyncadd.s32 $0xFFFFF000  }
0x100: {  	[spmem:s2] =	stream.indirect.scatter.add.f32 [tilespmem:s12], [sflag:$0x1], $0x20, s25, s13, $0xb8;
	[tilespmem:$0x6A00] =	vst v63  }
0x101: {  	_ =	swait.ge [sflag:s11], $0x1000  }
0x102: {  	[sflag:s11] =	ssyncset.done $0x0  }
0x103: {  	[sflag:s11] =	ssyncadd.s32 $0xFFFFF000  }
0x104: {  	[spmem:s2] =	stream.indirect.scatter.add.f32 [tilespmem:s12], [sflag:$0x1], $0x20, s26, s13, $0xb8;
	[tilespmem:$0x6A00] =	vst v63  }
0x105: {  	_ =	swait.ge [sflag:s11], $0x1000  }
0x106: {  	[sflag:s11] =	ssyncset.done $0x0  }
0x107: {  	[sflag:s11] =	ssyncadd.s32 $0xFFFFF000  }
0x108: {  	[spmem:s2] =	stream.indirect.scatter.add.f32 [tilespmem:s12], [sflag:$0x1], $0x20, s28, s13, $0xb8;
	[tilespmem:$0x6A00] =	vst v63  }
0x109: {  	_ =	swait.ge [sflag:s11], $0x1000  }
0x10a: {  	[sflag:s11] =	ssyncset.done $0x0  }
0x10b: {  	[sflag:s11] =	ssyncadd.s32 $0xFFFFF000  }
0x10c: {  	[spmem:s2] =	stream.indirect.scatter.add.f32 [tilespmem:s12], [sflag:$0x1], $0x20, s29, s13, $0xb8;
	[tilespmem:$0x6A00] =	vst v63  }
0x10d: {  	_ =	swait.ge [sflag:s11], $0x1000  }
0x10e: {  	[sflag:s11] =	ssyncset.done $0x0  }
0x10f: {  	[sflag:s11] =	ssyncadd.s32 $0xFFFFF000  }
0x110: {  	[spmem:s2] =	stream.indirect.scatter.add.f32 [tilespmem:s12], [sflag:$0x1], $0x20, s30, s13, $0xb8;
	[tilespmem:$0x6A00] =	vst v63  }
0x111: {  	_ =	swait.ge [sflag:s11], $0x1000  }
0x112: {  	[sflag:s11] =	ssyncset.done $0x0  }
0x113: {  	[sflag:s11] =	ssyncadd.s32 $0xFFFFF000  }
0x114: {  	[spmem:s2] =	stream.indirect.scatter.add.f32 [tilespmem:s12], [sflag:$0x1], $0x20, s31, s13, $0xb8;
	[tilespmem:$0x6A00] =	vst v63  }
0x115: {  	_ =	swait.ge [sflag:s11], $0x1000  }
0x116: {  	[sflag:s11] =	ssyncset.done $0x0  }
0x117: {  	[sflag:s11] =	ssyncadd.s32 $0xFFFFF000  }
0x118: {  	[spmem:s2] =	stream.indirect.scatter.add.f32 [tilespmem:s12], [sflag:$0x1], $0x20, s0, s13, $0xb8;
	[tilespmem:$0x6A00] =	vst v63  }
0x119: {  	_ =	swait.ge [sflag:s11], $0x1000  }
0x11a: {  	[sflag:s11] =	ssyncset.done $0x0  }
0x11b: {  	[sflag:s11] =	ssyncadd.s32 $0xFFFFF000  }
0x11c: {  	[bflag:$0x0] =	sbarrier.arrive $0xFFFF  }
0x11d: {  	s7 =	rddreg [dreg:$0x5]  }
0x11e: {  	[hbm:s7], [sflag:s6] =	dma.local [spmem:s10], $0xA00  }
0x11f: {  	_ =	swait.ge [sflag:s11], $0xA00  }
0x120: {  	s1 =	sadd.s32 $0x1, s1;
	s8 =	rddreg [dreg:$0x6]  }
0x121: {  	p0 =	sne.s32 s1, s8  }
.Ltmp1:
0x122: {  	_ = 	snop;
	(pc) =	sbr.rel @p0 .LBB2_1-.Ltmp1, $3  }
0x123: {  	_ =	sdelay $0x1  }
0x124: {  	[sflag:s11] =	ssyncset.done $0x0  }
0x125: {  	[sflag:s11] =	ssyncadd.s32 $0xFFFFF600  }
0x126: {  	_ =	sfence.sel $0x180000  }
0x127: {  	[bflag:$0x0] =	sbarrier.arrive $0xFFFF  }
0x128: {  	_ =	strace $0x90000047  }
0x129: {  	s0 =	stileid.u32;
	[bflag:$0x2] =	sbarrier.arrive $0xFFFF  }
0x12a: {  	p0 =	sne.s32 s0, $0x0;
	s0 =	rddreg [dreg:$0x2]  }
0x12b: {  	s0 =	sadd.s32 @!p0 $0x100000, s0  }
0x12c: {  	[sflag:s0] =	ssyncadd.tile.s32 @!p0 $0x1;
	_ =	shalt  }
.Lfunc_end2:
_tile_overlayer_lowered:
.L_overlay_start_2:
0x12d: {  	(tag) =	ssettag $0x2  }
0x12e: {  	s0 =	rddreg [dreg:$0x0];
	s2 =	stileid.u32  }
0x12f: {  	s1 =	rddreg [dreg:$0x1];
	p0 =	sne.s32 s2, $0x0  }
0x130: {  	s3 =	rddreg [dreg:$0x2];
	[bflag:$0x3] =	sbarrier.arrive $0xFFFF;
	s2 =	simm.s32 @!p0 $0x1C01  }
0x131: {  	[timem:s3], [sflag:s2] =	dma.local @!p0 [hbm:s0], s1  }
0x132: {  	s0 =	simm.s32 @!p0 $0x1  }
0x133: {  	_ =	swait.ge @!p0 [sflag:s0], s1  }
0x134: {  	s1 =	ssub.s32 @!p0 $0x0, s1;
	[sflag:s0] =	ssyncset.done @!p0 $0x0  }
0x135: {  	[sflag:s0] =	ssyncadd.s32 @!p0 s1  }
0x136: {  	[bflag:$0x3] =	sbarrier.arrive $0xFFFF  }
0x137: {  	_ =	shalt  }

// kernel: kernel.13.cloned.1.call-start
scs
__scs_entry_jumppad:
0x0: {  	(pc) =	sbr.rel $0x88, $3  }
0x1: {  	(tag) =	ssettag $0x0;
	lr =	simm.s32 $0x1  }
0x2: {  	[smem:$0x3F94] =	sst lr;
	_ =	strace $0xD0000000  }
0x3: {  	_ = 	snop  }
0x4: {  	_ = 	snop  }
0x5: {  	_ = 	snop  }
0x6: {  	_ = 	snop  }
0x7: {  	_ = 	snop  }
__scs_overlays_trampoline_lowered:
0x8: {  	[smem:$0x3FA3] =	sst s0  }
0x9: {  	[smem:$0x3FA4] =	sst s1  }
0xa: {  	[smem:$0x3FA5] =	sst s2  }
0xb: {  	[smem:$0x3FA6] =	sst s3  }
0xc: {  	[smem:$0x3FA7] =	sst s4  }
0xd: {  	[smem:$0x3FA8] =	sst s5  }
0xe: {  	[smem:$0x3FA9] =	sst s6  }
0xf: {  	[smem:$0x3FAA] =	sst s7  }
0x10: {  	[smem:$0x3FAB] =	sst s8  }
0x11: {  	[smem:$0x3FAC] =	sst s9;
	s0 =	simm.s32 @!p0 $0x0  }
0x12: {  	s1 =	sld [smem:$0x3F92];
	s0 =	simm.s32 @p0 $0x1  }
0x13: {  	[smem:$0x3FAD] =	sst s0;
	s0 =	simm.s32 @!p1 $0x0  }
0x14: {  	s2 =	sld [smem:$0x3F91];
	s0 =	simm.s32 @p1 $0x1  }
0x15: {  	[smem:$0x3FAE] =	sst s0;
	s0 =	simm.s32 @!p2 $0x0  }
0x16: {  	s3 =	sld [smem:$0x3FDB];
	s0 =	simm.s32 @p2 $0x1  }
0x17: {  	s4 =	simm.s32 $0x1BF5;
	[smem:$0x3FB0] =	sst s0  }
0x18: {  	s0 =	sld [smem:$0x3F93];
	_ =	swait.ge [sflag:s4], $0x0  }
0x19: {  	s7 =	sld [smem:$0x3F94]  }
0x1a: {  	s8 =	sadd.s32 $0xFFFFE003, lr  }
0x1b: {  	s9 =	sadd.s32 $0xFFFFFEF7, lr;
	s5 =	simm.s32 $0xFFFFFFFF;
	p2 =	slt.u32 s8, $0xFFFFF086  }
0x1c: {  	p1 =	slt.u32 s9, $0xF7A;
	s5 =	simm.s32 @!p2 $0x0  }
0x1d: {  	s5 =	simm.s32 @p1 $0x1;
	p0 =	seq.s32 s7, s2  }
0x1e: {  	s7 =	smul.u32 @!p0 $0xF7A, s2;
	p2 =	seq.s32 @!p0 s5, $0x0  }
0x1f: {  	s9 =	smul.u32 $0xF7A, s1;
	s8 =	simm.s32 @!p0 $0x1BF5;
	p2 =	por !p2, p0  }
0x20: {  	[sflag:s8] =	ssyncset.s32 @!p0 $0xFFFFF086;
	s6 =	sadd.s32 @!p0 s3, s7;
	s7 =	simm.s32 @!p0 $0x108  }
0x21: {  	s3 =	sadd.s32 s3, s9;
	s6 =	sadd.s32 @!p0 $0x88, s6;
	s7 =	simm.s32 @p2 $0x1082  }
0x22: {  	[simem:s7], [sflag:s8] =	dma.local @!p0 [hbm:s6], $0xF7A  }
0x23: {  	s9 =	sor.u32 $0xD0000000, s2;
	s6 =	simm.s32 $0x108;
	_ =	swait.ge @!p0 [sflag:s8], $0x0  }
0x24: {  	s3 =	sadd.s32 $0x88, s3;
	s6 =	simm.s32 @!p1 $0x1082;
	[sflag:s4] =	ssyncset.s32 $0xFFFFF086  }
0x25: {  	[simem:s6], [sflag:s4] =	dma.local [hbm:s3], $0xF7A  }
0x26: {  	[smem:$0x3F94] =	sst s1;
	(tag) =	ssettag s2;
	_ =	strace s9  }
0x27: {  	s1 =	sld [smem:$0x3FA4]  }
0x28: {  	s2 =	sld [smem:$0x3FA5]  }
0x29: {  	s4 =	sld [smem:$0x3FA7]  }
0x2a: {  	p0 =	seq.s32 s5, $0x0;
	s5 =	sld [smem:$0x3FA8]  }
0x2b: {  	s6 =	sld [smem:$0x3FA9]  }
0x2c: {  	s7 =	sld [smem:$0x3FAA]  }
0x2d: {  	s3 =	simm.s32 $0x108;
	s8 =	sld [smem:$0x3FAB]  }
0x2e: {  	s3 =	simm.s32 @!p0 $0x1082;
	s9 =	sld [smem:$0x3FAC]  }
0x2f: {  	lr =	sadd.s32 s0, s3;
	s0 =	sld [smem:$0x3FA3]  }
0x30: {  	s3 =	sld [smem:$0x3FA6]  }
0x31: {  	[smem:$0x3FAF] =	sst s10  }
0x32: {  	s10 =	sld [smem:$0x3FAD];
	_ =	sdelay $0x3  }
0x33: {  	p0 =	seq.s32 s10, $0x1;
	s10 =	sld [smem:$0x3FAF];
	_ =	sdelay $0x3  }
0x34: {  	[smem:$0x3FAF] =	sst s10  }
0x35: {  	s10 =	sld [smem:$0x3FAE];
	_ =	sdelay $0x3  }
0x36: {  	p1 =	seq.s32 s10, $0x1;
	s10 =	sld [smem:$0x3FAF];
	_ =	sdelay $0x3  }
0x37: {  	[smem:$0x3FAF] =	sst s10  }
0x38: {  	s10 =	sld [smem:$0x3FB0]  }
0x39: {  	_ = 	snop;
	(pc) =	sbr.ind lr, $3  }
0x3a: {  	_ = 	snop  }
0x3b: {  	_ = 	snop  }
0x3c: {  	p2 =	seq.s32 s10, $0x1;
	s10 =	sld [smem:$0x3FAF]  }
0x3d: {  	_ =	shalt  }
0x3e: {  	_ =	shalt  }
0x3f: {  	_ =	shalt  }
0x40: {  	_ =	shalt  }
0x41: {  	_ =	shalt  }
0x42: {  	_ =	shalt  }
0x43: {  	_ =	shalt  }
0x44: {  	_ =	shalt  }
0x45: {  	_ =	shalt  }
0x46: {  	_ =	shalt  }
0x47: {  	_ =	shalt  }
0x48: {  	_ =	shalt  }
0x49: {  	_ =	shalt  }
0x4a: {  	_ =	shalt  }
0x4b: {  	_ =	shalt  }
0x4c: {  	_ =	shalt  }
0x4d: {  	_ =	shalt  }
0x4e: {  	_ =	shalt  }
0x4f: {  	_ =	shalt  }
0x50: {  	_ =	shalt  }
0x51: {  	_ =	shalt  }
0x52: {  	_ =	shalt  }
0x53: {  	_ =	shalt  }
0x54: {  	_ =	shalt  }
0x55: {  	_ =	shalt  }
0x56: {  	_ =	shalt  }
0x57: {  	_ =	shalt  }
0x58: {  	_ =	shalt  }
0x59: {  	_ =	shalt  }
0x5a: {  	_ =	shalt  }
0x5b: {  	_ =	shalt  }
0x5c: {  	_ =	shalt  }
0x5d: {  	_ =	shalt  }
0x5e: {  	_ =	shalt  }
0x5f: {  	_ =	shalt  }
0x60: {  	_ =	shalt  }
0x61: {  	_ =	shalt  }
0x62: {  	_ =	shalt  }
0x63: {  	_ =	shalt  }
0x64: {  	_ =	shalt  }
0x65: {  	_ =	shalt  }
0x66: {  	_ =	shalt  }
0x67: {  	_ =	shalt  }
0x68: {  	_ =	shalt  }
0x69: {  	_ =	shalt  }
0x6a: {  	_ =	shalt  }
0x6b: {  	_ =	shalt  }
0x6c: {  	_ =	shalt  }
0x6d: {  	_ =	shalt  }
0x6e: {  	_ =	shalt  }
0x6f: {  	_ =	shalt  }
0x70: {  	_ =	shalt  }
0x71: {  	_ =	shalt  }
0x72: {  	_ =	shalt  }
0x73: {  	_ =	shalt  }
0x74: {  	_ =	shalt  }
0x75: {  	_ =	shalt  }
0x76: {  	_ =	shalt  }
0x77: {  	_ =	shalt  }
0x78: {  	_ =	shalt  }
0x79: {  	_ =	shalt  }
0x7a: {  	_ =	shalt  }
0x7b: {  	_ =	shalt  }
0x7c: {  	_ =	shalt  }
0x7d: {  	_ =	shalt  }
0x7e: {  	_ =	shalt  }
0x7f: {  	_ =	shalt  }
0x80: {  	_ =	shalt  }
0x81: {  	_ =	shalt  }
0x82: {  	_ =	shalt  }
0x83: {  	_ =	shalt  }
0x84: {  	_ =	shalt  }
0x85: {  	_ =	shalt  }
0x86: {  	_ =	shalt  }
0x87: {  	_ =	shalt  }
.Lfunc_end0:
.L_simem_size_0:
called_computation.1_lowered:
.L_overlay_start_0:
0x88: {  	s2 =	sld [smem:$0x3FD9]  }
0x89: {  	s3 =	sld [smem:$0x3FFE];
	_ =	sdelay $0x1  }
0x8a: {  	s1 =	srdreg.scid  }
0x8b: {  	s0 =	sand.u32 $0x1, s1  }
0x8c: {  	s16 =	sshll.u32 s0, $0xA;
	s2 =	sadd.s32 s3, s2  }
0x8d: {  	s2 =	sadd.s32 s2, s16  }
0x8e: {  	[smem:$0x3FBB] =	sst s2  }
0x8f: {  	_ = 	snop  }
0x90: {  	(tm) =	ssettm $0x1  }
0x91: {  	s17 =	sld [smem:$0x3FFB];
	_ =	sdelay $0x3  }
0x92: {  	_ =	strace s17  }
0x93: {  	s2 =	sld [smem:$0x3FFC];
	_ =	sdelay $0x3  }
0x94: {  	_ =	strace s2  }
0x95: {  	s2 =	sld [smem:$0x3FFD];
	_ =	sdelay $0x3  }
0x96: {  	_ =	strace s2  }
0x97: {  	_ =	strace $0x8FFFFFFF  }
0x98: {  	s18 =	sld [smem:$0x3FDB];
	_ =	sdelay $0x1  }
0x99: {  	s19 =	simm.s32 $_scs_section_size  }
0x9a: {  	s4 =	simm.s32 $_size__tile_overlayer_lowered;
	s5 =	simm.s32 $_tile_overlayer_lowered  }
0x9b: {  	s22 =	simm.s32 $0x1BFF;
	s21 =	sshll.u32 s5, $0x1;
	s2 =	sadd.s32 s19, s18  }
0x9c: {  	s6 =	simm.s32 $0x0;
	s20 =	sshll.u32 s4, $0x1;
	s4 =	sadd.s32 s21, s2  }
0x9d: {  	[timem:s6], [sflag:s22] =	dma.local [hbm:s4], s20  }
0x9e: {  	_ =	swait.ge [sflag:s22], s20  }
0x9f: {  	s3 =	ssub.s32 $0x0, s20;
	[sflag:s22] =	ssyncset.done $0x0  }
0xa0: {  	[sflag:s22] =	ssyncadd.s32 s3;
	_ =	sdelay $0x1  }
0xa1: {  	s23 =	simm.s32 $0x1B8B  }
0xa2: {  	_ =	swait.ge [sflag:s23], $0x1  }
0xa3: {  	[sflag:s23] =	ssyncset.done $0x0  }
0xa4: {  	s25 =	simm.s32 $0x1B8E;
	s24 =	sld [smem:$0x3FFE];
	[sflag:s23] =	ssyncadd.s32 $0xFFFFFFFF  }
0xa5: {  	s26 =	simm.s32 $execute0_lowered;
	[smem:$0x3FD2] =	sst s25  }
0xa6: {  	s4 =	sshll.u32 s26, $0x1;
	_ =	strace $0x80000049;
	[dreg:$0x1] =	wrdreg $0xFFFFFFFF  }
0xa7: {  	s28 =	simm.s32 $_size_execute0_lowered;
	s2 =	sadd.s32 s2, s4;
	[dreg:$0x0] =	wrdreg $0x0  }
0xa8: {  	s4 =	sshll.u32 s28, $0x1;
	[dreg:$0x2] =	wrdreg s2  }
0xa9: {  	[dreg:$0x3] =	wrdreg s4  }
0xaa: {  	[dreg:$0x4] =	wrdreg $0xC0  }
0xab: {  	_ =	task [dreg:s6], $0x5FFFF  }
0xac: {  	[dreg:$0x1] =	wrdreg $0xFFFFFFFF  }
0xad: {  	[dreg:$0x0] =	wrdreg $0x60  }
0xae: {  	[dreg:$0x2] =	wrdreg s24  }
0xaf: {  	[dreg:$0x3] =	wrdreg $0x50000  }
0xb0: {  	[dreg:$0x4] =	wrdreg $0x9  }
0xb1: {  	_ =	task.clear_ibuf [dreg:s6], $0x5FFFF;
	_ =	strace $0x90000049  }
0xb2: {  	s29 =	simm.s32 $0x9;
	_ =	strace $0x8000004B  }
0xb3: {  	_ =	swait.ge [sflag:s29], $0x1  }
0xb4: {  	[sflag:s29] =	ssyncadd.s32 $0xFFFFFFFF  }
0xb5: {  	_ =	strace $0x9000004B  }
0xb6: {  	_ =	sfence  }
0xb7: {  	s30 =	sld [smem:$0x0];
	_ =	sdelay $0x2  }
0xb8: {  	s31 =	sshll.u32 s1, $0xD;
	s1 =	sshrl.u32 s1, $0x2  }
0xb9: {  	s3 =	sand.u32 $0x4000, s31;
	s1 =	sadd.s32 s1, s30  }
0xba: {  	s0 =	sor.u32 s3, s0;
	s1 =	sshll.u32 s1, $0x11  }
0xbb: {  	s0 =	sor.u32 s1, s0  }
0xbc: {  	s0 =	sadd.s32 $0x8F2B, s0  }
0xbd: {  	[sflag:s0] =	ssyncadd.remote.s32 $0x1  }
0xbe: {  	_ =	sfence.sel $0xFFFF  }
0xbf: {  	[dreg:$0x0] =	wrdreg $0xFFFFFFFF;
	(pc) =	sbr.abs _section_cstart, $3  }
0xc0: {  	[dreg:$0x1] =	wrdreg $0xFFFFFFFF  }
0xc1: {  	_ =	task.clear_ibuf [dreg:s6], $0x2FFFF;
	_ =	strace $0x9FFFFFFF  }
0xc2: {  	(tm) =	ssettm $0x7FFFFFFF  }
0xc3: {  	_ =	shalt  }
tec
execute0_lowered:
.L_overlay_start_1:
0x0: {  	(tag) =	ssettag $0x1  }
0x1: {  	s7 =	rddreg [dreg:$0x0]  }
0x2: {  	s2 =	rddreg [dreg:$0x1]  }
0x3: {  	s0 =	rddreg [dreg:$0x2];
	s3 =	simm.s32 $0x0;
	s1 =	stileid.u32  }
0x4: {  	s4 =	srdreg.scid;
	s14 =	simm.s32 $0x800;
	s15 =	simm.s32 $0x40  }
0x5: {  	s16 =	simm.s32 $0x1000;
	s17 =	simm.s32 $0x3000;
	s18 =	simm.s32 $0x1  }
0x6: {  	s19 =	simm.s32 $0x2;
	s20 =	simm.s32 $0xF80;
	s21 =	simm.s32 $0xFC0  }
0x7: {  	[smem:$0x7FF] =	sst s3;
	s8 =	smul.u32 $0x14000, s1;
	s9 =	sand.u32 $0x1, s4  }
0x8: {  	s4 =	sadd.s32 $0x85400, s7;
	s5 =	sadd.s32 $0x2B400, s7;
	s6 =	sadd.s32 $0x3200, s7  }
0x9: {  	s31 =	sshll.u32 s1, $0x6;
	_ =	strace $0x8000004A;
	s10 =	smul.u32 $0x140000, s9  }
0xa: {  	s12 =	ssub.s32 $0x2, s9;
	s29 =	sshll.u32 s9, $0x4;
	s11 =	sshrl.u32 s8, $0x3  }
0xb: {  	s13 =	sshrl.u32 s12, $0x1;
	s30 =	sadd.s32 s8, s2;
	s9 =	sor.u32 s1, s29  }
0xc: {  	s10 =	sadd.s32 s8, s10;
	s11 =	sadd.s32 s11, s7;
	s12 =	ssub.s32 s12, s13  }
0xd: {  	s8 =	sor.u32 $0x1C03, s31;
	s9 =	smul.u32 $0x5, s9;
	s10 =	sshrl.u32 s10, $0x3  }
0xe: {  	s13 =	simm.s32 $0x3;
	s10 =	sadd.s32 s10, s7;
	s7 =	sadd.s32 $0xAD400, s11  }
0xf: {  	s11 =	smax.u32 s12, $0x1;
	s12 =	sshrl.u32 s30, $0x3;
	s10 =	sadd.s32 $0xD5400, s10  }
.LBB2_1:
0x10: {  	[spmem:s12], [sflag:s8] =	dma.local [hbm:s7], $0x2800  }
0x11: {  	_ =	swait.ge [sflag:s13], $0x2800  }
0x12: {  	[sflag:s13] =	ssyncset.done $0x0  }
0x13: {  	[sflag:s13] =	ssyncadd.s32 $0xFFFFD800  }
0x14: {  	s22 =	simm.s32 $0x0;
	[bflag:$0x0] =	sbarrier.arrive $0xFFFF  }
.LBB2_2:
0x15: {  	s23 =	sadd.s32 s9, s22  }
0x16: {  	s23 =	sshll.u32 s23, $0x8  }
0x17: {  	s25 =	simm.s32 $0x0;
	s24 =	sadd.s32 s5, s23  }
0x18: {  	[tilespmem:s25], [sflag:$0x3] =	stream.linear.gather [hbm4b:s24+s25], $0x800, $0x38;
	[tilespmem:$0x19000] =	vst v63  }
0x19: {  	_ =	swait.ge [sflag:s13], $0x800  }
0x1a: {  	[sflag:s13] =	ssyncset.done $0x0  }
0x1b: {  	s23 =	sadd.s32 s6, s23;
	[sflag:s13] =	ssyncadd.s32 $0xFFFFF800  }
0x1c: {  	[tilespmem:s14], [sflag:$0x3] =	stream.linear.gather [hbm4b:s23+s25], $0x800, $0x38;
	[tilespmem:$0x19000] =	vst v63  }
0x1d: {  	_ =	swait.ge [sflag:s13], $0x800  }
0x1e: {  	[sflag:s13] =	ssyncset.done $0x0  }
0x1f: {  	[sflag:s13] =	ssyncadd.s32 $0xFFFFF800  }
0x20: {  	[tilespmem:s16], [sflag:$0x1] =	stream.indirect.gather [hbm4b:s4+s15], $0x80, s25, s15, $0xb8;
	[tilespmem:$0x19000] =	vst v63  }
0x21: {  	_ = 	snop  }
0x22: {  	[tilespmem:s17], [sflag:$0x2] =	stream.indirect.gather [hbm4b:s4+s15], $0x80, s15, s15, $0xb8;
	[tilespmem:$0x19000] =	vst v63  }
0x23: {  	_ =	swait.ge [sflag:s18], $0x2000  }
0x24: {  	[sflag:s18] =	ssyncset.done $0x0  }
0x25: {  	s29 =	simm.s32 $0x800;
	[sflag:s18] =	ssyncadd.s32 $0xFFFFE000  }
0x26: {  	[spmem:s2] =	stream.indirect.scatter.add.f32 [tilespmem:s16], [sflag:$0x3], $0x80, s29, s15, $0xb8;
	[tilespmem:$0x19000] =	vst v63  }
0x27: {  	_ =	swait.ge [sflag:s13], $0x2000  }
0x28: {  	[sflag:s13] =	ssyncset.done $0x0  }
0x29: {  	s30 =	simm.s32 $0x80;
	[sflag:s13] =	ssyncadd.s32 $0xFFFFE000  }
0x2a: {  	[tilespmem:s16], [sflag:$0x1] =	stream.indirect.gather [hbm4b:s4+s15], $0x80, s30, s15, $0xb8;
	[tilespmem:$0x19000] =	vst v63  }
0x2b: {  	_ =	swait.ge [sflag:s19], $0x2000  }
0x2c: {  	[sflag:s19] =	ssyncset.done $0x0  }
0x2d: {  	s31 =	simm.s32 $0x840;
	[sflag:s19] =	ssyncadd.s32 $0xFFFFE000  }
0x2e: {  	[spmem:s2] =	stream.indirect.scatter.add.f32 [tilespmem:s17], [sflag:$0x3], $0x80, s31, s15, $0xb8;
	[tilespmem:$0x19000] =	vst v63  }
0x2f: {  	_ =	swait.ge [sflag:s13], $0x2000  }
0x30: {  	[sflag:s13] =	ssyncset.done $0x0  }
0x31: {  	s24 =	simm.s32 $0xC0;
	s23 =	simm.s32 $0x200;
	[sflag:s13] =	ssyncadd.s32 $0xFFFFE000  }
.LBB2_3:
0x32: {  	[tilespmem:s17], [sflag:$0x2] =	stream.indirect.gather [hbm4b:s4+s15], $0x80, s24, s15, $0xb8;
	[tilespmem:$0x19000] =	vst v63  }
0x33: {  	s24 =	smov.u32 s23  }
0x34: {  	p0 =	sne.s32 s23, $0x1C00;
	s23 =	sadd.s32 $0x200, s23;
	_ =	swait.ge [sflag:s18], $0x2000  }
0x35: {  	s24 =	sshra.s32 s24, $0x2;
	[sflag:s18] =	ssyncset.done $0x0  }
0x36: {  	s25 =	sadd.s32 $0x800, s24;
	[sflag:s18] =	ssyncadd.s32 $0xFFFFE000  }
0x37: {  	[spmem:s2] =	stream.indirect.scatter.add.f32 [tilespmem:s16], [sflag:$0x3], $0x80, s25, s15, $0xb8;
	[tilespmem:$0x19000] =	vst v63  }
0x38: {  	_ =	swait.ge [sflag:s13], $0x2000  }
0x39: {  	[sflag:s13] =	ssyncset.done $0x0  }
0x3a: {  	s25 =	sadd.s32 $0x80, s24;
	[sflag:s13] =	ssyncadd.s32 $0xFFFFE000  }
0x3b: {  	[tilespmem:s16], [sflag:$0x1] =	stream.indirect.gather [hbm4b:s4+s15], $0x80, s25, s15, $0xb8;
	[tilespmem:$0x19000] =	vst v63  }
0x3c: {  	_ =	swait.ge [sflag:s19], $0x2000  }
0x3d: {  	[sflag:s19] =	ssyncset.done $0x0  }
.Ltmp0:
0x3e: {  	s25 =	sadd.s32 $0x840, s24;
	[sflag:s19] =	ssyncadd.s32 $0xFFFFE000;
	(pc) =	sbr.rel @p0 .LBB2_3-.Ltmp0, $4  }
0x3f: {  	[spmem:s2] =	stream.indirect.scatter.add.f32 [tilespmem:s17], [sflag:$0x3], $0x80, s25, s15, $0xb8;
	[tilespmem:$0x19000] =	vst v63  }
0x40: {  	_ =	swait.ge [sflag:s13], $0x2000  }
0x41: {  	[sflag:s13] =	ssyncset.done $0x0  }
0x42: {  	s24 =	sadd.s32 $0xC0, s24;
	[sflag:s13] =	ssyncadd.s32 $0xFFFFE000  }
0x43: {  	[tilespmem:s17], [sflag:$0x2] =	stream.indirect.gather [hbm4b:s4+s15], $0x80, s24, s15, $0xb8;
	[tilespmem:$0x19000] =	vst v63  }
0x44: {  	_ =	swait.ge [sflag:s18], $0x2000  }
0x45: {  	[sflag:s18] =	ssyncset.done $0x0  }
0x46: {  	[sflag:s18] =	ssyncadd.s32 $0xFFFFE000  }
0x47: {  	[spmem:s2] =	stream.indirect.scatter.add.f32 [tilespmem:s16], [sflag:$0x3], $0x80, s20, s15, $0xb8;
	[tilespmem:$0x19000] =	vst v63  }
0x48: {  	_ =	swait.ge [sflag:s13], $0x2000  }
0x49: {  	[sflag:s13] =	ssyncset.done $0x0  }
0x4a: {  	[sflag:s13] =	ssyncadd.s32 $0xFFFFE000  }
0x4b: {  	s22 =	sadd.s32 $0x1, s22;
	_ =	swait.ge [sflag:s19], $0x2000  }
0x4c: {  	p0 =	sne.s32 s22, $0x5;
	[sflag:s19] =	ssyncset.done $0x0  }
.Ltmp1:
0x4d: {  	[sflag:s19] =	ssyncadd.s32 $0xFFFFE000;
	(pc) =	sbr.rel @p0 .LBB2_2-.Ltmp1, $4  }
0x4e: {  	[spmem:s2] =	stream.indirect.scatter.add.f32 [tilespmem:s17], [sflag:$0x3], $0x80, s21, s15, $0xb8;
	[tilespmem:$0x19000] =	vst v63  }
0x4f: {  	_ =	swait.ge [sflag:s13], $0x2000  }
0x50: {  	[sflag:s13] =	ssyncset.done $0x0  }
0x51: {  	[sflag:s13] =	ssyncadd.s32 $0xFFFFE000  }
0x52: {  	s3 =	sadd.s32 $0x1, s3  }
0x53: {  	p0 =	sne.s32 s3, s11  }
.Ltmp2:
0x54: {  	[bflag:$0x0] =	sbarrier.arrive $0xFFFF;
	(pc) =	sbr.rel @p0 .LBB2_1-.Ltmp2, $4  }
0x55: {  	[hbm:s10], [sflag:s8] =	dma.local [spmem:s12], $0x2800  }
0x56: {  	_ =	swait.ge [sflag:s13], $0x2800  }
0x57: {  	[sflag:s13] =	ssyncset.done $0x0  }
0x58: {  	[sflag:s13] =	ssyncadd.s32 $0xFFFFD800  }
0x59: {  	_ =	sfence.sel $0x180000  }
0x5a: {  	[bflag:$0x0] =	sbarrier.arrive $0xFFFF  }
0x5b: {  	p0 =	sne.s32 s1, $0x0;
	_ =	strace $0x9000004A  }
0x5c: {  	s0 =	sadd.s32 @!p0 $0x100000, s0;
	[bflag:$0x2] =	sbarrier.arrive $0xFFFF  }
0x5d: {  	[sflag:s0] =	ssyncadd.tile.s32 @!p0 $0x1;
	_ =	shalt  }
.Lfunc_end2:
_tile_overlayer_lowered:
.L_overlay_start_2:
0x5e: {  	(tag) =	ssettag $0x2  }
0x5f: {  	s0 =	rddreg [dreg:$0x0];
	s2 =	stileid.u32  }
0x60: {  	s1 =	rddreg [dreg:$0x1];
	p0 =	sne.s32 s2, $0x0  }
0x61: {  	s3 =	rddreg [dreg:$0x2];
	[bflag:$0x3] =	sbarrier.arrive $0xFFFF;
	s2 =	simm.s32 @!p0 $0x1C03  }
0x62: {  	[timem:s3], [sflag:s2] =	dma.local @!p0 [hbm:s0], s1  }
0x63: {  	s0 =	simm.s32 @!p0 $0x3  }
0x64: {  	_ =	swait.ge @!p0 [sflag:s0], s1  }
0x65: {  	s1 =	ssub.s32 @!p0 $0x0, s1;
	[sflag:s0] =	ssyncset.done @!p0 $0x0  }
0x66: {  	[sflag:s0] =	ssyncadd.s32 @!p0 s1  }
0x67: {  	[bflag:$0x3] =	sbarrier.arrive $0xFFFF  }
0x68: {  	_ =	shalt  }

// kernel: kernel.16.cloned.1.call-start
scs
__scs_entry_jumppad:
0x0: {  	(pc) =	sbr.rel $0x88, $3  }
0x1: {  	(tag) =	ssettag $0x0;
	lr =	simm.s32 $0x1  }
0x2: {  	[smem:$0x3F94] =	sst lr;
	_ =	strace $0xD0000000  }
0x3: {  	_ = 	snop  }
0x4: {  	_ = 	snop  }
0x5: {  	_ = 	snop  }
0x6: {  	_ = 	snop  }
0x7: {  	_ = 	snop  }
__scs_overlays_trampoline_lowered:
0x8: {  	[smem:$0x3FA3] =	sst s0  }
0x9: {  	[smem:$0x3FA4] =	sst s1  }
0xa: {  	[smem:$0x3FA5] =	sst s2  }
0xb: {  	[smem:$0x3FA6] =	sst s3  }
0xc: {  	[smem:$0x3FA7] =	sst s4  }
0xd: {  	[smem:$0x3FA8] =	sst s5  }
0xe: {  	[smem:$0x3FA9] =	sst s6  }
0xf: {  	[smem:$0x3FAA] =	sst s7  }
0x10: {  	[smem:$0x3FAB] =	sst s8  }
0x11: {  	[smem:$0x3FAC] =	sst s9;
	s0 =	simm.s32 @!p0 $0x0  }
0x12: {  	s1 =	sld [smem:$0x3F92];
	s0 =	simm.s32 @p0 $0x1  }
0x13: {  	[smem:$0x3FAD] =	sst s0;
	s0 =	simm.s32 @!p1 $0x0  }
0x14: {  	s2 =	sld [smem:$0x3F91];
	s0 =	simm.s32 @p1 $0x1  }
0x15: {  	[smem:$0x3FAE] =	sst s0;
	s0 =	simm.s32 @!p2 $0x0  }
0x16: {  	s3 =	sld [smem:$0x3FDB];
	s0 =	simm.s32 @p2 $0x1  }
0x17: {  	s4 =	simm.s32 $0x1BF5;
	[smem:$0x3FB0] =	sst s0  }
0x18: {  	s0 =	sld [smem:$0x3F93];
	_ =	swait.ge [sflag:s4], $0x0  }
0x19: {  	s7 =	sld [smem:$0x3F94]  }
0x1a: {  	s8 =	sadd.s32 $0xFFFFE003, lr  }
0x1b: {  	s9 =	sadd.s32 $0xFFFFFEF7, lr;
	s5 =	simm.s32 $0xFFFFFFFF;
	p2 =	slt.u32 s8, $0xFFFFF086  }
0x1c: {  	p1 =	slt.u32 s9, $0xF7A;
	s5 =	simm.s32 @!p2 $0x0  }
0x1d: {  	s5 =	simm.s32 @p1 $0x1;
	p0 =	seq.s32 s7, s2  }
0x1e: {  	s7 =	smul.u32 @!p0 $0xF7A, s2;
	p2 =	seq.s32 @!p0 s5, $0x0  }
0x1f: {  	s9 =	smul.u32 $0xF7A, s1;
	s8 =	simm.s32 @!p0 $0x1BF5;
	p2 =	por !p2, p0  }
0x20: {  	[sflag:s8] =	ssyncset.s32 @!p0 $0xFFFFF086;
	s6 =	sadd.s32 @!p0 s3, s7;
	s7 =	simm.s32 @!p0 $0x108  }
0x21: {  	s3 =	sadd.s32 s3, s9;
	s6 =	sadd.s32 @!p0 $0x88, s6;
	s7 =	simm.s32 @p2 $0x1082  }
0x22: {  	[simem:s7], [sflag:s8] =	dma.local @!p0 [hbm:s6], $0xF7A  }
0x23: {  	s9 =	sor.u32 $0xD0000000, s2;
	s6 =	simm.s32 $0x108;
	_ =	swait.ge @!p0 [sflag:s8], $0x0  }
0x24: {  	s3 =	sadd.s32 $0x88, s3;
	s6 =	simm.s32 @!p1 $0x1082;
	[sflag:s4] =	ssyncset.s32 $0xFFFFF086  }
0x25: {  	[simem:s6], [sflag:s4] =	dma.local [hbm:s3], $0xF7A  }
0x26: {  	[smem:$0x3F94] =	sst s1;
	(tag) =	ssettag s2;
	_ =	strace s9  }
0x27: {  	s1 =	sld [smem:$0x3FA4]  }
0x28: {  	s2 =	sld [smem:$0x3FA5]  }
0x29: {  	s4 =	sld [smem:$0x3FA7]  }
0x2a: {  	p0 =	seq.s32 s5, $0x0;
	s5 =	sld [smem:$0x3FA8]  }
0x2b: {  	s6 =	sld [smem:$0x3FA9]  }
0x2c: {  	s7 =	sld [smem:$0x3FAA]  }
0x2d: {  	s3 =	simm.s32 $0x108;
	s8 =	sld [smem:$0x3FAB]  }
0x2e: {  	s3 =	simm.s32 @!p0 $0x1082;
	s9 =	sld [smem:$0x3FAC]  }
0x2f: {  	lr =	sadd.s32 s0, s3;
	s0 =	sld [smem:$0x3FA3]  }
0x30: {  	s3 =	sld [smem:$0x3FA6]  }
0x31: {  	[smem:$0x3FAF] =	sst s10  }
0x32: {  	s10 =	sld [smem:$0x3FAD];
	_ =	sdelay $0x3  }
0x33: {  	p0 =	seq.s32 s10, $0x1;
	s10 =	sld [smem:$0x3FAF];
	_ =	sdelay $0x3  }
0x34: {  	[smem:$0x3FAF] =	sst s10  }
0x35: {  	s10 =	sld [smem:$0x3FAE];
	_ =	sdelay $0x3  }
0x36: {  	p1 =	seq.s32 s10, $0x1;
	s10 =	sld [smem:$0x3FAF];
	_ =	sdelay $0x3  }
0x37: {  	[smem:$0x3FAF] =	sst s10  }
0x38: {  	s10 =	sld [smem:$0x3FB0]  }
0x39: {  	_ = 	snop;
	(pc) =	sbr.ind lr, $3  }
0x3a: {  	_ = 	snop  }
0x3b: {  	_ = 	snop  }
0x3c: {  	p2 =	seq.s32 s10, $0x1;
	s10 =	sld [smem:$0x3FAF]  }
0x3d: {  	_ =	shalt  }
0x3e: {  	_ =	shalt  }
0x3f: {  	_ =	shalt  }
0x40: {  	_ =	shalt  }
0x41: {  	_ =	shalt  }
0x42: {  	_ =	shalt  }
0x43: {  	_ =	shalt  }
0x44: {  	_ =	shalt  }
0x45: {  	_ =	shalt  }
0x46: {  	_ =	shalt  }
0x47: {  	_ =	shalt  }
0x48: {  	_ =	shalt  }
0x49: {  	_ =	shalt  }
0x4a: {  	_ =	shalt  }
0x4b: {  	_ =	shalt  }
0x4c: {  	_ =	shalt  }
0x4d: {  	_ =	shalt  }
0x4e: {  	_ =	shalt  }
0x4f: {  	_ =	shalt  }
0x50: {  	_ =	shalt  }
0x51: {  	_ =	shalt  }
0x52: {  	_ =	shalt  }
0x53: {  	_ =	shalt  }
0x54: {  	_ =	shalt  }
0x55: {  	_ =	shalt  }
0x56: {  	_ =	shalt  }
0x57: {  	_ =	shalt  }
0x58: {  	_ =	shalt  }
0x59: {  	_ =	shalt  }
0x5a: {  	_ =	shalt  }
0x5b: {  	_ =	shalt  }
0x5c: {  	_ =	shalt  }
0x5d: {  	_ =	shalt  }
0x5e: {  	_ =	shalt  }
0x5f: {  	_ =	shalt  }
0x60: {  	_ =	shalt  }
0x61: {  	_ =	shalt  }
0x62: {  	_ =	shalt  }
0x63: {  	_ =	shalt  }
0x64: {  	_ =	shalt  }
0x65: {  	_ =	shalt  }
0x66: {  	_ =	shalt  }
0x67: {  	_ =	shalt  }
0x68: {  	_ =	shalt  }
0x69: {  	_ =	shalt  }
0x6a: {  	_ =	shalt  }
0x6b: {  	_ =	shalt  }
0x6c: {  	_ =	shalt  }
0x6d: {  	_ =	shalt  }
0x6e: {  	_ =	shalt  }
0x6f: {  	_ =	shalt  }
0x70: {  	_ =	shalt  }
0x71: {  	_ =	shalt  }
0x72: {  	_ =	shalt  }
0x73: {  	_ =	shalt  }
0x74: {  	_ =	shalt  }
0x75: {  	_ =	shalt  }
0x76: {  	_ =	shalt  }
0x77: {  	_ =	shalt  }
0x78: {  	_ =	shalt  }
0x79: {  	_ =	shalt  }
0x7a: {  	_ =	shalt  }
0x7b: {  	_ =	shalt  }
0x7c: {  	_ =	shalt  }
0x7d: {  	_ =	shalt  }
0x7e: {  	_ =	shalt  }
0x7f: {  	_ =	shalt  }
0x80: {  	_ =	shalt  }
0x81: {  	_ =	shalt  }
0x82: {  	_ =	shalt  }
0x83: {  	_ =	shalt  }
0x84: {  	_ =	shalt  }
0x85: {  	_ =	shalt  }
0x86: {  	_ =	shalt  }
0x87: {  	_ =	shalt  }
.Lfunc_end0:
.L_simem_size_0:
called_computation.2_lowered:
.L_overlay_start_0:
0x88: {  	s2 =	sld [smem:$0x3FD9]  }
0x89: {  	s3 =	sld [smem:$0x3FFE];
	_ =	sdelay $0x1  }
0x8a: {  	s1 =	srdreg.scid  }
0x8b: {  	s0 =	sand.u32 $0x1, s1  }
0x8c: {  	s16 =	sshll.u32 s0, $0xA;
	s2 =	sadd.s32 s3, s2  }
0x8d: {  	s2 =	sadd.s32 s2, s16  }
0x8e: {  	[smem:$0x3FBB] =	sst s2  }
0x8f: {  	_ = 	snop  }
0x90: {  	(tm) =	ssettm $0x1  }
0x91: {  	s17 =	sld [smem:$0x3FFB];
	_ =	sdelay $0x3  }
0x92: {  	_ =	strace s17  }
0x93: {  	s2 =	sld [smem:$0x3FFC];
	_ =	sdelay $0x3  }
0x94: {  	_ =	strace s2  }
0x95: {  	s2 =	sld [smem:$0x3FFD];
	_ =	sdelay $0x3  }
0x96: {  	_ =	strace s2  }
0x97: {  	_ =	strace $0x8FFFFFFF  }
0x98: {  	s18 =	sld [smem:$0x3FDB];
	_ =	sdelay $0x1  }
0x99: {  	s19 =	simm.s32 $_scs_section_size  }
0x9a: {  	s4 =	simm.s32 $_size__tile_overlayer_lowered;
	s5 =	simm.s32 $_tile_overlayer_lowered  }
0x9b: {  	s22 =	simm.s32 $0x1BFF;
	s21 =	sshll.u32 s5, $0x1;
	s2 =	sadd.s32 s19, s18  }
0x9c: {  	s6 =	simm.s32 $0x0;
	s20 =	sshll.u32 s4, $0x1;
	s4 =	sadd.s32 s21, s2  }
0x9d: {  	[timem:s6], [sflag:s22] =	dma.local [hbm:s4], s20  }
0x9e: {  	_ =	swait.ge [sflag:s22], s20  }
0x9f: {  	s3 =	ssub.s32 $0x0, s20;
	[sflag:s22] =	ssyncset.done $0x0  }
0xa0: {  	[sflag:s22] =	ssyncadd.s32 s3;
	_ =	sdelay $0x1  }
0xa1: {  	s23 =	simm.s32 $0x1B8B  }
0xa2: {  	_ =	swait.ge [sflag:s23], $0x1  }
0xa3: {  	[sflag:s23] =	ssyncset.done $0x0  }
0xa4: {  	s25 =	simm.s32 $0x1B8E;
	s24 =	sld [smem:$0x3FFE];
	[sflag:s23] =	ssyncadd.s32 $0xFFFFFFFF  }
0xa5: {  	s26 =	simm.s32 $execute0_lowered;
	[smem:$0x3FD2] =	sst s25  }
0xa6: {  	s4 =	sshll.u32 s26, $0x1;
	_ =	strace $0x8000004C;
	[dreg:$0x1] =	wrdreg $0xFFFFFFFF  }
0xa7: {  	s28 =	simm.s32 $_size_execute0_lowered;
	s2 =	sadd.s32 s2, s4;
	[dreg:$0x0] =	wrdreg $0x0  }
0xa8: {  	s4 =	sshll.u32 s28, $0x1;
	[dreg:$0x2] =	wrdreg s2  }
0xa9: {  	[dreg:$0x3] =	wrdreg s4  }
0xaa: {  	[dreg:$0x4] =	wrdreg $0xC0  }
0xab: {  	_ =	task [dreg:s6], $0x5FFFF  }
0xac: {  	[dreg:$0x1] =	wrdreg $0xFFFFFFFF  }
0xad: {  	[dreg:$0x0] =	wrdreg $0x60  }
0xae: {  	[dreg:$0x2] =	wrdreg s24  }
0xaf: {  	[dreg:$0x3] =	wrdreg $0x54000  }
0xb0: {  	[dreg:$0x4] =	wrdreg $0x9  }
0xb1: {  	_ =	task.clear_ibuf [dreg:s6], $0x5FFFF;
	_ =	strace $0x9000004C  }
0xb2: {  	s29 =	simm.s32 $0x9;
	_ =	strace $0x8000004E  }
0xb3: {  	_ =	swait.ge [sflag:s29], $0x1  }
0xb4: {  	[sflag:s29] =	ssyncadd.s32 $0xFFFFFFFF  }
0xb5: {  	_ =	strace $0x9000004E  }
0xb6: {  	_ =	sfence  }
0xb7: {  	s30 =	sld [smem:$0x0];
	_ =	sdelay $0x2  }
0xb8: {  	s31 =	sshll.u32 s1, $0xD;
	s1 =	sshrl.u32 s1, $0x2  }
0xb9: {  	s3 =	sand.u32 $0x4000, s31;
	s1 =	sadd.s32 s1, s30  }
0xba: {  	s0 =	sor.u32 s3, s0;
	s1 =	sshll.u32 s1, $0x11  }
0xbb: {  	s0 =	sor.u32 s1, s0  }
0xbc: {  	s0 =	sadd.s32 $0x8F2B, s0  }
0xbd: {  	[sflag:s0] =	ssyncadd.remote.s32 $0x1  }
0xbe: {  	_ =	sfence.sel $0xFFFF  }
0xbf: {  	[dreg:$0x0] =	wrdreg $0xFFFFFFFF;
	(pc) =	sbr.abs _section_cstart, $3  }
0xc0: {  	[dreg:$0x1] =	wrdreg $0xFFFFFFFF  }
0xc1: {  	_ =	task.clear_ibuf [dreg:s6], $0x2FFFF;
	_ =	strace $0x9FFFFFFF  }
0xc2: {  	(tm) =	ssettm $0x7FFFFFFF  }
0xc3: {  	_ =	shalt  }
tec
execute0_lowered:
.L_overlay_start_1:
0x0: {  	(tag) =	ssettag $0x1  }
0x1: {  	s0 =	srdreg.scid;
	s1 =	rddreg [dreg:$0x0]  }
0x2: {  	s9 =	stileid.u32;
	s2 =	rddreg [dreg:$0x1];
	s3 =	simm.s32 $0x0  }
0x3: {  	s22 =	simm.s32 $0x100;
	s23 =	simm.s32 $0xA80;
	[smem:$0x7FF] =	sst s3  }
0x4: {  	s24 =	simm.s32 $0x180;
	_ =	strace $0x8000004D;
	[dreg:$0x5] =	wrdreg s22  }
0x5: {  	s25 =	simm.s32 $0xB00;
	s26 =	simm.s32 $0x200;
	[dreg:$0x6] =	wrdreg s23  }
0x6: {  	s11 =	simm.s32 $0x280;
	s12 =	simm.s32 $0xC00;
	[dreg:$0x7] =	wrdreg s24  }
0x7: {  	s13 =	simm.s32 $0x300;
	s15 =	simm.s32 $0xC80;
	[dreg:$0x8] =	wrdreg s25  }
0x8: {  	s17 =	simm.s32 $0x380;
	s18 =	simm.s32 $0xD00;
	[dreg:$0x9] =	wrdreg s26  }
0x9: {  	s19 =	simm.s32 $0x400;
	s20 =	simm.s32 $0xD80;
	[dreg:$0xb] =	wrdreg s11  }
0xa: {  	s28 =	simm.s32 $0x880;
	s29 =	simm.s32 $0x1200;
	[dreg:$0xc] =	wrdreg s12  }
0xb: {  	s30 =	simm.s32 $0x900;
	s31 =	simm.s32 $0x1280;
	[dreg:$0xd] =	wrdreg s13  }
0xc: {  	s0 =	sand.u32 $0x1, s0;
	s5 =	smul.u32 $0x500, s9;
	[dreg:$0xe] =	wrdreg s15  }
0xd: {  	s6 =	smul.u32 $0xA000, s9;
	s16 =	sshll.u32 s9, $0x6;
	[dreg:$0xf] =	wrdreg s17  }
0xe: {  	s9 =	simm.s32 $0x0;
	s4 =	smul.u32 $0x5000, s0;
	[dreg:$0x10] =	wrdreg s18  }
0xf: {  	s21 =	smul.u32 $0xA0000, s0;
	s0 =	ssub.s32 $0x2, s0;
	[dreg:$0x11] =	wrdreg s19  }
0x10: {  	[dreg:$0x12] =	wrdreg s20;
	s22 =	simm.s32 $0xE00;
	s11 =	simm.s32 $0xA00  }
0x11: {  	s23 =	simm.s32 $0x500;
	s12 =	simm.s32 $0x80;
	s24 =	simm.s32 $0xE80  }
0x12: {  	s13 =	simm.s32 $0x1400;
	s25 =	simm.s32 $0x580;
	[dreg:$0x14] =	wrdreg s22  }
0x13: {  	s26 =	simm.s32 $0xF00;
	s15 =	simm.s32 $0x1;
	[dreg:$0x15] =	wrdreg s23  }
0x14: {  	s17 =	simm.s32 $0x600;
	s18 =	simm.s32 $0xF80;
	[dreg:$0x16] =	wrdreg s24  }
0x15: {  	s19 =	simm.s32 $0x680;
	s20 =	simm.s32 $0x1000;
	[dreg:$0x17] =	wrdreg s25  }
0x16: {  	s8 =	sshrl.u32 s6, $0x3;
	s10 =	sshrl.u32 s0, $0x1;
	[dreg:$0x18] =	wrdreg s26  }
0x17: {  	s22 =	simm.s32 $0x1080;
	s23 =	simm.s32 $0x780;
	s24 =	simm.s32 $0x1100  }
0x18: {  	s25 =	simm.s32 $0x800;
	s26 =	simm.s32 $0x1180;
	s8 =	sadd.s32 s8, s1  }
0x19: {  	s4 =	sadd.s32 s4, s1;
	s0 =	ssub.s32 s0, s10;
	s14 =	sadd.s32 $0x85400, s8  }
0x1a: {  	s5 =	sadd.s32 s5, s4;
	s0 =	smax.u32 s0, $0x1;
	[dreg:$0x19] =	wrdreg s14  }
0x1b: {  	s10 =	simm.s32 $0x3;
	s7 =	sadd.s32 $0x2B400, s5;
	[dreg:$0x1c] =	wrdreg s0  }
0x1c: {  	s4 =	sadd.s32 $0x17200, s1;
	s5 =	sadd.s32 $0x3200, s5;
	[dreg:$0x3] =	wrdreg s7  }
0x1d: {  	s14 =	simm.s32 $0x3400;
	s0 =	simm.s32 $0x1300;
	[dreg:$0x4] =	wrdreg s5  }
0x1e: {  	s7 =	sadd.s32 s6, s21;
	s6 =	sadd.s32 s6, s2;
	s21 =	simm.s32 $0x480  }
0x1f: {  	s7 =	sshrl.u32 s7, $0x3;
	s8 =	sshrl.u32 s6, $0x3;
	[dreg:$0x13] =	wrdreg s21  }
0x20: {  	s1 =	sadd.s32 s7, s1;
	s7 =	simm.s32 $0xB80;
	[dreg:$0x1d] =	wrdreg s8  }
0x21: {  	s5 =	simm.s32 $0x1380;
	[dreg:$0xa] =	wrdreg s7;
	s1 =	sadd.s32 $0x99400, s1  }
0x22: {  	s21 =	simm.s32 $0x700;
	s7 =	sor.u32 $0x1C03, s16;
	[dreg:$0x1b] =	wrdreg s1  }
0x23: {  	s16 =	simm.s32 $0x2;
	s1 =	simm.s32 $0x980;
	[dreg:$0x1a] =	wrdreg s7  }
.LBB2_1:
0x24: {  	[dreg:$0x1e] =	wrdreg s9  }
0x25: {  	s6 =	rddreg [dreg:$0x19]  }
0x26: {  	[spmem:s8], [sflag:s7] =	dma.local [hbm:s6], $0x1400  }
0x27: {  	_ =	swait.ge [sflag:s10], $0x1400  }
0x28: {  	[sflag:s10] =	ssyncset.done $0x0  }
0x29: {  	[sflag:s10] =	ssyncadd.s32 $0xFFFFEC00  }
0x2a: {  	[bflag:$0x0] =	sbarrier.arrive $0xFFFF  }
0x2b: {  	s9 =	rddreg [dreg:$0x3]  }
0x2c: {  	s6 =	sadd.s32 $0x0, s9  }
0x2d: {  	[tilespmem:s3], [sflag:$0x3] =	stream.linear.gather [hbm4b:s6+s3], $0xA00, $0x38;
	[tilespmem:$0xF400] =	vst v63  }
0x2e: {  	_ =	swait.ge [sflag:s10], $0xA00  }
0x2f: {  	s7 =	rddreg [dreg:$0x4];
	[sflag:s10] =	ssyncset.done $0x0  }
0x30: {  	[sflag:s10] =	ssyncadd.s32 $0xFFFFF600;
	s6 =	sadd.s32 $0x0, s7  }
0x31: {  	[tilespmem:s11], [sflag:$0x3] =	stream.linear.gather [hbm4b:s6+s3], $0xA00, $0x38;
	[tilespmem:$0xF400] =	vst v63  }
0x32: {  	_ =	swait.ge [sflag:s10], $0xA00  }
0x33: {  	[sflag:s10] =	ssyncset.done $0x0  }
0x34: {  	[sflag:s10] =	ssyncadd.s32 $0xFFFFF600  }
0x35: {  	[tilespmem:s13], [sflag:$0x1] =	stream.indirect.gather [hbm4b:s4+s12], $0x40, s3, s12, $0xb8;
	[tilespmem:$0xF400] =	vst v63  }
0x36: {  	_ = 	snop  }
0x37: {  	[tilespmem:s14], [sflag:$0x2] =	stream.indirect.gather [hbm4b:s4+s12], $0x40, s12, s12, $0xb8;
	[tilespmem:$0xF400] =	vst v63  }
0x38: {  	_ =	swait.ge [sflag:s15], $0x2000  }
0x39: {  	[sflag:s15] =	ssyncset.done $0x0  }
0x3a: {  	[sflag:s15] =	ssyncadd.s32 $0xFFFFE000  }
0x3b: {  	[spmem:s2] =	stream.indirect.scatter.add.f32 [tilespmem:s13], [sflag:$0x3], $0x40, s11, s12, $0xb8;
	[tilespmem:$0xF400] =	vst v63  }
0x3c: {  	_ =	swait.ge [sflag:s10], $0x2000  }
0x3d: {  	[sflag:s10] =	ssyncset.done $0x0  }
0x3e: {  	s8 =	rddreg [dreg:$0x5];
	[sflag:s10] =	ssyncadd.s32 $0xFFFFE000  }
0x3f: {  	[tilespmem:s13], [sflag:$0x1] =	stream.indirect.gather [hbm4b:s4+s12], $0x40, s8, s12, $0xb8;
	[tilespmem:$0xF400] =	vst v63  }
0x40: {  	_ =	swait.ge [sflag:s16], $0x2000  }
0x41: {  	[sflag:s16] =	ssyncset.done $0x0  }
0x42: {  	s9 =	rddreg [dreg:$0x6];
	[sflag:s16] =	ssyncadd.s32 $0xFFFFE000  }
0x43: {  	[spmem:s2] =	stream.indirect.scatter.add.f32 [tilespmem:s14], [sflag:$0x3], $0x40, s9, s12, $0xb8;
	[tilespmem:$0xF400] =	vst v63  }
0x44: {  	_ =	swait.ge [sflag:s10], $0x2000  }
0x45: {  	[sflag:s10] =	ssyncset.done $0x0  }
0x46: {  	s7 =	rddreg [dreg:$0x7];
	[sflag:s10] =	ssyncadd.s32 $0xFFFFE000  }
0x47: {  	[tilespmem:s14], [sflag:$0x2] =	stream.indirect.gather [hbm4b:s4+s12], $0x40, s7, s12, $0xb8;
	[tilespmem:$0xF400] =	vst v63  }
0x48: {  	_ =	swait.ge [sflag:s15], $0x2000  }
0x49: {  	[sflag:s15] =	ssyncset.done $0x0  }
0x4a: {  	s8 =	rddreg [dreg:$0x8];
	[sflag:s15] =	ssyncadd.s32 $0xFFFFE000  }
0x4b: {  	[spmem:s2] =	stream.indirect.scatter.add.f32 [tilespmem:s13], [sflag:$0x3], $0x40, s8, s12, $0xb8;
	[tilespmem:$0xF400] =	vst v63  }
0x4c: {  	_ =	swait.ge [sflag:s10], $0x2000  }
0x4d: {  	[sflag:s10] =	ssyncset.done $0x0  }
0x4e: {  	s9 =	rddreg [dreg:$0x9];
	[sflag:s10] =	ssyncadd.s32 $0xFFFFE000  }
0x4f: {  	[tilespmem:s13], [sflag:$0x1] =	stream.indirect.gather [hbm4b:s4+s12], $0x40, s9, s12, $0xb8;
	[tilespmem:$0xF400] =	vst v63  }
0x50: {  	_ =	swait.ge [sflag:s16], $0x2000  }
0x51: {  	[sflag:s16] =	ssyncset.done $0x0  }
0x52: {  	s7 =	rddreg [dreg:$0xa];
	[sflag:s16] =	ssyncadd.s32 $0xFFFFE000  }
0x53: {  	[spmem:s2] =	stream.indirect.scatter.add.f32 [tilespmem:s14], [sflag:$0x3], $0x40, s7, s12, $0xb8;
	[tilespmem:$0xF400] =	vst v63  }
0x54: {  	_ =	swait.ge [sflag:s10], $0x2000  }
0x55: {  	[sflag:s10] =	ssyncset.done $0x0  }
0x56: {  	s8 =	rddreg [dreg:$0xb];
	[sflag:s10] =	ssyncadd.s32 $0xFFFFE000  }
0x57: {  	[tilespmem:s14], [sflag:$0x2] =	stream.indirect.gather [hbm4b:s4+s12], $0x40, s8, s12, $0xb8;
	[tilespmem:$0xF400] =	vst v63  }
0x58: {  	_ =	swait.ge [sflag:s15], $0x2000  }
0x59: {  	[sflag:s15] =	ssyncset.done $0x0  }
0x5a: {  	s9 =	rddreg [dreg:$0xc];
	[sflag:s15] =	ssyncadd.s32 $0xFFFFE000  }
0x5b: {  	[spmem:s2] =	stream.indirect.scatter.add.f32 [tilespmem:s13], [sflag:$0x3], $0x40, s9, s12, $0xb8;
	[tilespmem:$0xF400] =	vst v63  }
0x5c: {  	_ =	swait.ge [sflag:s10], $0x2000  }
0x5d: {  	[sflag:s10] =	ssyncset.done $0x0  }
0x5e: {  	s7 =	rddreg [dreg:$0xd];
	[sflag:s10] =	ssyncadd.s32 $0xFFFFE000  }
0x5f: {  	[tilespmem:s13], [sflag:$0x1] =	stream.indirect.gather [hbm4b:s4+s12], $0x40, s7, s12, $0xb8;
	[tilespmem:$0xF400] =	vst v63  }
0x60: {  	_ =	swait.ge [sflag:s16], $0x2000  }
0x61: {  	[sflag:s16] =	ssyncset.done $0x0  }
0x62: {  	s8 =	rddreg [dreg:$0xe];
	[sflag:s16] =	ssyncadd.s32 $0xFFFFE000  }
0x63: {  	[spmem:s2] =	stream.indirect.scatter.add.f32 [tilespmem:s14], [sflag:$0x3], $0x40, s8, s12, $0xb8;
	[tilespmem:$0xF400] =	vst v63  }
0x64: {  	_ =	swait.ge [sflag:s10], $0x2000  }
0x65: {  	[sflag:s10] =	ssyncset.done $0x0  }
0x66: {  	s9 =	rddreg [dreg:$0xf];
	[sflag:s10] =	ssyncadd.s32 $0xFFFFE000  }
0x67: {  	[tilespmem:s14], [sflag:$0x2] =	stream.indirect.gather [hbm4b:s4+s12], $0x40, s9, s12, $0xb8;
	[tilespmem:$0xF400] =	vst v63  }
0x68: {  	_ =	swait.ge [sflag:s15], $0x2000  }
0x69: {  	[sflag:s15] =	ssyncset.done $0x0  }
0x6a: {  	s7 =	rddreg [dreg:$0x10];
	[sflag:s15] =	ssyncadd.s32 $0xFFFFE000  }
0x6b: {  	[spmem:s2] =	stream.indirect.scatter.add.f32 [tilespmem:s13], [sflag:$0x3], $0x40, s7, s12, $0xb8;
	[tilespmem:$0xF400] =	vst v63  }
0x6c: {  	_ =	swait.ge [sflag:s10], $0x2000  }
0x6d: {  	[sflag:s10] =	ssyncset.done $0x0  }
0x6e: {  	s8 =	rddreg [dreg:$0x11];
	[sflag:s10] =	ssyncadd.s32 $0xFFFFE000  }
0x6f: {  	[tilespmem:s13], [sflag:$0x1] =	stream.indirect.gather [hbm4b:s4+s12], $0x40, s8, s12, $0xb8;
	[tilespmem:$0xF400] =	vst v63  }
0x70: {  	_ =	swait.ge [sflag:s16], $0x2000  }
0x71: {  	[sflag:s16] =	ssyncset.done $0x0  }
0x72: {  	s9 =	rddreg [dreg:$0x12];
	[sflag:s16] =	ssyncadd.s32 $0xFFFFE000  }
0x73: {  	[spmem:s2] =	stream.indirect.scatter.add.f32 [tilespmem:s14], [sflag:$0x3], $0x40, s9, s12, $0xb8;
	[tilespmem:$0xF400] =	vst v63  }
0x74: {  	_ =	swait.ge [sflag:s10], $0x2000  }
0x75: {  	[sflag:s10] =	ssyncset.done $0x0  }
0x76: {  	s7 =	rddreg [dreg:$0x13];
	[sflag:s10] =	ssyncadd.s32 $0xFFFFE000  }
0x77: {  	[tilespmem:s14], [sflag:$0x2] =	stream.indirect.gather [hbm4b:s4+s12], $0x40, s7, s12, $0xb8;
	[tilespmem:$0xF400] =	vst v63  }
0x78: {  	_ =	swait.ge [sflag:s15], $0x2000  }
0x79: {  	[sflag:s15] =	ssyncset.done $0x0  }
0x7a: {  	s8 =	rddreg [dreg:$0x14];
	[sflag:s15] =	ssyncadd.s32 $0xFFFFE000  }
0x7b: {  	[spmem:s2] =	stream.indirect.scatter.add.f32 [tilespmem:s13], [sflag:$0x3], $0x40, s8, s12, $0xb8;
	[tilespmem:$0xF400] =	vst v63  }
0x7c: {  	_ =	swait.ge [sflag:s10], $0x2000  }
0x7d: {  	[sflag:s10] =	ssyncset.done $0x0  }
0x7e: {  	s9 =	rddreg [dreg:$0x15];
	[sflag:s10] =	ssyncadd.s32 $0xFFFFE000  }
0x7f: {  	[tilespmem:s13], [sflag:$0x1] =	stream.indirect.gather [hbm4b:s4+s12], $0x40, s9, s12, $0xb8;
	[tilespmem:$0xF400] =	vst v63  }
0x80: {  	_ =	swait.ge [sflag:s16], $0x2000  }
0x81: {  	[sflag:s16] =	ssyncset.done $0x0  }
0x82: {  	s7 =	rddreg [dreg:$0x16];
	[sflag:s16] =	ssyncadd.s32 $0xFFFFE000  }
0x83: {  	[spmem:s2] =	stream.indirect.scatter.add.f32 [tilespmem:s14], [sflag:$0x3], $0x40, s7, s12, $0xb8;
	[tilespmem:$0xF400] =	vst v63  }
0x84: {  	_ =	swait.ge [sflag:s10], $0x2000  }
0x85: {  	[sflag:s10] =	ssyncset.done $0x0  }
0x86: {  	s8 =	rddreg [dreg:$0x17];
	[sflag:s10] =	ssyncadd.s32 $0xFFFFE000  }
0x87: {  	[tilespmem:s14], [sflag:$0x2] =	stream.indirect.gather [hbm4b:s4+s12], $0x40, s8, s12, $0xb8;
	[tilespmem:$0xF400] =	vst v63  }
0x88: {  	_ =	swait.ge [sflag:s15], $0x2000  }
0x89: {  	[sflag:s15] =	ssyncset.done $0x0  }
0x8a: {  	s9 =	rddreg [dreg:$0x18];
	[sflag:s15] =	ssyncadd.s32 $0xFFFFE000  }
0x8b: {  	[spmem:s2] =	stream.indirect.scatter.add.f32 [tilespmem:s13], [sflag:$0x3], $0x40, s9, s12, $0xb8;
	[tilespmem:$0xF400] =	vst v63  }
0x8c: {  	_ =	swait.ge [sflag:s10], $0x2000  }
0x8d: {  	[sflag:s10] =	ssyncset.done $0x0  }
0x8e: {  	[sflag:s10] =	ssyncadd.s32 $0xFFFFE000  }
0x8f: {  	[tilespmem:s13], [sflag:$0x1] =	stream.indirect.gather [hbm4b:s4+s12], $0x40, s17, s12, $0xb8;
	[tilespmem:$0xF400] =	vst v63  }
0x90: {  	_ =	swait.ge [sflag:s16], $0x2000  }
0x91: {  	[sflag:s16] =	ssyncset.done $0x0  }
0x92: {  	[sflag:s16] =	ssyncadd.s32 $0xFFFFE000  }
0x93: {  	[spmem:s2] =	stream.indirect.scatter.add.f32 [tilespmem:s14], [sflag:$0x3], $0x40, s18, s12, $0xb8;
	[tilespmem:$0xF400] =	vst v63  }
0x94: {  	_ =	swait.ge [sflag:s10], $0x2000  }
0x95: {  	[sflag:s10] =	ssyncset.done $0x0  }
0x96: {  	[sflag:s10] =	ssyncadd.s32 $0xFFFFE000  }
0x97: {  	[tilespmem:s14], [sflag:$0x2] =	stream.indirect.gather [hbm4b:s4+s12], $0x40, s19, s12, $0xb8;
	[tilespmem:$0xF400] =	vst v63  }
0x98: {  	_ =	swait.ge [sflag:s15], $0x2000  }
0x99: {  	[sflag:s15] =	ssyncset.done $0x0  }
0x9a: {  	[sflag:s15] =	ssyncadd.s32 $0xFFFFE000  }
0x9b: {  	[spmem:s2] =	stream.indirect.scatter.add.f32 [tilespmem:s13], [sflag:$0x3], $0x40, s20, s12, $0xb8;
	[tilespmem:$0xF400] =	vst v63  }
0x9c: {  	_ =	swait.ge [sflag:s10], $0x2000  }
0x9d: {  	[sflag:s10] =	ssyncset.done $0x0  }
0x9e: {  	[sflag:s10] =	ssyncadd.s32 $0xFFFFE000  }
0x9f: {  	[tilespmem:s13], [sflag:$0x1] =	stream.indirect.gather [hbm4b:s4+s12], $0x40, s21, s12, $0xb8;
	[tilespmem:$0xF400] =	vst v63  }
0xa0: {  	_ =	swait.ge [sflag:s16], $0x2000  }
0xa1: {  	[sflag:s16] =	ssyncset.done $0x0  }
0xa2: {  	[sflag:s16] =	ssyncadd.s32 $0xFFFFE000  }
0xa3: {  	[spmem:s2] =	stream.indirect.scatter.add.f32 [tilespmem:s14], [sflag:$0x3], $0x40, s22, s12, $0xb8;
	[tilespmem:$0xF400] =	vst v63  }
0xa4: {  	_ =	swait.ge [sflag:s10], $0x2000  }
0xa5: {  	[sflag:s10] =	ssyncset.done $0x0  }
0xa6: {  	[sflag:s10] =	ssyncadd.s32 $0xFFFFE000  }
0xa7: {  	[tilespmem:s14], [sflag:$0x2] =	stream.indirect.gather [hbm4b:s4+s12], $0x40, s23, s12, $0xb8;
	[tilespmem:$0xF400] =	vst v63  }
0xa8: {  	_ =	swait.ge [sflag:s15], $0x2000  }
0xa9: {  	[sflag:s15] =	ssyncset.done $0x0  }
0xaa: {  	[sflag:s15] =	ssyncadd.s32 $0xFFFFE000  }
0xab: {  	[spmem:s2] =	stream.indirect.scatter.add.f32 [tilespmem:s13], [sflag:$0x3], $0x40, s24, s12, $0xb8;
	[tilespmem:$0xF400] =	vst v63  }
0xac: {  	_ =	swait.ge [sflag:s10], $0x2000  }
0xad: {  	[sflag:s10] =	ssyncset.done $0x0  }
0xae: {  	[sflag:s10] =	ssyncadd.s32 $0xFFFFE000  }
0xaf: {  	[tilespmem:s13], [sflag:$0x1] =	stream.indirect.gather [hbm4b:s4+s12], $0x40, s25, s12, $0xb8;
	[tilespmem:$0xF400] =	vst v63  }
0xb0: {  	_ =	swait.ge [sflag:s16], $0x2000  }
0xb1: {  	[sflag:s16] =	ssyncset.done $0x0  }
0xb2: {  	[sflag:s16] =	ssyncadd.s32 $0xFFFFE000  }
0xb3: {  	[spmem:s2] =	stream.indirect.scatter.add.f32 [tilespmem:s14], [sflag:$0x3], $0x40, s26, s12, $0xb8;
	[tilespmem:$0xF400] =	vst v63  }
0xb4: {  	_ =	swait.ge [sflag:s10], $0x2000  }
0xb5: {  	[sflag:s10] =	ssyncset.done $0x0  }
0xb6: {  	[sflag:s10] =	ssyncadd.s32 $0xFFFFE000  }
0xb7: {  	[tilespmem:s14], [sflag:$0x2] =	stream.indirect.gather [hbm4b:s4+s12], $0x40, s28, s12, $0xb8;
	[tilespmem:$0xF400] =	vst v63  }
0xb8: {  	_ =	swait.ge [sflag:s15], $0x2000  }
0xb9: {  	[sflag:s15] =	ssyncset.done $0x0  }
0xba: {  	[sflag:s15] =	ssyncadd.s32 $0xFFFFE000  }
0xbb: {  	[spmem:s2] =	stream.indirect.scatter.add.f32 [tilespmem:s13], [sflag:$0x3], $0x40, s29, s12, $0xb8;
	[tilespmem:$0xF400] =	vst v63  }
0xbc: {  	_ =	swait.ge [sflag:s10], $0x2000  }
0xbd: {  	[sflag:s10] =	ssyncset.done $0x0  }
0xbe: {  	[sflag:s10] =	ssyncadd.s32 $0xFFFFE000  }
0xbf: {  	[tilespmem:s13], [sflag:$0x1] =	stream.indirect.gather [hbm4b:s4+s12], $0x40, s30, s12, $0xb8;
	[tilespmem:$0xF400] =	vst v63  }
0xc0: {  	_ =	swait.ge [sflag:s16], $0x2000  }
0xc1: {  	[sflag:s16] =	ssyncset.done $0x0  }
0xc2: {  	[sflag:s16] =	ssyncadd.s32 $0xFFFFE000  }
0xc3: {  	[spmem:s2] =	stream.indirect.scatter.add.f32 [tilespmem:s14], [sflag:$0x3], $0x40, s31, s12, $0xb8;
	[tilespmem:$0xF400] =	vst v63  }
0xc4: {  	_ =	swait.ge [sflag:s10], $0x2000  }
0xc5: {  	[sflag:s10] =	ssyncset.done $0x0  }
0xc6: {  	[sflag:s10] =	ssyncadd.s32 $0xFFFFE000  }
0xc7: {  	[tilespmem:s14], [sflag:$0x2] =	stream.indirect.gather [hbm4b:s4+s12], $0x40, s1, s12, $0xb8;
	[tilespmem:$0xF400] =	vst v63  }
0xc8: {  	_ =	swait.ge [sflag:s15], $0x2000  }
0xc9: {  	[sflag:s15] =	ssyncset.done $0x0  }
0xca: {  	[sflag:s15] =	ssyncadd.s32 $0xFFFFE000  }
0xcb: {  	[spmem:s2] =	stream.indirect.scatter.add.f32 [tilespmem:s13], [sflag:$0x3], $0x40, s0, s12, $0xb8;
	[tilespmem:$0xF400] =	vst v63  }
0xcc: {  	_ =	swait.ge [sflag:s10], $0x2000  }
0xcd: {  	[sflag:s10] =	ssyncset.done $0x0  }
0xce: {  	[sflag:s10] =	ssyncadd.s32 $0xFFFFE000  }
0xcf: {  	_ =	swait.ge [sflag:s16], $0x2000  }
0xd0: {  	[sflag:s16] =	ssyncset.done $0x0  }
0xd1: {  	[sflag:s16] =	ssyncadd.s32 $0xFFFFE000  }
0xd2: {  	[spmem:s2] =	stream.indirect.scatter.add.f32 [tilespmem:s14], [sflag:$0x3], $0x40, s5, s12, $0xb8;
	[tilespmem:$0xF400] =	vst v63  }
0xd3: {  	s6 =	simm.s32 $0x280;
	_ =	swait.ge [sflag:s10], $0x2000  }
0xd4: {  	s8 =	simm.s32 $0x140;
	s9 =	rddreg [dreg:$0x3];
	[sflag:s10] =	ssyncset.done $0x0  }
.LBB2_2:
0xd5: {  	[sflag:s10] =	ssyncadd.s32 $0xFFFFE000;
	s9 =	sadd.s32 s8, s9  }
0xd6: {  	[tilespmem:s3], [sflag:$0x3] =	stream.linear.gather [hbm4b:s9+s3], $0xA00, $0x38;
	[tilespmem:$0xF400] =	vst v63  }
0xd7: {  	_ =	swait.ge [sflag:s10], $0xA00  }
0xd8: {  	s9 =	rddreg [dreg:$0x4];
	[sflag:s10] =	ssyncset.done $0x0  }
0xd9: {  	[sflag:s10] =	ssyncadd.s32 $0xFFFFF600;
	s9 =	sadd.s32 s8, s9  }
0xda: {  	[tilespmem:s11], [sflag:$0x3] =	stream.linear.gather [hbm4b:s9+s3], $0xA00, $0x38;
	[tilespmem:$0xF400] =	vst v63  }
0xdb: {  	_ =	swait.ge [sflag:s10], $0xA00  }
0xdc: {  	[sflag:s10] =	ssyncset.done $0x0  }
0xdd: {  	[sflag:s10] =	ssyncadd.s32 $0xFFFFF600  }
0xde: {  	[tilespmem:s13], [sflag:$0x1] =	stream.indirect.gather [hbm4b:s4+s12], $0x40, s3, s12, $0xb8;
	[tilespmem:$0xF400] =	vst v63  }
0xdf: {  	_ = 	snop  }
0xe0: {  	[tilespmem:s14], [sflag:$0x2] =	stream.indirect.gather [hbm4b:s4+s12], $0x40, s12, s12, $0xb8;
	[tilespmem:$0xF400] =	vst v63  }
0xe1: {  	_ =	swait.ge [sflag:s15], $0x2000  }
0xe2: {  	[sflag:s15] =	ssyncset.done $0x0  }
0xe3: {  	[sflag:s15] =	ssyncadd.s32 $0xFFFFE000  }
0xe4: {  	[spmem:s2] =	stream.indirect.scatter.add.f32 [tilespmem:s13], [sflag:$0x3], $0x40, s11, s12, $0xb8;
	[tilespmem:$0xF400] =	vst v63  }
0xe5: {  	_ =	swait.ge [sflag:s10], $0x2000  }
0xe6: {  	[sflag:s10] =	ssyncset.done $0x0  }
0xe7: {  	s9 =	rddreg [dreg:$0x5];
	[sflag:s10] =	ssyncadd.s32 $0xFFFFE000  }
0xe8: {  	[tilespmem:s13], [sflag:$0x1] =	stream.indirect.gather [hbm4b:s4+s12], $0x40, s9, s12, $0xb8;
	[tilespmem:$0xF400] =	vst v63  }
0xe9: {  	_ =	swait.ge [sflag:s16], $0x2000  }
0xea: {  	[sflag:s16] =	ssyncset.done $0x0  }
0xeb: {  	s9 =	rddreg [dreg:$0x6];
	[sflag:s16] =	ssyncadd.s32 $0xFFFFE000  }
0xec: {  	[spmem:s2] =	stream.indirect.scatter.add.f32 [tilespmem:s14], [sflag:$0x3], $0x40, s9, s12, $0xb8;
	[tilespmem:$0xF400] =	vst v63  }
0xed: {  	_ =	swait.ge [sflag:s10], $0x2000  }
0xee: {  	[sflag:s10] =	ssyncset.done $0x0  }
0xef: {  	s9 =	rddreg [dreg:$0x7];
	[sflag:s10] =	ssyncadd.s32 $0xFFFFE000  }
0xf0: {  	[tilespmem:s14], [sflag:$0x2] =	stream.indirect.gather [hbm4b:s4+s12], $0x40, s9, s12, $0xb8;
	[tilespmem:$0xF400] =	vst v63  }
0xf1: {  	_ =	swait.ge [sflag:s15], $0x2000  }
0xf2: {  	[sflag:s15] =	ssyncset.done $0x0  }
0xf3: {  	s9 =	rddreg [dreg:$0x8];
	[sflag:s15] =	ssyncadd.s32 $0xFFFFE000  }
0xf4: {  	[spmem:s2] =	stream.indirect.scatter.add.f32 [tilespmem:s13], [sflag:$0x3], $0x40, s9, s12, $0xb8;
	[tilespmem:$0xF400] =	vst v63  }
0xf5: {  	_ =	swait.ge [sflag:s10], $0x2000  }
0xf6: {  	[sflag:s10] =	ssyncset.done $0x0  }
0xf7: {  	s9 =	rddreg [dreg:$0x9];
	[sflag:s10] =	ssyncadd.s32 $0xFFFFE000  }
0xf8: {  	[tilespmem:s13], [sflag:$0x1] =	stream.indirect.gather [hbm4b:s4+s12], $0x40, s9, s12, $0xb8;
	[tilespmem:$0xF400] =	vst v63  }
0xf9: {  	_ =	swait.ge [sflag:s16], $0x2000  }
0xfa: {  	[sflag:s16] =	ssyncset.done $0x0  }
0xfb: {  	s9 =	rddreg [dreg:$0xa];
	[sflag:s16] =	ssyncadd.s32 $0xFFFFE000  }
0xfc: {  	[spmem:s2] =	stream.indirect.scatter.add.f32 [tilespmem:s14], [sflag:$0x3], $0x40, s9, s12, $0xb8;
	[tilespmem:$0xF400] =	vst v63  }
0xfd: {  	_ =	swait.ge [sflag:s10], $0x2000  }
0xfe: {  	[sflag:s10] =	ssyncset.done $0x0  }
0xff: {  	s9 =	rddreg [dreg:$0xb];
	[sflag:s10] =	ssyncadd.s32 $0xFFFFE000  }
0x100: {  	[tilespmem:s14], [sflag:$0x2] =	stream.indirect.gather [hbm4b:s4+s12], $0x40, s9, s12, $0xb8;
	[tilespmem:$0xF400] =	vst v63  }
0x101: {  	_ =	swait.ge [sflag:s15], $0x2000  }
0x102: {  	[sflag:s15] =	ssyncset.done $0x0  }
0x103: {  	s9 =	rddreg [dreg:$0xc];
	[sflag:s15] =	ssyncadd.s32 $0xFFFFE000  }
0x104: {  	[spmem:s2] =	stream.indirect.scatter.add.f32 [tilespmem:s13], [sflag:$0x3], $0x40, s9, s12, $0xb8;
	[tilespmem:$0xF400] =	vst v63  }
0x105: {  	_ =	swait.ge [sflag:s10], $0x2000  }
0x106: {  	[sflag:s10] =	ssyncset.done $0x0  }
0x107: {  	s9 =	rddreg [dreg:$0xd];
	[sflag:s10] =	ssyncadd.s32 $0xFFFFE000  }
0x108: {  	[tilespmem:s13], [sflag:$0x1] =	stream.indirect.gather [hbm4b:s4+s12], $0x40, s9, s12, $0xb8;
	[tilespmem:$0xF400] =	vst v63  }
0x109: {  	_ =	swait.ge [sflag:s16], $0x2000  }
0x10a: {  	[sflag:s16] =	ssyncset.done $0x0  }
0x10b: {  	s9 =	rddreg [dreg:$0xe];
	[sflag:s16] =	ssyncadd.s32 $0xFFFFE000  }
0x10c: {  	[spmem:s2] =	stream.indirect.scatter.add.f32 [tilespmem:s14], [sflag:$0x3], $0x40, s9, s12, $0xb8;
	[tilespmem:$0xF400] =	vst v63  }
0x10d: {  	_ =	swait.ge [sflag:s10], $0x2000  }
0x10e: {  	[sflag:s10] =	ssyncset.done $0x0  }
0x10f: {  	s9 =	rddreg [dreg:$0xf];
	[sflag:s10] =	ssyncadd.s32 $0xFFFFE000  }
0x110: {  	[tilespmem:s14], [sflag:$0x2] =	stream.indirect.gather [hbm4b:s4+s12], $0x40, s9, s12, $0xb8;
	[tilespmem:$0xF400] =	vst v63  }
0x111: {  	_ =	swait.ge [sflag:s15], $0x2000  }
0x112: {  	[sflag:s15] =	ssyncset.done $0x0  }
0x113: {  	s9 =	rddreg [dreg:$0x10];
	[sflag:s15] =	ssyncadd.s32 $0xFFFFE000  }
0x114: {  	[spmem:s2] =	stream.indirect.scatter.add.f32 [tilespmem:s13], [sflag:$0x3], $0x40, s9, s12, $0xb8;
	[tilespmem:$0xF400] =	vst v63  }
0x115: {  	_ =	swait.ge [sflag:s10], $0x2000  }
0x116: {  	[sflag:s10] =	ssyncset.done $0x0  }
0x117: {  	s9 =	rddreg [dreg:$0x11];
	[sflag:s10] =	ssyncadd.s32 $0xFFFFE000  }
0x118: {  	[tilespmem:s13], [sflag:$0x1] =	stream.indirect.gather [hbm4b:s4+s12], $0x40, s9, s12, $0xb8;
	[tilespmem:$0xF400] =	vst v63  }
0x119: {  	_ =	swait.ge [sflag:s16], $0x2000  }
0x11a: {  	[sflag:s16] =	ssyncset.done $0x0  }
0x11b: {  	s9 =	rddreg [dreg:$0x12];
	[sflag:s16] =	ssyncadd.s32 $0xFFFFE000  }
0x11c: {  	[spmem:s2] =	stream.indirect.scatter.add.f32 [tilespmem:s14], [sflag:$0x3], $0x40, s9, s12, $0xb8;
	[tilespmem:$0xF400] =	vst v63  }
0x11d: {  	_ =	swait.ge [sflag:s10], $0x2000  }
0x11e: {  	[sflag:s10] =	ssyncset.done $0x0  }
0x11f: {  	s9 =	rddreg [dreg:$0x13];
	[sflag:s10] =	ssyncadd.s32 $0xFFFFE000  }
0x120: {  	[tilespmem:s14], [sflag:$0x2] =	stream.indirect.gather [hbm4b:s4+s12], $0x40, s9, s12, $0xb8;
	[tilespmem:$0xF400] =	vst v63  }
0x121: {  	_ =	swait.ge [sflag:s15], $0x2000  }
0x122: {  	[sflag:s15] =	ssyncset.done $0x0  }
0x123: {  	s9 =	rddreg [dreg:$0x14];
	[sflag:s15] =	ssyncadd.s32 $0xFFFFE000  }
0x124: {  	[spmem:s2] =	stream.indirect.scatter.add.f32 [tilespmem:s13], [sflag:$0x3], $0x40, s9, s12, $0xb8;
	[tilespmem:$0xF400] =	vst v63  }
0x125: {  	_ =	swait.ge [sflag:s10], $0x2000  }
0x126: {  	[sflag:s10] =	ssyncset.done $0x0  }
0x127: {  	s9 =	rddreg [dreg:$0x15];
	[sflag:s10] =	ssyncadd.s32 $0xFFFFE000  }
0x128: {  	[tilespmem:s13], [sflag:$0x1] =	stream.indirect.gather [hbm4b:s4+s12], $0x40, s9, s12, $0xb8;
	[tilespmem:$0xF400] =	vst v63  }
0x129: {  	_ =	swait.ge [sflag:s16], $0x2000  }
0x12a: {  	[sflag:s16] =	ssyncset.done $0x0  }
0x12b: {  	s9 =	rddreg [dreg:$0x16];
	[sflag:s16] =	ssyncadd.s32 $0xFFFFE000  }
0x12c: {  	[spmem:s2] =	stream.indirect.scatter.add.f32 [tilespmem:s14], [sflag:$0x3], $0x40, s9, s12, $0xb8;
	[tilespmem:$0xF400] =	vst v63  }
0x12d: {  	_ =	swait.ge [sflag:s10], $0x2000  }
0x12e: {  	[sflag:s10] =	ssyncset.done $0x0  }
0x12f: {  	s9 =	rddreg [dreg:$0x17];
	[sflag:s10] =	ssyncadd.s32 $0xFFFFE000  }
0x130: {  	[tilespmem:s14], [sflag:$0x2] =	stream.indirect.gather [hbm4b:s4+s12], $0x40, s9, s12, $0xb8;
	[tilespmem:$0xF400] =	vst v63  }
0x131: {  	_ =	swait.ge [sflag:s15], $0x2000  }
0x132: {  	[sflag:s15] =	ssyncset.done $0x0  }
0x133: {  	s9 =	rddreg [dreg:$0x18];
	[sflag:s15] =	ssyncadd.s32 $0xFFFFE000  }
0x134: {  	[spmem:s2] =	stream.indirect.scatter.add.f32 [tilespmem:s13], [sflag:$0x3], $0x40, s9, s12, $0xb8;
	[tilespmem:$0xF400] =	vst v63  }
0x135: {  	_ =	swait.ge [sflag:s10], $0x2000  }
0x136: {  	[sflag:s10] =	ssyncset.done $0x0  }
0x137: {  	[sflag:s10] =	ssyncadd.s32 $0xFFFFE000  }
0x138: {  	[tilespmem:s13], [sflag:$0x1] =	stream.indirect.gather [hbm4b:s4+s12], $0x40, s17, s12, $0xb8;
	[tilespmem:$0xF400] =	vst v63  }
0x139: {  	_ =	swait.ge [sflag:s16], $0x2000  }
0x13a: {  	[sflag:s16] =	ssyncset.done $0x0  }
0x13b: {  	[sflag:s16] =	ssyncadd.s32 $0xFFFFE000  }
0x13c: {  	[spmem:s2] =	stream.indirect.scatter.add.f32 [tilespmem:s14], [sflag:$0x3], $0x40, s18, s12, $0xb8;
	[tilespmem:$0xF400] =	vst v63  }
0x13d: {  	_ =	swait.ge [sflag:s10], $0x2000  }
0x13e: {  	[sflag:s10] =	ssyncset.done $0x0  }
0x13f: {  	[sflag:s10] =	ssyncadd.s32 $0xFFFFE000  }
0x140: {  	[tilespmem:s14], [sflag:$0x2] =	stream.indirect.gather [hbm4b:s4+s12], $0x40, s19, s12, $0xb8;
	[tilespmem:$0xF400] =	vst v63  }
0x141: {  	_ =	swait.ge [sflag:s15], $0x2000  }
0x142: {  	[sflag:s15] =	ssyncset.done $0x0  }
0x143: {  	[sflag:s15] =	ssyncadd.s32 $0xFFFFE000  }
0x144: {  	[spmem:s2] =	stream.indirect.scatter.add.f32 [tilespmem:s13], [sflag:$0x3], $0x40, s20, s12, $0xb8;
	[tilespmem:$0xF400] =	vst v63  }
0x145: {  	_ =	swait.ge [sflag:s10], $0x2000  }
0x146: {  	[sflag:s10] =	ssyncset.done $0x0  }
0x147: {  	[sflag:s10] =	ssyncadd.s32 $0xFFFFE000  }
0x148: {  	[tilespmem:s13], [sflag:$0x1] =	stream.indirect.gather [hbm4b:s4+s12], $0x40, s21, s12, $0xb8;
	[tilespmem:$0xF400] =	vst v63  }
0x149: {  	_ =	swait.ge [sflag:s16], $0x2000  }
0x14a: {  	[sflag:s16] =	ssyncset.done $0x0  }
0x14b: {  	[sflag:s16] =	ssyncadd.s32 $0xFFFFE000  }
0x14c: {  	[spmem:s2] =	stream.indirect.scatter.add.f32 [tilespmem:s14], [sflag:$0x3], $0x40, s22, s12, $0xb8;
	[tilespmem:$0xF400] =	vst v63  }
0x14d: {  	_ =	swait.ge [sflag:s10], $0x2000  }
0x14e: {  	[sflag:s10] =	ssyncset.done $0x0  }
0x14f: {  	[sflag:s10] =	ssyncadd.s32 $0xFFFFE000  }
0x150: {  	[tilespmem:s14], [sflag:$0x2] =	stream.indirect.gather [hbm4b:s4+s12], $0x40, s23, s12, $0xb8;
	[tilespmem:$0xF400] =	vst v63  }
0x151: {  	_ =	swait.ge [sflag:s15], $0x2000  }
0x152: {  	[sflag:s15] =	ssyncset.done $0x0  }
0x153: {  	[sflag:s15] =	ssyncadd.s32 $0xFFFFE000  }
0x154: {  	[spmem:s2] =	stream.indirect.scatter.add.f32 [tilespmem:s13], [sflag:$0x3], $0x40, s24, s12, $0xb8;
	[tilespmem:$0xF400] =	vst v63  }
0x155: {  	_ =	swait.ge [sflag:s10], $0x2000  }
0x156: {  	[sflag:s10] =	ssyncset.done $0x0  }
0x157: {  	[sflag:s10] =	ssyncadd.s32 $0xFFFFE000  }
0x158: {  	[tilespmem:s13], [sflag:$0x1] =	stream.indirect.gather [hbm4b:s4+s12], $0x40, s25, s12, $0xb8;
	[tilespmem:$0xF400] =	vst v63  }
0x159: {  	_ =	swait.ge [sflag:s16], $0x2000  }
0x15a: {  	[sflag:s16] =	ssyncset.done $0x0  }
0x15b: {  	[sflag:s16] =	ssyncadd.s32 $0xFFFFE000  }
0x15c: {  	[spmem:s2] =	stream.indirect.scatter.add.f32 [tilespmem:s14], [sflag:$0x3], $0x40, s26, s12, $0xb8;
	[tilespmem:$0xF400] =	vst v63  }
0x15d: {  	_ =	swait.ge [sflag:s10], $0x2000  }
0x15e: {  	[sflag:s10] =	ssyncset.done $0x0  }
0x15f: {  	[sflag:s10] =	ssyncadd.s32 $0xFFFFE000  }
0x160: {  	[tilespmem:s14], [sflag:$0x2] =	stream.indirect.gather [hbm4b:s4+s12], $0x40, s28, s12, $0xb8;
	[tilespmem:$0xF400] =	vst v63  }
0x161: {  	_ =	swait.ge [sflag:s15], $0x2000  }
0x162: {  	[sflag:s15] =	ssyncset.done $0x0  }
0x163: {  	[sflag:s15] =	ssyncadd.s32 $0xFFFFE000  }
0x164: {  	[spmem:s2] =	stream.indirect.scatter.add.f32 [tilespmem:s13], [sflag:$0x3], $0x40, s29, s12, $0xb8;
	[tilespmem:$0xF400] =	vst v63  }
0x165: {  	_ =	swait.ge [sflag:s10], $0x2000  }
0x166: {  	[sflag:s10] =	ssyncset.done $0x0  }
0x167: {  	[sflag:s10] =	ssyncadd.s32 $0xFFFFE000  }
0x168: {  	[tilespmem:s13], [sflag:$0x1] =	stream.indirect.gather [hbm4b:s4+s12], $0x40, s30, s12, $0xb8;
	[tilespmem:$0xF400] =	vst v63  }
0x169: {  	_ =	swait.ge [sflag:s16], $0x2000  }
0x16a: {  	[sflag:s16] =	ssyncset.done $0x0  }
0x16b: {  	[sflag:s16] =	ssyncadd.s32 $0xFFFFE000  }
0x16c: {  	[spmem:s2] =	stream.indirect.scatter.add.f32 [tilespmem:s14], [sflag:$0x3], $0x40, s31, s12, $0xb8;
	[tilespmem:$0xF400] =	vst v63  }
0x16d: {  	_ =	swait.ge [sflag:s10], $0x2000  }
0x16e: {  	[sflag:s10] =	ssyncset.done $0x0  }
0x16f: {  	[sflag:s10] =	ssyncadd.s32 $0xFFFFE000  }
0x170: {  	[tilespmem:s14], [sflag:$0x2] =	stream.indirect.gather [hbm4b:s4+s12], $0x40, s1, s12, $0xb8;
	[tilespmem:$0xF400] =	vst v63  }
0x171: {  	_ =	swait.ge [sflag:s15], $0x2000  }
0x172: {  	[sflag:s15] =	ssyncset.done $0x0  }
0x173: {  	[sflag:s15] =	ssyncadd.s32 $0xFFFFE000  }
0x174: {  	[spmem:s2] =	stream.indirect.scatter.add.f32 [tilespmem:s13], [sflag:$0x3], $0x40, s0, s12, $0xb8;
	[tilespmem:$0xF400] =	vst v63  }
0x175: {  	_ =	swait.ge [sflag:s10], $0x2000  }
0x176: {  	[sflag:s10] =	ssyncset.done $0x0  }
0x177: {  	[sflag:s10] =	ssyncadd.s32 $0xFFFFE000  }
0x178: {  	p0 =	sne.s32 s6, $0x3C0;
	_ =	swait.ge [sflag:s16], $0x2000  }
.Ltmp0:
0x179: {  	[sflag:s16] =	ssyncset.done $0x0;
	(pc) =	sbr.rel @p0 .LBB2_2-.Ltmp0, $4  }
0x17a: {  	[sflag:s16] =	ssyncadd.s32 $0xFFFFE000  }
0x17b: {  	[spmem:s2] =	stream.indirect.scatter.add.f32 [tilespmem:s14], [sflag:$0x3], $0x40, s5, s12, $0xb8;
	[tilespmem:$0xF400] =	vst v63  }
0x17c: {  	s7 =	smov.u32 s6;
	s6 =	sadd.s32 $0x140, s6;
	_ =	swait.ge [sflag:s10], $0x2000  }
0x17d: {  	s8 =	smov.u32 s7;
	s9 =	rddreg [dreg:$0x3];
	[sflag:s10] =	ssyncset.done $0x0  }
0x17e: {  	[sflag:s10] =	ssyncadd.s32 $0xFFFFE000;
	s6 =	sadd.s32 s8, s9  }
0x17f: {  	[tilespmem:s3], [sflag:$0x3] =	stream.linear.gather [hbm4b:s6+s3], $0xA00, $0x38;
	[tilespmem:$0xF400] =	vst v63  }
0x180: {  	_ =	swait.ge [sflag:s10], $0xA00  }
0x181: {  	s9 =	rddreg [dreg:$0x4];
	[sflag:s10] =	ssyncset.done $0x0  }
0x182: {  	s6 =	sadd.s32 s8, s9;
	[sflag:s10] =	ssyncadd.s32 $0xFFFFF600  }
0x183: {  	[tilespmem:s11], [sflag:$0x3] =	stream.linear.gather [hbm4b:s6+s3], $0xA00, $0x38;
	[tilespmem:$0xF400] =	vst v63  }
0x184: {  	_ =	swait.ge [sflag:s10], $0xA00  }
0x185: {  	[sflag:s10] =	ssyncset.done $0x0  }
0x186: {  	[sflag:s10] =	ssyncadd.s32 $0xFFFFF600  }
0x187: {  	[tilespmem:s13], [sflag:$0x1] =	stream.indirect.gather [hbm4b:s4+s12], $0x40, s3, s12, $0xb8;
	[tilespmem:$0xF400] =	vst v63  }
0x188: {  	_ = 	snop  }
0x189: {  	[tilespmem:s14], [sflag:$0x2] =	stream.indirect.gather [hbm4b:s4+s12], $0x40, s12, s12, $0xb8;
	[tilespmem:$0xF400] =	vst v63  }
0x18a: {  	_ =	swait.ge [sflag:s15], $0x2000  }
0x18b: {  	[sflag:s15] =	ssyncset.done $0x0  }
0x18c: {  	[sflag:s15] =	ssyncadd.s32 $0xFFFFE000  }
0x18d: {  	[spmem:s2] =	stream.indirect.scatter.add.f32 [tilespmem:s13], [sflag:$0x3], $0x40, s11, s12, $0xb8;
	[tilespmem:$0xF400] =	vst v63  }
0x18e: {  	_ =	swait.ge [sflag:s10], $0x2000  }
0x18f: {  	[sflag:s10] =	ssyncset.done $0x0  }
0x190: {  	s7 =	rddreg [dreg:$0x5];
	[sflag:s10] =	ssyncadd.s32 $0xFFFFE000  }
0x191: {  	[tilespmem:s13], [sflag:$0x1] =	stream.indirect.gather [hbm4b:s4+s12], $0x40, s7, s12, $0xb8;
	[tilespmem:$0xF400] =	vst v63  }
0x192: {  	_ =	swait.ge [sflag:s16], $0x2000  }
0x193: {  	[sflag:s16] =	ssyncset.done $0x0  }
0x194: {  	s8 =	rddreg [dreg:$0x6];
	[sflag:s16] =	ssyncadd.s32 $0xFFFFE000  }
0x195: {  	[spmem:s2] =	stream.indirect.scatter.add.f32 [tilespmem:s14], [sflag:$0x3], $0x40, s8, s12, $0xb8;
	[tilespmem:$0xF400] =	vst v63  }
0x196: {  	_ =	swait.ge [sflag:s10], $0x2000  }
0x197: {  	[sflag:s10] =	ssyncset.done $0x0  }
0x198: {  	s9 =	rddreg [dreg:$0x7];
	[sflag:s10] =	ssyncadd.s32 $0xFFFFE000  }
0x199: {  	[tilespmem:s14], [sflag:$0x2] =	stream.indirect.gather [hbm4b:s4+s12], $0x40, s9, s12, $0xb8;
	[tilespmem:$0xF400] =	vst v63  }
0x19a: {  	_ =	swait.ge [sflag:s15], $0x2000  }
0x19b: {  	[sflag:s15] =	ssyncset.done $0x0  }
0x19c: {  	s7 =	rddreg [dreg:$0x8];
	[sflag:s15] =	ssyncadd.s32 $0xFFFFE000  }
0x19d: {  	[spmem:s2] =	stream.indirect.scatter.add.f32 [tilespmem:s13], [sflag:$0x3], $0x40, s7, s12, $0xb8;
	[tilespmem:$0xF400] =	vst v63  }
0x19e: {  	_ =	swait.ge [sflag:s10], $0x2000  }
0x19f: {  	[sflag:s10] =	ssyncset.done $0x0  }
0x1a0: {  	s8 =	rddreg [dreg:$0x9];
	[sflag:s10] =	ssyncadd.s32 $0xFFFFE000  }
0x1a1: {  	[tilespmem:s13], [sflag:$0x1] =	stream.indirect.gather [hbm4b:s4+s12], $0x40, s8, s12, $0xb8;
	[tilespmem:$0xF400] =	vst v63  }
0x1a2: {  	_ =	swait.ge [sflag:s16], $0x2000  }
0x1a3: {  	[sflag:s16] =	ssyncset.done $0x0  }
0x1a4: {  	s9 =	rddreg [dreg:$0xa];
	[sflag:s16] =	ssyncadd.s32 $0xFFFFE000  }
0x1a5: {  	[spmem:s2] =	stream.indirect.scatter.add.f32 [tilespmem:s14], [sflag:$0x3], $0x40, s9, s12, $0xb8;
	[tilespmem:$0xF400] =	vst v63  }
0x1a6: {  	_ =	swait.ge [sflag:s10], $0x2000  }
0x1a7: {  	[sflag:s10] =	ssyncset.done $0x0  }
0x1a8: {  	s7 =	rddreg [dreg:$0xb];
	[sflag:s10] =	ssyncadd.s32 $0xFFFFE000  }
0x1a9: {  	[tilespmem:s14], [sflag:$0x2] =	stream.indirect.gather [hbm4b:s4+s12], $0x40, s7, s12, $0xb8;
	[tilespmem:$0xF400] =	vst v63  }
0x1aa: {  	_ =	swait.ge [sflag:s15], $0x2000  }
0x1ab: {  	[sflag:s15] =	ssyncset.done $0x0  }
0x1ac: {  	s8 =	rddreg [dreg:$0xc];
	[sflag:s15] =	ssyncadd.s32 $0xFFFFE000  }
0x1ad: {  	[spmem:s2] =	stream.indirect.scatter.add.f32 [tilespmem:s13], [sflag:$0x3], $0x40, s8, s12, $0xb8;
	[tilespmem:$0xF400] =	vst v63  }
0x1ae: {  	_ =	swait.ge [sflag:s10], $0x2000  }
0x1af: {  	[sflag:s10] =	ssyncset.done $0x0  }
0x1b0: {  	s9 =	rddreg [dreg:$0xd];
	[sflag:s10] =	ssyncadd.s32 $0xFFFFE000  }
0x1b1: {  	[tilespmem:s13], [sflag:$0x1] =	stream.indirect.gather [hbm4b:s4+s12], $0x40, s9, s12, $0xb8;
	[tilespmem:$0xF400] =	vst v63  }
0x1b2: {  	_ =	swait.ge [sflag:s16], $0x2000  }
0x1b3: {  	[sflag:s16] =	ssyncset.done $0x0  }
0x1b4: {  	s7 =	rddreg [dreg:$0xe];
	[sflag:s16] =	ssyncadd.s32 $0xFFFFE000  }
0x1b5: {  	[spmem:s2] =	stream.indirect.scatter.add.f32 [tilespmem:s14], [sflag:$0x3], $0x40, s7, s12, $0xb8;
	[tilespmem:$0xF400] =	vst v63  }
0x1b6: {  	_ =	swait.ge [sflag:s10], $0x2000  }
0x1b7: {  	[sflag:s10] =	ssyncset.done $0x0  }
0x1b8: {  	s8 =	rddreg [dreg:$0xf];
	[sflag:s10] =	ssyncadd.s32 $0xFFFFE000  }
0x1b9: {  	[tilespmem:s14], [sflag:$0x2] =	stream.indirect.gather [hbm4b:s4+s12], $0x40, s8, s12, $0xb8;
	[tilespmem:$0xF400] =	vst v63  }
0x1ba: {  	_ =	swait.ge [sflag:s15], $0x2000  }
0x1bb: {  	[sflag:s15] =	ssyncset.done $0x0  }
0x1bc: {  	s9 =	rddreg [dreg:$0x10];
	[sflag:s15] =	ssyncadd.s32 $0xFFFFE000  }
0x1bd: {  	[spmem:s2] =	stream.indirect.scatter.add.f32 [tilespmem:s13], [sflag:$0x3], $0x40, s9, s12, $0xb8;
	[tilespmem:$0xF400] =	vst v63  }
0x1be: {  	_ =	swait.ge [sflag:s10], $0x2000  }
0x1bf: {  	[sflag:s10] =	ssyncset.done $0x0  }
0x1c0: {  	s7 =	rddreg [dreg:$0x11];
	[sflag:s10] =	ssyncadd.s32 $0xFFFFE000  }
0x1c1: {  	[tilespmem:s13], [sflag:$0x1] =	stream.indirect.gather [hbm4b:s4+s12], $0x40, s7, s12, $0xb8;
	[tilespmem:$0xF400] =	vst v63  }
0x1c2: {  	_ =	swait.ge [sflag:s16], $0x2000  }
0x1c3: {  	[sflag:s16] =	ssyncset.done $0x0  }
0x1c4: {  	s8 =	rddreg [dreg:$0x12];
	[sflag:s16] =	ssyncadd.s32 $0xFFFFE000  }
0x1c5: {  	[spmem:s2] =	stream.indirect.scatter.add.f32 [tilespmem:s14], [sflag:$0x3], $0x40, s8, s12, $0xb8;
	[tilespmem:$0xF400] =	vst v63  }
0x1c6: {  	_ =	swait.ge [sflag:s10], $0x2000  }
0x1c7: {  	[sflag:s10] =	ssyncset.done $0x0  }
0x1c8: {  	s9 =	rddreg [dreg:$0x13];
	[sflag:s10] =	ssyncadd.s32 $0xFFFFE000  }
0x1c9: {  	[tilespmem:s14], [sflag:$0x2] =	stream.indirect.gather [hbm4b:s4+s12], $0x40, s9, s12, $0xb8;
	[tilespmem:$0xF400] =	vst v63  }
0x1ca: {  	_ =	swait.ge [sflag:s15], $0x2000  }
0x1cb: {  	[sflag:s15] =	ssyncset.done $0x0  }
0x1cc: {  	s7 =	rddreg [dreg:$0x14];
	[sflag:s15] =	ssyncadd.s32 $0xFFFFE000  }
0x1cd: {  	[spmem:s2] =	stream.indirect.scatter.add.f32 [tilespmem:s13], [sflag:$0x3], $0x40, s7, s12, $0xb8;
	[tilespmem:$0xF400] =	vst v63  }
0x1ce: {  	_ =	swait.ge [sflag:s10], $0x2000  }
0x1cf: {  	[sflag:s10] =	ssyncset.done $0x0  }
0x1d0: {  	s8 =	rddreg [dreg:$0x15];
	[sflag:s10] =	ssyncadd.s32 $0xFFFFE000  }
0x1d1: {  	[tilespmem:s13], [sflag:$0x1] =	stream.indirect.gather [hbm4b:s4+s12], $0x40, s8, s12, $0xb8;
	[tilespmem:$0xF400] =	vst v63  }
0x1d2: {  	_ =	swait.ge [sflag:s16], $0x2000  }
0x1d3: {  	[sflag:s16] =	ssyncset.done $0x0  }
0x1d4: {  	s9 =	rddreg [dreg:$0x16];
	[sflag:s16] =	ssyncadd.s32 $0xFFFFE000  }
0x1d5: {  	[spmem:s2] =	stream.indirect.scatter.add.f32 [tilespmem:s14], [sflag:$0x3], $0x40, s9, s12, $0xb8;
	[tilespmem:$0xF400] =	vst v63  }
0x1d6: {  	_ =	swait.ge [sflag:s10], $0x2000  }
0x1d7: {  	[sflag:s10] =	ssyncset.done $0x0  }
0x1d8: {  	s7 =	rddreg [dreg:$0x17];
	[sflag:s10] =	ssyncadd.s32 $0xFFFFE000  }
0x1d9: {  	[tilespmem:s14], [sflag:$0x2] =	stream.indirect.gather [hbm4b:s4+s12], $0x40, s7, s12, $0xb8;
	[tilespmem:$0xF400] =	vst v63  }
0x1da: {  	_ =	swait.ge [sflag:s15], $0x2000  }
0x1db: {  	[sflag:s15] =	ssyncset.done $0x0  }
0x1dc: {  	s8 =	rddreg [dreg:$0x18];
	[sflag:s15] =	ssyncadd.s32 $0xFFFFE000  }
0x1dd: {  	[spmem:s2] =	stream.indirect.scatter.add.f32 [tilespmem:s13], [sflag:$0x3], $0x40, s8, s12, $0xb8;
	[tilespmem:$0xF400] =	vst v63  }
0x1de: {  	_ =	swait.ge [sflag:s10], $0x2000  }
0x1df: {  	[sflag:s10] =	ssyncset.done $0x0  }
0x1e0: {  	[sflag:s10] =	ssyncadd.s32 $0xFFFFE000  }
0x1e1: {  	[tilespmem:s13], [sflag:$0x1] =	stream.indirect.gather [hbm4b:s4+s12], $0x40, s17, s12, $0xb8;
	[tilespmem:$0xF400] =	vst v63  }
0x1e2: {  	_ =	swait.ge [sflag:s16], $0x2000  }
0x1e3: {  	[sflag:s16] =	ssyncset.done $0x0  }
0x1e4: {  	[sflag:s16] =	ssyncadd.s32 $0xFFFFE000  }
0x1e5: {  	[spmem:s2] =	stream.indirect.scatter.add.f32 [tilespmem:s14], [sflag:$0x3], $0x40, s18, s12, $0xb8;
	[tilespmem:$0xF400] =	vst v63  }
0x1e6: {  	_ =	swait.ge [sflag:s10], $0x2000  }
0x1e7: {  	[sflag:s10] =	ssyncset.done $0x0  }
0x1e8: {  	[sflag:s10] =	ssyncadd.s32 $0xFFFFE000  }
0x1e9: {  	[tilespmem:s14], [sflag:$0x2] =	stream.indirect.gather [hbm4b:s4+s12], $0x40, s19, s12, $0xb8;
	[tilespmem:$0xF400] =	vst v63  }
0x1ea: {  	_ =	swait.ge [sflag:s15], $0x2000  }
0x1eb: {  	[sflag:s15] =	ssyncset.done $0x0  }
0x1ec: {  	[sflag:s15] =	ssyncadd.s32 $0xFFFFE000  }
0x1ed: {  	[spmem:s2] =	stream.indirect.scatter.add.f32 [tilespmem:s13], [sflag:$0x3], $0x40, s20, s12, $0xb8;
	[tilespmem:$0xF400] =	vst v63  }
0x1ee: {  	_ =	swait.ge [sflag:s10], $0x2000  }
0x1ef: {  	[sflag:s10] =	ssyncset.done $0x0  }
0x1f0: {  	[sflag:s10] =	ssyncadd.s32 $0xFFFFE000  }
0x1f1: {  	[tilespmem:s13], [sflag:$0x1] =	stream.indirect.gather [hbm4b:s4+s12], $0x40, s21, s12, $0xb8;
	[tilespmem:$0xF400] =	vst v63  }
0x1f2: {  	_ =	swait.ge [sflag:s16], $0x2000  }
0x1f3: {  	[sflag:s16] =	ssyncset.done $0x0  }
0x1f4: {  	[sflag:s16] =	ssyncadd.s32 $0xFFFFE000  }
0x1f5: {  	[spmem:s2] =	stream.indirect.scatter.add.f32 [tilespmem:s14], [sflag:$0x3], $0x40, s22, s12, $0xb8;
	[tilespmem:$0xF400] =	vst v63  }
0x1f6: {  	_ =	swait.ge [sflag:s10], $0x2000  }
0x1f7: {  	[sflag:s10] =	ssyncset.done $0x0  }
0x1f8: {  	[sflag:s10] =	ssyncadd.s32 $0xFFFFE000  }
0x1f9: {  	[tilespmem:s14], [sflag:$0x2] =	stream.indirect.gather [hbm4b:s4+s12], $0x40, s23, s12, $0xb8;
	[tilespmem:$0xF400] =	vst v63  }
0x1fa: {  	_ =	swait.ge [sflag:s15], $0x2000  }
0x1fb: {  	[sflag:s15] =	ssyncset.done $0x0  }
0x1fc: {  	[sflag:s15] =	ssyncadd.s32 $0xFFFFE000  }
0x1fd: {  	[spmem:s2] =	stream.indirect.scatter.add.f32 [tilespmem:s13], [sflag:$0x3], $0x40, s24, s12, $0xb8;
	[tilespmem:$0xF400] =	vst v63  }
0x1fe: {  	_ =	swait.ge [sflag:s10], $0x2000  }
0x1ff: {  	[sflag:s10] =	ssyncset.done $0x0  }
0x200: {  	[sflag:s10] =	ssyncadd.s32 $0xFFFFE000  }
0x201: {  	[tilespmem:s13], [sflag:$0x1] =	stream.indirect.gather [hbm4b:s4+s12], $0x40, s25, s12, $0xb8;
	[tilespmem:$0xF400] =	vst v63  }
0x202: {  	_ =	swait.ge [sflag:s16], $0x2000  }
0x203: {  	[sflag:s16] =	ssyncset.done $0x0  }
0x204: {  	[sflag:s16] =	ssyncadd.s32 $0xFFFFE000  }
0x205: {  	[spmem:s2] =	stream.indirect.scatter.add.f32 [tilespmem:s14], [sflag:$0x3], $0x40, s26, s12, $0xb8;
	[tilespmem:$0xF400] =	vst v63  }
0x206: {  	_ =	swait.ge [sflag:s10], $0x2000  }
0x207: {  	[sflag:s10] =	ssyncset.done $0x0  }
0x208: {  	[sflag:s10] =	ssyncadd.s32 $0xFFFFE000  }
0x209: {  	[tilespmem:s14], [sflag:$0x2] =	stream.indirect.gather [hbm4b:s4+s12], $0x40, s28, s12, $0xb8;
	[tilespmem:$0xF400] =	vst v63  }
0x20a: {  	_ =	swait.ge [sflag:s15], $0x2000  }
0x20b: {  	[sflag:s15] =	ssyncset.done $0x0  }
0x20c: {  	[sflag:s15] =	ssyncadd.s32 $0xFFFFE000  }
0x20d: {  	[spmem:s2] =	stream.indirect.scatter.add.f32 [tilespmem:s13], [sflag:$0x3], $0x40, s29, s12, $0xb8;
	[tilespmem:$0xF400] =	vst v63  }
0x20e: {  	_ =	swait.ge [sflag:s10], $0x2000  }
0x20f: {  	[sflag:s10] =	ssyncset.done $0x0  }
0x210: {  	[sflag:s10] =	ssyncadd.s32 $0xFFFFE000  }
0x211: {  	[tilespmem:s13], [sflag:$0x1] =	stream.indirect.gather [hbm4b:s4+s12], $0x40, s30, s12, $0xb8;
	[tilespmem:$0xF400] =	vst v63  }
0x212: {  	_ =	swait.ge [sflag:s16], $0x2000  }
0x213: {  	[sflag:s16] =	ssyncset.done $0x0  }
0x214: {  	[sflag:s16] =	ssyncadd.s32 $0xFFFFE000  }
0x215: {  	[spmem:s2] =	stream.indirect.scatter.add.f32 [tilespmem:s14], [sflag:$0x3], $0x40, s31, s12, $0xb8;
	[tilespmem:$0xF400] =	vst v63  }
0x216: {  	_ =	swait.ge [sflag:s10], $0x2000  }
0x217: {  	[sflag:s10] =	ssyncset.done $0x0  }
0x218: {  	[sflag:s10] =	ssyncadd.s32 $0xFFFFE000  }
0x219: {  	[tilespmem:s14], [sflag:$0x2] =	stream.indirect.gather [hbm4b:s4+s12], $0x40, s1, s12, $0xb8;
	[tilespmem:$0xF400] =	vst v63  }
0x21a: {  	_ =	swait.ge [sflag:s15], $0x2000  }
0x21b: {  	[sflag:s15] =	ssyncset.done $0x0  }
0x21c: {  	[sflag:s15] =	ssyncadd.s32 $0xFFFFE000  }
0x21d: {  	[spmem:s2] =	stream.indirect.scatter.add.f32 [tilespmem:s13], [sflag:$0x3], $0x40, s0, s12, $0xb8;
	[tilespmem:$0xF400] =	vst v63  }
0x21e: {  	_ =	swait.ge [sflag:s10], $0x2000  }
0x21f: {  	[sflag:s10] =	ssyncset.done $0x0  }
0x220: {  	[sflag:s10] =	ssyncadd.s32 $0xFFFFE000  }
0x221: {  	_ =	swait.ge [sflag:s16], $0x2000  }
0x222: {  	[sflag:s16] =	ssyncset.done $0x0  }
0x223: {  	[sflag:s16] =	ssyncadd.s32 $0xFFFFE000  }
0x224: {  	[spmem:s2] =	stream.indirect.scatter.add.f32 [tilespmem:s14], [sflag:$0x3], $0x40, s5, s12, $0xb8;
	[tilespmem:$0xF400] =	vst v63  }
0x225: {  	_ =	swait.ge [sflag:s10], $0x2000  }
0x226: {  	[sflag:s10] =	ssyncset.done $0x0  }
0x227: {  	[sflag:s10] =	ssyncadd.s32 $0xFFFFE000  }
0x228: {  	[bflag:$0x0] =	sbarrier.arrive $0xFFFF  }
0x229: {  	s7 =	rddreg [dreg:$0x1a]  }
0x22a: {  	s9 =	rddreg [dreg:$0x1b]  }
0x22b: {  	s8 =	rddreg [dreg:$0x1d]  }
0x22c: {  	[hbm:s9], [sflag:s7] =	dma.local [spmem:s8], $0x1400  }
0x22d: {  	_ =	swait.ge [sflag:s10], $0x1400  }
0x22e: {  	s6 =	rddreg [dreg:$0x1e]  }
0x22f: {  	s9 =	sadd.s32 $0x1, s6;
	s6 =	rddreg [dreg:$0x1c]  }
0x230: {  	p0 =	sne.s32 s9, s6  }
.Ltmp1:
0x231: {  	_ = 	snop;
	(pc) =	sbr.rel @p0 .LBB2_1-.Ltmp1, $3  }
0x232: {  	_ =	sdelay $0x1  }
0x233: {  	[sflag:s10] =	ssyncset.done $0x0  }
0x234: {  	[sflag:s10] =	ssyncadd.s32 $0xFFFFEC00  }
0x235: {  	_ =	sfence.sel $0x180000  }
0x236: {  	[bflag:$0x0] =	sbarrier.arrive $0xFFFF  }
0x237: {  	_ =	strace $0x9000004D  }
0x238: {  	s0 =	stileid.u32;
	[bflag:$0x2] =	sbarrier.arrive $0xFFFF  }
0x239: {  	p0 =	sne.s32 s0, $0x0;
	s0 =	rddreg [dreg:$0x2]  }
0x23a: {  	s0 =	sadd.s32 @!p0 $0x100000, s0  }
0x23b: {  	[sflag:s0] =	ssyncadd.tile.s32 @!p0 $0x1;
	_ =	shalt  }
.Lfunc_end2:
_tile_overlayer_lowered:
.L_overlay_start_2:
0x23c: {  	(tag) =	ssettag $0x2  }
0x23d: {  	s0 =	rddreg [dreg:$0x0];
	s2 =	stileid.u32  }
0x23e: {  	s1 =	rddreg [dreg:$0x1];
	p0 =	sne.s32 s2, $0x0  }
0x23f: {  	s3 =	rddreg [dreg:$0x2];
	[bflag:$0x3] =	sbarrier.arrive $0xFFFF;
	s2 =	simm.s32 @!p0 $0x1C03  }
0x240: {  	[timem:s3], [sflag:s2] =	dma.local @!p0 [hbm:s0], s1  }
0x241: {  	s0 =	simm.s32 @!p0 $0x3  }
0x242: {  	_ =	swait.ge @!p0 [sflag:s0], s1  }
0x243: {  	s1 =	ssub.s32 @!p0 $0x0, s1;
	[sflag:s0] =	ssyncset.done @!p0 $0x0  }
0x244: {  	[sflag:s0] =	ssyncadd.s32 @!p0 s1  }
0x245: {  	[bflag:$0x3] =	sbarrier.arrive $0xFFFF  }
0x246: {  	_ =	shalt  }

// kernel: kernel.19.cloned.1.call-start
scs
__scs_entry_jumppad:
0x0: {  	(pc) =	sbr.rel $0x88, $3  }
0x1: {  	(tag) =	ssettag $0x0;
	lr =	simm.s32 $0x1  }
0x2: {  	[smem:$0x3F94] =	sst lr;
	_ =	strace $0xD0000000  }
0x3: {  	_ = 	snop  }
0x4: {  	_ = 	snop  }
0x5: {  	_ = 	snop  }
0x6: {  	_ = 	snop  }
0x7: {  	_ = 	snop  }
__scs_overlays_trampoline_lowered:
0x8: {  	[smem:$0x3FA3] =	sst s0  }
0x9: {  	[smem:$0x3FA4] =	sst s1  }
0xa: {  	[smem:$0x3FA5] =	sst s2  }
0xb: {  	[smem:$0x3FA6] =	sst s3  }
0xc: {  	[smem:$0x3FA7] =	sst s4  }
0xd: {  	[smem:$0x3FA8] =	sst s5  }
0xe: {  	[smem:$0x3FA9] =	sst s6  }
0xf: {  	[smem:$0x3FAA] =	sst s7  }
0x10: {  	[smem:$0x3FAB] =	sst s8  }
0x11: {  	[smem:$0x3FAC] =	sst s9;
	s0 =	simm.s32 @!p0 $0x0  }
0x12: {  	s1 =	sld [smem:$0x3F92];
	s0 =	simm.s32 @p0 $0x1  }
0x13: {  	[smem:$0x3FAD] =	sst s0;
	s0 =	simm.s32 @!p1 $0x0  }
0x14: {  	s2 =	sld [smem:$0x3F91];
	s0 =	simm.s32 @p1 $0x1  }
0x15: {  	[smem:$0x3FAE] =	sst s0;
	s0 =	simm.s32 @!p2 $0x0  }
0x16: {  	s3 =	sld [smem:$0x3FDB];
	s0 =	simm.s32 @p2 $0x1  }
0x17: {  	s4 =	simm.s32 $0x1BF5;
	[smem:$0x3FB0] =	sst s0  }
0x18: {  	s0 =	sld [smem:$0x3F93];
	_ =	swait.ge [sflag:s4], $0x0  }
0x19: {  	s7 =	sld [smem:$0x3F94]  }
0x1a: {  	s8 =	sadd.s32 $0xFFFFE003, lr  }
0x1b: {  	s9 =	sadd.s32 $0xFFFFFEF7, lr;
	s5 =	simm.s32 $0xFFFFFFFF;
	p2 =	slt.u32 s8, $0xFFFFF086  }
0x1c: {  	p1 =	slt.u32 s9, $0xF7A;
	s5 =	simm.s32 @!p2 $0x0  }
0x1d: {  	s5 =	simm.s32 @p1 $0x1;
	p0 =	seq.s32 s7, s2  }
0x1e: {  	s7 =	smul.u32 @!p0 $0xF7A, s2;
	p2 =	seq.s32 @!p0 s5, $0x0  }
0x1f: {  	s9 =	smul.u32 $0xF7A, s1;
	s8 =	simm.s32 @!p0 $0x1BF5;
	p2 =	por !p2, p0  }
0x20: {  	[sflag:s8] =	ssyncset.s32 @!p0 $0xFFFFF086;
	s6 =	sadd.s32 @!p0 s3, s7;
	s7 =	simm.s32 @!p0 $0x108  }
0x21: {  	s3 =	sadd.s32 s3, s9;
	s6 =	sadd.s32 @!p0 $0x88, s6;
	s7 =	simm.s32 @p2 $0x1082  }
0x22: {  	[simem:s7], [sflag:s8] =	dma.local @!p0 [hbm:s6], $0xF7A  }
0x23: {  	s9 =	sor.u32 $0xD0000000, s2;
	s6 =	simm.s32 $0x108;
	_ =	swait.ge @!p0 [sflag:s8], $0x0  }
0x24: {  	s3 =	sadd.s32 $0x88, s3;
	s6 =	simm.s32 @!p1 $0x1082;
	[sflag:s4] =	ssyncset.s32 $0xFFFFF086  }
0x25: {  	[simem:s6], [sflag:s4] =	dma.local [hbm:s3], $0xF7A  }
0x26: {  	[smem:$0x3F94] =	sst s1;
	(tag) =	ssettag s2;
	_ =	strace s9  }
0x27: {  	s1 =	sld [smem:$0x3FA4]  }
0x28: {  	s2 =	sld [smem:$0x3FA5]  }
0x29: {  	s4 =	sld [smem:$0x3FA7]  }
0x2a: {  	p0 =	seq.s32 s5, $0x0;
	s5 =	sld [smem:$0x3FA8]  }
0x2b: {  	s6 =	sld [smem:$0x3FA9]  }
0x2c: {  	s7 =	sld [smem:$0x3FAA]  }
0x2d: {  	s3 =	simm.s32 $0x108;
	s8 =	sld [smem:$0x3FAB]  }
0x2e: {  	s3 =	simm.s32 @!p0 $0x1082;
	s9 =	sld [smem:$0x3FAC]  }
0x2f: {  	lr =	sadd.s32 s0, s3;
	s0 =	sld [smem:$0x3FA3]  }
0x30: {  	s3 =	sld [smem:$0x3FA6]  }
0x31: {  	[smem:$0x3FAF] =	sst s10  }
0x32: {  	s10 =	sld [smem:$0x3FAD];
	_ =	sdelay $0x3  }
0x33: {  	p0 =	seq.s32 s10, $0x1;
	s10 =	sld [smem:$0x3FAF];
	_ =	sdelay $0x3  }
0x34: {  	[smem:$0x3FAF] =	sst s10  }
0x35: {  	s10 =	sld [smem:$0x3FAE];
	_ =	sdelay $0x3  }
0x36: {  	p1 =	seq.s32 s10, $0x1;
	s10 =	sld [smem:$0x3FAF];
	_ =	sdelay $0x3  }
0x37: {  	[smem:$0x3FAF] =	sst s10  }
0x38: {  	s10 =	sld [smem:$0x3FB0]  }
0x39: {  	_ = 	snop;
	(pc) =	sbr.ind lr, $3  }
0x3a: {  	_ = 	snop  }
0x3b: {  	_ = 	snop  }
0x3c: {  	p2 =	seq.s32 s10, $0x1;
	s10 =	sld [smem:$0x3FAF]  }
0x3d: {  	_ =	shalt  }
0x3e: {  	_ =	shalt  }
0x3f: {  	_ =	shalt  }
0x40: {  	_ =	shalt  }
0x41: {  	_ =	shalt  }
0x42: {  	_ =	shalt  }
0x43: {  	_ =	shalt  }
0x44: {  	_ =	shalt  }
0x45: {  	_ =	shalt  }
0x46: {  	_ =	shalt  }
0x47: {  	_ =	shalt  }
0x48: {  	_ =	shalt  }
0x49: {  	_ =	shalt  }
0x4a: {  	_ =	shalt  }
0x4b: {  	_ =	shalt  }
0x4c: {  	_ =	shalt  }
0x4d: {  	_ =	shalt  }
0x4e: {  	_ =	shalt  }
0x4f: {  	_ =	shalt  }
0x50: {  	_ =	shalt  }
0x51: {  	_ =	shalt  }
0x52: {  	_ =	shalt  }
0x53: {  	_ =	shalt  }
0x54: {  	_ =	shalt  }
0x55: {  	_ =	shalt  }
0x56: {  	_ =	shalt  }
0x57: {  	_ =	shalt  }
0x58: {  	_ =	shalt  }
0x59: {  	_ =	shalt  }
0x5a: {  	_ =	shalt  }
0x5b: {  	_ =	shalt  }
0x5c: {  	_ =	shalt  }
0x5d: {  	_ =	shalt  }
0x5e: {  	_ =	shalt  }
0x5f: {  	_ =	shalt  }
0x60: {  	_ =	shalt  }
0x61: {  	_ =	shalt  }
0x62: {  	_ =	shalt  }
0x63: {  	_ =	shalt  }
0x64: {  	_ =	shalt  }
0x65: {  	_ =	shalt  }
0x66: {  	_ =	shalt  }
0x67: {  	_ =	shalt  }
0x68: {  	_ =	shalt  }
0x69: {  	_ =	shalt  }
0x6a: {  	_ =	shalt  }
0x6b: {  	_ =	shalt  }
0x6c: {  	_ =	shalt  }
0x6d: {  	_ =	shalt  }
0x6e: {  	_ =	shalt  }
0x6f: {  	_ =	shalt  }
0x70: {  	_ =	shalt  }
0x71: {  	_ =	shalt  }
0x72: {  	_ =	shalt  }
0x73: {  	_ =	shalt  }
0x74: {  	_ =	shalt  }
0x75: {  	_ =	shalt  }
0x76: {  	_ =	shalt  }
0x77: {  	_ =	shalt  }
0x78: {  	_ =	shalt  }
0x79: {  	_ =	shalt  }
0x7a: {  	_ =	shalt  }
0x7b: {  	_ =	shalt  }
0x7c: {  	_ =	shalt  }
0x7d: {  	_ =	shalt  }
0x7e: {  	_ =	shalt  }
0x7f: {  	_ =	shalt  }
0x80: {  	_ =	shalt  }
0x81: {  	_ =	shalt  }
0x82: {  	_ =	shalt  }
0x83: {  	_ =	shalt  }
0x84: {  	_ =	shalt  }
0x85: {  	_ =	shalt  }
0x86: {  	_ =	shalt  }
0x87: {  	_ =	shalt  }
.Lfunc_end0:
.L_simem_size_0:
called_computation.3_lowered:
.L_overlay_start_0:
0x88: {  	s2 =	sld [smem:$0x3FD9]  }
0x89: {  	s3 =	sld [smem:$0x3FFE];
	_ =	sdelay $0x1  }
0x8a: {  	s1 =	srdreg.scid  }
0x8b: {  	s0 =	sand.u32 $0x1, s1  }
0x8c: {  	s16 =	sshll.u32 s0, $0xA;
	s2 =	sadd.s32 s3, s2  }
0x8d: {  	s2 =	sadd.s32 s2, s16  }
0x8e: {  	[smem:$0x3FBB] =	sst s2  }
0x8f: {  	_ = 	snop  }
0x90: {  	(tm) =	ssettm $0x1  }
0x91: {  	s17 =	sld [smem:$0x3FFB];
	_ =	sdelay $0x3  }
0x92: {  	_ =	strace s17  }
0x93: {  	s2 =	sld [smem:$0x3FFC];
	_ =	sdelay $0x3  }
0x94: {  	_ =	strace s2  }
0x95: {  	s2 =	sld [smem:$0x3FFD];
	_ =	sdelay $0x3  }
0x96: {  	_ =	strace s2  }
0x97: {  	_ =	strace $0x8FFFFFFF  }
0x98: {  	s18 =	sld [smem:$0x3FDB];
	_ =	sdelay $0x1  }
0x99: {  	s19 =	simm.s32 $_scs_section_size  }
0x9a: {  	s4 =	simm.s32 $_size__tile_overlayer_lowered;
	s5 =	simm.s32 $_tile_overlayer_lowered  }
0x9b: {  	s22 =	simm.s32 $0x1BFF;
	s21 =	sshll.u32 s5, $0x1;
	s2 =	sadd.s32 s19, s18  }
0x9c: {  	s6 =	simm.s32 $0x0;
	s20 =	sshll.u32 s4, $0x1;
	s4 =	sadd.s32 s21, s2  }
0x9d: {  	[timem:s6], [sflag:s22] =	dma.local [hbm:s4], s20  }
0x9e: {  	_ =	swait.ge [sflag:s22], s20  }
0x9f: {  	s3 =	ssub.s32 $0x0, s20;
	[sflag:s22] =	ssyncset.done $0x0  }
0xa0: {  	[sflag:s22] =	ssyncadd.s32 s3;
	_ =	sdelay $0x1  }
0xa1: {  	s23 =	simm.s32 $0x1B8B  }
0xa2: {  	_ =	swait.ge [sflag:s23], $0x1  }
0xa3: {  	[sflag:s23] =	ssyncset.done $0x0  }
0xa4: {  	s25 =	simm.s32 $0x1B8E;
	s24 =	sld [smem:$0x3FFE];
	[sflag:s23] =	ssyncadd.s32 $0xFFFFFFFF  }
0xa5: {  	s26 =	simm.s32 $execute0_lowered;
	[smem:$0x3FD2] =	sst s25  }
0xa6: {  	s4 =	sshll.u32 s26, $0x1;
	_ =	strace $0x8000004F;
	[dreg:$0x1] =	wrdreg $0xFFFFFFFF  }
0xa7: {  	s28 =	simm.s32 $_size_execute0_lowered;
	s2 =	sadd.s32 s2, s4;
	[dreg:$0x0] =	wrdreg $0x0  }
0xa8: {  	s4 =	sshll.u32 s28, $0x1;
	[dreg:$0x2] =	wrdreg s2  }
0xa9: {  	[dreg:$0x3] =	wrdreg s4  }
0xaa: {  	[dreg:$0x4] =	wrdreg $0xC0  }
0xab: {  	_ =	task [dreg:s6], $0x5FFFF  }
0xac: {  	[dreg:$0x1] =	wrdreg $0xFFFFFFFF  }
0xad: {  	[dreg:$0x0] =	wrdreg $0x60  }
0xae: {  	[dreg:$0x2] =	wrdreg s24  }
0xaf: {  	[dreg:$0x3] =	wrdreg $0x34000  }
0xb0: {  	[dreg:$0x4] =	wrdreg $0x9  }
0xb1: {  	_ =	task.clear_ibuf [dreg:s6], $0x5FFFF;
	_ =	strace $0x9000004F  }
0xb2: {  	s29 =	simm.s32 $0x9;
	_ =	strace $0x80000051  }
0xb3: {  	_ =	swait.ge [sflag:s29], $0x1  }
0xb4: {  	[sflag:s29] =	ssyncadd.s32 $0xFFFFFFFF  }
0xb5: {  	_ =	strace $0x90000051  }
0xb6: {  	_ =	sfence  }
0xb7: {  	s30 =	sld [smem:$0x0];
	_ =	sdelay $0x2  }
0xb8: {  	s31 =	sshll.u32 s1, $0xD;
	s1 =	sshrl.u32 s1, $0x2  }
0xb9: {  	s3 =	sand.u32 $0x4000, s31;
	s1 =	sadd.s32 s1, s30  }
0xba: {  	s0 =	sor.u32 s3, s0;
	s1 =	sshll.u32 s1, $0x11  }
0xbb: {  	s0 =	sor.u32 s1, s0  }
0xbc: {  	s0 =	sadd.s32 $0x8F2B, s0  }
0xbd: {  	[sflag:s0] =	ssyncadd.remote.s32 $0x1  }
0xbe: {  	_ =	sfence.sel $0xFFFF  }
0xbf: {  	[dreg:$0x0] =	wrdreg $0xFFFFFFFF;
	(pc) =	sbr.abs _section_cstart, $3  }
0xc0: {  	[dreg:$0x1] =	wrdreg $0xFFFFFFFF  }
0xc1: {  	_ =	task.clear_ibuf [dreg:s6], $0x2FFFF;
	_ =	strace $0x9FFFFFFF  }
0xc2: {  	(tm) =	ssettm $0x7FFFFFFF  }
0xc3: {  	_ =	shalt  }
tec
execute0_lowered:
.L_overlay_start_1:
0x0: {  	(tag) =	ssettag $0x1  }
0x1: {  	s0 =	srdreg.scid;
	s1 =	rddreg [dreg:$0x0]  }
0x2: {  	s9 =	stileid.u32;
	s2 =	rddreg [dreg:$0x1];
	s3 =	simm.s32 $0x0  }
0x3: {  	s22 =	simm.s32 $0x100;
	s23 =	simm.s32 $0xA80;
	[smem:$0x7FF] =	sst s3  }
0x4: {  	s24 =	simm.s32 $0x180;
	_ =	strace $0x80000050;
	[dreg:$0x5] =	wrdreg s22  }
0x5: {  	s25 =	simm.s32 $0xB00;
	s26 =	simm.s32 $0x200;
	[dreg:$0x6] =	wrdreg s23  }
0x6: {  	s11 =	simm.s32 $0x280;
	s12 =	simm.s32 $0xC00;
	[dreg:$0x7] =	wrdreg s24  }
0x7: {  	s13 =	simm.s32 $0x300;
	s15 =	simm.s32 $0xC80;
	[dreg:$0x8] =	wrdreg s25  }
0x8: {  	s17 =	simm.s32 $0x380;
	s18 =	simm.s32 $0xD00;
	[dreg:$0x9] =	wrdreg s26  }
0x9: {  	s19 =	simm.s32 $0x400;
	s20 =	simm.s32 $0xD80;
	[dreg:$0xb] =	wrdreg s11  }
0xa: {  	s28 =	simm.s32 $0x880;
	s29 =	simm.s32 $0x1200;
	[dreg:$0xc] =	wrdreg s12  }
0xb: {  	s30 =	simm.s32 $0x900;
	s31 =	simm.s32 $0x1280;
	[dreg:$0xd] =	wrdreg s13  }
0xc: {  	s0 =	sand.u32 $0x1, s0;
	s5 =	smul.u32 $0x500, s9;
	[dreg:$0xe] =	wrdreg s15  }
0xd: {  	s6 =	smul.u32 $0x5000, s9;
	s16 =	sshll.u32 s9, $0x6;
	[dreg:$0xf] =	wrdreg s17  }
0xe: {  	s9 =	simm.s32 $0x0;
	s4 =	smul.u32 $0x5000, s0;
	[dreg:$0x10] =	wrdreg s18  }
0xf: {  	s21 =	smul.u32 $0x50000, s0;
	s0 =	ssub.s32 $0x2, s0;
	[dreg:$0x11] =	wrdreg s19  }
0x10: {  	[dreg:$0x12] =	wrdreg s20;
	s22 =	simm.s32 $0xE00;
	s11 =	simm.s32 $0xA00  }
0x11: {  	s23 =	simm.s32 $0x500;
	s12 =	simm.s32 $0x80;
	s24 =	simm.s32 $0xE80  }
0x12: {  	s13 =	simm.s32 $0x1400;
	s25 =	simm.s32 $0x580;
	[dreg:$0x14] =	wrdreg s22  }
0x13: {  	s26 =	simm.s32 $0xF00;
	s15 =	simm.s32 $0x1;
	[dreg:$0x15] =	wrdreg s23  }
0x14: {  	s17 =	simm.s32 $0x600;
	s18 =	simm.s32 $0xF80;
	[dreg:$0x16] =	wrdreg s24  }
0x15: {  	s19 =	simm.s32 $0x680;
	s20 =	simm.s32 $0x1000;
	[dreg:$0x17] =	wrdreg s25  }
0x16: {  	s8 =	sshrl.u32 s6, $0x3;
	s10 =	sshrl.u32 s0, $0x1;
	[dreg:$0x18] =	wrdreg s26  }
0x17: {  	s22 =	simm.s32 $0x1080;
	s23 =	simm.s32 $0x780;
	s24 =	simm.s32 $0x1100  }
0x18: {  	s25 =	simm.s32 $0x800;
	s26 =	simm.s32 $0x1180;
	s8 =	sadd.s32 s8, s1  }
0x19: {  	s4 =	sadd.s32 s4, s1;
	s0 =	ssub.s32 s0, s10;
	s14 =	sadd.s32 $0xD200, s8  }
0x1a: {  	s5 =	sadd.s32 s5, s4;
	s0 =	smax.u32 s0, $0x1;
	[dreg:$0x19] =	wrdreg s14  }
0x1b: {  	s10 =	simm.s32 $0x3;
	s7 =	sadd.s32 $0x2B400, s5;
	[dreg:$0x1c] =	wrdreg s0  }
0x1c: {  	s4 =	sadd.s32 $0x17200, s1;
	s5 =	sadd.s32 $0x3200, s5;
	[dreg:$0x3] =	wrdreg s7  }
0x1d: {  	s14 =	simm.s32 $0x2400;
	s0 =	simm.s32 $0x1300;
	[dreg:$0x4] =	wrdreg s5  }
0x1e: {  	s7 =	sadd.s32 s6, s21;
	s6 =	sadd.s32 s6, s2;
	s21 =	simm.s32 $0x480  }
0x1f: {  	s7 =	sshrl.u32 s7, $0x3;
	s8 =	sshrl.u32 s6, $0x3;
	[dreg:$0x13] =	wrdreg s21  }
0x20: {  	s1 =	sadd.s32 s7, s1;
	s7 =	simm.s32 $0xB80;
	[dreg:$0x1d] =	wrdreg s8  }
0x21: {  	s5 =	simm.s32 $0x1380;
	[dreg:$0xa] =	wrdreg s7;
	s1 =	sadd.s32 $0x85400, s1  }
0x22: {  	s21 =	simm.s32 $0x700;
	s7 =	sor.u32 $0x1C03, s16;
	[dreg:$0x1b] =	wrdreg s1  }
0x23: {  	s16 =	simm.s32 $0x2;
	s1 =	simm.s32 $0x980;
	[dreg:$0x1a] =	wrdreg s7  }
.LBB2_1:
0x24: {  	[dreg:$0x1e] =	wrdreg s9  }
0x25: {  	s6 =	rddreg [dreg:$0x19]  }
0x26: {  	[spmem:s8], [sflag:s7] =	dma.local [hbm:s6], $0xA00  }
0x27: {  	_ =	swait.ge [sflag:s10], $0xA00  }
0x28: {  	[sflag:s10] =	ssyncset.done $0x0  }
0x29: {  	[sflag:s10] =	ssyncadd.s32 $0xFFFFF600  }
0x2a: {  	[bflag:$0x0] =	sbarrier.arrive $0xFFFF  }
0x2b: {  	s9 =	rddreg [dreg:$0x3]  }
0x2c: {  	s6 =	sadd.s32 $0x0, s9  }
0x2d: {  	[tilespmem:s3], [sflag:$0x3] =	stream.linear.gather [hbm4b:s6+s3], $0xA00, $0x38;
	[tilespmem:$0x8400] =	vst v63  }
0x2e: {  	_ =	swait.ge [sflag:s10], $0xA00  }
0x2f: {  	s7 =	rddreg [dreg:$0x4];
	[sflag:s10] =	ssyncset.done $0x0  }
0x30: {  	[sflag:s10] =	ssyncadd.s32 $0xFFFFF600;
	s6 =	sadd.s32 $0x0, s7  }
0x31: {  	[tilespmem:s11], [sflag:$0x3] =	stream.linear.gather [hbm4b:s6+s3], $0xA00, $0x38;
	[tilespmem:$0x8400] =	vst v63  }
0x32: {  	_ =	swait.ge [sflag:s10], $0xA00  }
0x33: {  	[sflag:s10] =	ssyncset.done $0x0  }
0x34: {  	[sflag:s10] =	ssyncadd.s32 $0xFFFFF600  }
0x35: {  	[tilespmem:s13], [sflag:$0x1] =	stream.indirect.gather [hbm4b:s4+s12], $0x20, s3, s12, $0xb8;
	[tilespmem:$0x8400] =	vst v63  }
0x36: {  	_ = 	snop  }
0x37: {  	[tilespmem:s14], [sflag:$0x2] =	stream.indirect.gather [hbm4b:s4+s12], $0x20, s12, s12, $0xb8;
	[tilespmem:$0x8400] =	vst v63  }
0x38: {  	_ =	swait.ge [sflag:s15], $0x1000  }
0x39: {  	[sflag:s15] =	ssyncset.done $0x0  }
0x3a: {  	[sflag:s15] =	ssyncadd.s32 $0xFFFFF000  }
0x3b: {  	[spmem:s2] =	stream.indirect.scatter.add.f32 [tilespmem:s13], [sflag:$0x3], $0x20, s11, s12, $0xb8;
	[tilespmem:$0x8400] =	vst v63  }
0x3c: {  	_ =	swait.ge [sflag:s10], $0x1000  }
0x3d: {  	[sflag:s10] =	ssyncset.done $0x0  }
0x3e: {  	s8 =	rddreg [dreg:$0x5];
	[sflag:s10] =	ssyncadd.s32 $0xFFFFF000  }
0x3f: {  	[tilespmem:s13], [sflag:$0x1] =	stream.indirect.gather [hbm4b:s4+s12], $0x20, s8, s12, $0xb8;
	[tilespmem:$0x8400] =	vst v63  }
0x40: {  	_ =	swait.ge [sflag:s16], $0x1000  }
0x41: {  	[sflag:s16] =	ssyncset.done $0x0  }
0x42: {  	s9 =	rddreg [dreg:$0x6];
	[sflag:s16] =	ssyncadd.s32 $0xFFFFF000  }
0x43: {  	[spmem:s2] =	stream.indirect.scatter.add.f32 [tilespmem:s14], [sflag:$0x3], $0x20, s9, s12, $0xb8;
	[tilespmem:$0x8400] =	vst v63  }
0x44: {  	_ =	swait.ge [sflag:s10], $0x1000  }
0x45: {  	[sflag:s10] =	ssyncset.done $0x0  }
0x46: {  	s7 =	rddreg [dreg:$0x7];
	[sflag:s10] =	ssyncadd.s32 $0xFFFFF000  }
0x47: {  	[tilespmem:s14], [sflag:$0x2] =	stream.indirect.gather [hbm4b:s4+s12], $0x20, s7, s12, $0xb8;
	[tilespmem:$0x8400] =	vst v63  }
0x48: {  	_ =	swait.ge [sflag:s15], $0x1000  }
0x49: {  	[sflag:s15] =	ssyncset.done $0x0  }
0x4a: {  	s8 =	rddreg [dreg:$0x8];
	[sflag:s15] =	ssyncadd.s32 $0xFFFFF000  }
0x4b: {  	[spmem:s2] =	stream.indirect.scatter.add.f32 [tilespmem:s13], [sflag:$0x3], $0x20, s8, s12, $0xb8;
	[tilespmem:$0x8400] =	vst v63  }
0x4c: {  	_ =	swait.ge [sflag:s10], $0x1000  }
0x4d: {  	[sflag:s10] =	ssyncset.done $0x0  }
0x4e: {  	s9 =	rddreg [dreg:$0x9];
	[sflag:s10] =	ssyncadd.s32 $0xFFFFF000  }
0x4f: {  	[tilespmem:s13], [sflag:$0x1] =	stream.indirect.gather [hbm4b:s4+s12], $0x20, s9, s12, $0xb8;
	[tilespmem:$0x8400] =	vst v63  }
0x50: {  	_ =	swait.ge [sflag:s16], $0x1000  }
0x51: {  	[sflag:s16] =	ssyncset.done $0x0  }
0x52: {  	s7 =	rddreg [dreg:$0xa];
	[sflag:s16] =	ssyncadd.s32 $0xFFFFF000  }
0x53: {  	[spmem:s2] =	stream.indirect.scatter.add.f32 [tilespmem:s14], [sflag:$0x3], $0x20, s7, s12, $0xb8;
	[tilespmem:$0x8400] =	vst v63  }
0x54: {  	_ =	swait.ge [sflag:s10], $0x1000  }
0x55: {  	[sflag:s10] =	ssyncset.done $0x0  }
0x56: {  	s8 =	rddreg [dreg:$0xb];
	[sflag:s10] =	ssyncadd.s32 $0xFFFFF000  }
0x57: {  	[tilespmem:s14], [sflag:$0x2] =	stream.indirect.gather [hbm4b:s4+s12], $0x20, s8, s12, $0xb8;
	[tilespmem:$0x8400] =	vst v63  }
0x58: {  	_ =	swait.ge [sflag:s15], $0x1000  }
0x59: {  	[sflag:s15] =	ssyncset.done $0x0  }
0x5a: {  	s9 =	rddreg [dreg:$0xc];
	[sflag:s15] =	ssyncadd.s32 $0xFFFFF000  }
0x5b: {  	[spmem:s2] =	stream.indirect.scatter.add.f32 [tilespmem:s13], [sflag:$0x3], $0x20, s9, s12, $0xb8;
	[tilespmem:$0x8400] =	vst v63  }
0x5c: {  	_ =	swait.ge [sflag:s10], $0x1000  }
0x5d: {  	[sflag:s10] =	ssyncset.done $0x0  }
0x5e: {  	s7 =	rddreg [dreg:$0xd];
	[sflag:s10] =	ssyncadd.s32 $0xFFFFF000  }
0x5f: {  	[tilespmem:s13], [sflag:$0x1] =	stream.indirect.gather [hbm4b:s4+s12], $0x20, s7, s12, $0xb8;
	[tilespmem:$0x8400] =	vst v63  }
0x60: {  	_ =	swait.ge [sflag:s16], $0x1000  }
0x61: {  	[sflag:s16] =	ssyncset.done $0x0  }
0x62: {  	s8 =	rddreg [dreg:$0xe];
	[sflag:s16] =	ssyncadd.s32 $0xFFFFF000  }
0x63: {  	[spmem:s2] =	stream.indirect.scatter.add.f32 [tilespmem:s14], [sflag:$0x3], $0x20, s8, s12, $0xb8;
	[tilespmem:$0x8400] =	vst v63  }
0x64: {  	_ =	swait.ge [sflag:s10], $0x1000  }
0x65: {  	[sflag:s10] =	ssyncset.done $0x0  }
0x66: {  	s9 =	rddreg [dreg:$0xf];
	[sflag:s10] =	ssyncadd.s32 $0xFFFFF000  }
0x67: {  	[tilespmem:s14], [sflag:$0x2] =	stream.indirect.gather [hbm4b:s4+s12], $0x20, s9, s12, $0xb8;
	[tilespmem:$0x8400] =	vst v63  }
0x68: {  	_ =	swait.ge [sflag:s15], $0x1000  }
0x69: {  	[sflag:s15] =	ssyncset.done $0x0  }
0x6a: {  	s7 =	rddreg [dreg:$0x10];
	[sflag:s15] =	ssyncadd.s32 $0xFFFFF000  }
0x6b: {  	[spmem:s2] =	stream.indirect.scatter.add.f32 [tilespmem:s13], [sflag:$0x3], $0x20, s7, s12, $0xb8;
	[tilespmem:$0x8400] =	vst v63  }
0x6c: {  	_ =	swait.ge [sflag:s10], $0x1000  }
0x6d: {  	[sflag:s10] =	ssyncset.done $0x0  }
0x6e: {  	s8 =	rddreg [dreg:$0x11];
	[sflag:s10] =	ssyncadd.s32 $0xFFFFF000  }
0x6f: {  	[tilespmem:s13], [sflag:$0x1] =	stream.indirect.gather [hbm4b:s4+s12], $0x20, s8, s12, $0xb8;
	[tilespmem:$0x8400] =	vst v63  }
0x70: {  	_ =	swait.ge [sflag:s16], $0x1000  }
0x71: {  	[sflag:s16] =	ssyncset.done $0x0  }
0x72: {  	s9 =	rddreg [dreg:$0x12];
	[sflag:s16] =	ssyncadd.s32 $0xFFFFF000  }
0x73: {  	[spmem:s2] =	stream.indirect.scatter.add.f32 [tilespmem:s14], [sflag:$0x3], $0x20, s9, s12, $0xb8;
	[tilespmem:$0x8400] =	vst v63  }
0x74: {  	_ =	swait.ge [sflag:s10], $0x1000  }
0x75: {  	[sflag:s10] =	ssyncset.done $0x0  }
0x76: {  	s7 =	rddreg [dreg:$0x13];
	[sflag:s10] =	ssyncadd.s32 $0xFFFFF000  }
0x77: {  	[tilespmem:s14], [sflag:$0x2] =	stream.indirect.gather [hbm4b:s4+s12], $0x20, s7, s12, $0xb8;
	[tilespmem:$0x8400] =	vst v63  }
0x78: {  	_ =	swait.ge [sflag:s15], $0x1000  }
0x79: {  	[sflag:s15] =	ssyncset.done $0x0  }
0x7a: {  	s8 =	rddreg [dreg:$0x14];
	[sflag:s15] =	ssyncadd.s32 $0xFFFFF000  }
0x7b: {  	[spmem:s2] =	stream.indirect.scatter.add.f32 [tilespmem:s13], [sflag:$0x3], $0x20, s8, s12, $0xb8;
	[tilespmem:$0x8400] =	vst v63  }
0x7c: {  	_ =	swait.ge [sflag:s10], $0x1000  }
0x7d: {  	[sflag:s10] =	ssyncset.done $0x0  }
0x7e: {  	s9 =	rddreg [dreg:$0x15];
	[sflag:s10] =	ssyncadd.s32 $0xFFFFF000  }
0x7f: {  	[tilespmem:s13], [sflag:$0x1] =	stream.indirect.gather [hbm4b:s4+s12], $0x20, s9, s12, $0xb8;
	[tilespmem:$0x8400] =	vst v63  }
0x80: {  	_ =	swait.ge [sflag:s16], $0x1000  }
0x81: {  	[sflag:s16] =	ssyncset.done $0x0  }
0x82: {  	s7 =	rddreg [dreg:$0x16];
	[sflag:s16] =	ssyncadd.s32 $0xFFFFF000  }
0x83: {  	[spmem:s2] =	stream.indirect.scatter.add.f32 [tilespmem:s14], [sflag:$0x3], $0x20, s7, s12, $0xb8;
	[tilespmem:$0x8400] =	vst v63  }
0x84: {  	_ =	swait.ge [sflag:s10], $0x1000  }
0x85: {  	[sflag:s10] =	ssyncset.done $0x0  }
0x86: {  	s8 =	rddreg [dreg:$0x17];
	[sflag:s10] =	ssyncadd.s32 $0xFFFFF000  }
0x87: {  	[tilespmem:s14], [sflag:$0x2] =	stream.indirect.gather [hbm4b:s4+s12], $0x20, s8, s12, $0xb8;
	[tilespmem:$0x8400] =	vst v63  }
0x88: {  	_ =	swait.ge [sflag:s15], $0x1000  }
0x89: {  	[sflag:s15] =	ssyncset.done $0x0  }
0x8a: {  	s9 =	rddreg [dreg:$0x18];
	[sflag:s15] =	ssyncadd.s32 $0xFFFFF000  }
0x8b: {  	[spmem:s2] =	stream.indirect.scatter.add.f32 [tilespmem:s13], [sflag:$0x3], $0x20, s9, s12, $0xb8;
	[tilespmem:$0x8400] =	vst v63  }
0x8c: {  	_ =	swait.ge [sflag:s10], $0x1000  }
0x8d: {  	[sflag:s10] =	ssyncset.done $0x0  }
0x8e: {  	[sflag:s10] =	ssyncadd.s32 $0xFFFFF000  }
0x8f: {  	[tilespmem:s13], [sflag:$0x1] =	stream.indirect.gather [hbm4b:s4+s12], $0x20, s17, s12, $0xb8;
	[tilespmem:$0x8400] =	vst v63  }
0x90: {  	_ =	swait.ge [sflag:s16], $0x1000  }
0x91: {  	[sflag:s16] =	ssyncset.done $0x0  }
0x92: {  	[sflag:s16] =	ssyncadd.s32 $0xFFFFF000  }
0x93: {  	[spmem:s2] =	stream.indirect.scatter.add.f32 [tilespmem:s14], [sflag:$0x3], $0x20, s18, s12, $0xb8;
	[tilespmem:$0x8400] =	vst v63  }
0x94: {  	_ =	swait.ge [sflag:s10], $0x1000  }
0x95: {  	[sflag:s10] =	ssyncset.done $0x0  }
0x96: {  	[sflag:s10] =	ssyncadd.s32 $0xFFFFF000  }
0x97: {  	[tilespmem:s14], [sflag:$0x2] =	stream.indirect.gather [hbm4b:s4+s12], $0x20, s19, s12, $0xb8;
	[tilespmem:$0x8400] =	vst v63  }
0x98: {  	_ =	swait.ge [sflag:s15], $0x1000  }
0x99: {  	[sflag:s15] =	ssyncset.done $0x0  }
0x9a: {  	[sflag:s15] =	ssyncadd.s32 $0xFFFFF000  }
0x9b: {  	[spmem:s2] =	stream.indirect.scatter.add.f32 [tilespmem:s13], [sflag:$0x3], $0x20, s20, s12, $0xb8;
	[tilespmem:$0x8400] =	vst v63  }
0x9c: {  	_ =	swait.ge [sflag:s10], $0x1000  }
0x9d: {  	[sflag:s10] =	ssyncset.done $0x0  }
0x9e: {  	[sflag:s10] =	ssyncadd.s32 $0xFFFFF000  }
0x9f: {  	[tilespmem:s13], [sflag:$0x1] =	stream.indirect.gather [hbm4b:s4+s12], $0x20, s21, s12, $0xb8;
	[tilespmem:$0x8400] =	vst v63  }
0xa0: {  	_ =	swait.ge [sflag:s16], $0x1000  }
0xa1: {  	[sflag:s16] =	ssyncset.done $0x0  }
0xa2: {  	[sflag:s16] =	ssyncadd.s32 $0xFFFFF000  }
0xa3: {  	[spmem:s2] =	stream.indirect.scatter.add.f32 [tilespmem:s14], [sflag:$0x3], $0x20, s22, s12, $0xb8;
	[tilespmem:$0x8400] =	vst v63  }
0xa4: {  	_ =	swait.ge [sflag:s10], $0x1000  }
0xa5: {  	[sflag:s10] =	ssyncset.done $0x0  }
0xa6: {  	[sflag:s10] =	ssyncadd.s32 $0xFFFFF000  }
0xa7: {  	[tilespmem:s14], [sflag:$0x2] =	stream.indirect.gather [hbm4b:s4+s12], $0x20, s23, s12, $0xb8;
	[tilespmem:$0x8400] =	vst v63  }
0xa8: {  	_ =	swait.ge [sflag:s15], $0x1000  }
0xa9: {  	[sflag:s15] =	ssyncset.done $0x0  }
0xaa: {  	[sflag:s15] =	ssyncadd.s32 $0xFFFFF000  }
0xab: {  	[spmem:s2] =	stream.indirect.scatter.add.f32 [tilespmem:s13], [sflag:$0x3], $0x20, s24, s12, $0xb8;
	[tilespmem:$0x8400] =	vst v63  }
0xac: {  	_ =	swait.ge [sflag:s10], $0x1000  }
0xad: {  	[sflag:s10] =	ssyncset.done $0x0  }
0xae: {  	[sflag:s10] =	ssyncadd.s32 $0xFFFFF000  }
0xaf: {  	[tilespmem:s13], [sflag:$0x1] =	stream.indirect.gather [hbm4b:s4+s12], $0x20, s25, s12, $0xb8;
	[tilespmem:$0x8400] =	vst v63  }
0xb0: {  	_ =	swait.ge [sflag:s16], $0x1000  }
0xb1: {  	[sflag:s16] =	ssyncset.done $0x0  }
0xb2: {  	[sflag:s16] =	ssyncadd.s32 $0xFFFFF000  }
0xb3: {  	[spmem:s2] =	stream.indirect.scatter.add.f32 [tilespmem:s14], [sflag:$0x3], $0x20, s26, s12, $0xb8;
	[tilespmem:$0x8400] =	vst v63  }
0xb4: {  	_ =	swait.ge [sflag:s10], $0x1000  }
0xb5: {  	[sflag:s10] =	ssyncset.done $0x0  }
0xb6: {  	[sflag:s10] =	ssyncadd.s32 $0xFFFFF000  }
0xb7: {  	[tilespmem:s14], [sflag:$0x2] =	stream.indirect.gather [hbm4b:s4+s12], $0x20, s28, s12, $0xb8;
	[tilespmem:$0x8400] =	vst v63  }
0xb8: {  	_ =	swait.ge [sflag:s15], $0x1000  }
0xb9: {  	[sflag:s15] =	ssyncset.done $0x0  }
0xba: {  	[sflag:s15] =	ssyncadd.s32 $0xFFFFF000  }
0xbb: {  	[spmem:s2] =	stream.indirect.scatter.add.f32 [tilespmem:s13], [sflag:$0x3], $0x20, s29, s12, $0xb8;
	[tilespmem:$0x8400] =	vst v63  }
0xbc: {  	_ =	swait.ge [sflag:s10], $0x1000  }
0xbd: {  	[sflag:s10] =	ssyncset.done $0x0  }
0xbe: {  	[sflag:s10] =	ssyncadd.s32 $0xFFFFF000  }
0xbf: {  	[tilespmem:s13], [sflag:$0x1] =	stream.indirect.gather [hbm4b:s4+s12], $0x20, s30, s12, $0xb8;
	[tilespmem:$0x8400] =	vst v63  }
0xc0: {  	_ =	swait.ge [sflag:s16], $0x1000  }
0xc1: {  	[sflag:s16] =	ssyncset.done $0x0  }
0xc2: {  	[sflag:s16] =	ssyncadd.s32 $0xFFFFF000  }
0xc3: {  	[spmem:s2] =	stream.indirect.scatter.add.f32 [tilespmem:s14], [sflag:$0x3], $0x20, s31, s12, $0xb8;
	[tilespmem:$0x8400] =	vst v63  }
0xc4: {  	_ =	swait.ge [sflag:s10], $0x1000  }
0xc5: {  	[sflag:s10] =	ssyncset.done $0x0  }
0xc6: {  	[sflag:s10] =	ssyncadd.s32 $0xFFFFF000  }
0xc7: {  	[tilespmem:s14], [sflag:$0x2] =	stream.indirect.gather [hbm4b:s4+s12], $0x20, s1, s12, $0xb8;
	[tilespmem:$0x8400] =	vst v63  }
0xc8: {  	_ =	swait.ge [sflag:s15], $0x1000  }
0xc9: {  	[sflag:s15] =	ssyncset.done $0x0  }
0xca: {  	[sflag:s15] =	ssyncadd.s32 $0xFFFFF000  }
0xcb: {  	[spmem:s2] =	stream.indirect.scatter.add.f32 [tilespmem:s13], [sflag:$0x3], $0x20, s0, s12, $0xb8;
	[tilespmem:$0x8400] =	vst v63  }
0xcc: {  	_ =	swait.ge [sflag:s10], $0x1000  }
0xcd: {  	[sflag:s10] =	ssyncset.done $0x0  }
0xce: {  	[sflag:s10] =	ssyncadd.s32 $0xFFFFF000  }
0xcf: {  	_ =	swait.ge [sflag:s16], $0x1000  }
0xd0: {  	[sflag:s16] =	ssyncset.done $0x0  }
0xd1: {  	[sflag:s16] =	ssyncadd.s32 $0xFFFFF000  }
0xd2: {  	[spmem:s2] =	stream.indirect.scatter.add.f32 [tilespmem:s14], [sflag:$0x3], $0x20, s5, s12, $0xb8;
	[tilespmem:$0x8400] =	vst v63  }
0xd3: {  	s6 =	simm.s32 $0x280;
	_ =	swait.ge [sflag:s10], $0x1000  }
0xd4: {  	s8 =	simm.s32 $0x140;
	s9 =	rddreg [dreg:$0x3];
	[sflag:s10] =	ssyncset.done $0x0  }
.LBB2_2:
0xd5: {  	[sflag:s10] =	ssyncadd.s32 $0xFFFFF000;
	s9 =	sadd.s32 s8, s9  }
0xd6: {  	[tilespmem:s3], [sflag:$0x3] =	stream.linear.gather [hbm4b:s9+s3], $0xA00, $0x38;
	[tilespmem:$0x8400] =	vst v63  }
0xd7: {  	_ =	swait.ge [sflag:s10], $0xA00  }
0xd8: {  	s9 =	rddreg [dreg:$0x4];
	[sflag:s10] =	ssyncset.done $0x0  }
0xd9: {  	[sflag:s10] =	ssyncadd.s32 $0xFFFFF600;
	s9 =	sadd.s32 s8, s9  }
0xda: {  	[tilespmem:s11], [sflag:$0x3] =	stream.linear.gather [hbm4b:s9+s3], $0xA00, $0x38;
	[tilespmem:$0x8400] =	vst v63  }
0xdb: {  	_ =	swait.ge [sflag:s10], $0xA00  }
0xdc: {  	[sflag:s10] =	ssyncset.done $0x0  }
0xdd: {  	[sflag:s10] =	ssyncadd.s32 $0xFFFFF600  }
0xde: {  	[tilespmem:s13], [sflag:$0x1] =	stream.indirect.gather [hbm4b:s4+s12], $0x20, s3, s12, $0xb8;
	[tilespmem:$0x8400] =	vst v63  }
0xdf: {  	_ = 	snop  }
0xe0: {  	[tilespmem:s14], [sflag:$0x2] =	stream.indirect.gather [hbm4b:s4+s12], $0x20, s12, s12, $0xb8;
	[tilespmem:$0x8400] =	vst v63  }
0xe1: {  	_ =	swait.ge [sflag:s15], $0x1000  }
0xe2: {  	[sflag:s15] =	ssyncset.done $0x0  }
0xe3: {  	[sflag:s15] =	ssyncadd.s32 $0xFFFFF000  }
0xe4: {  	[spmem:s2] =	stream.indirect.scatter.add.f32 [tilespmem:s13], [sflag:$0x3], $0x20, s11, s12, $0xb8;
	[tilespmem:$0x8400] =	vst v63  }
0xe5: {  	_ =	swait.ge [sflag:s10], $0x1000  }
0xe6: {  	[sflag:s10] =	ssyncset.done $0x0  }
0xe7: {  	s9 =	rddreg [dreg:$0x5];
	[sflag:s10] =	ssyncadd.s32 $0xFFFFF000  }
0xe8: {  	[tilespmem:s13], [sflag:$0x1] =	stream.indirect.gather [hbm4b:s4+s12], $0x20, s9, s12, $0xb8;
	[tilespmem:$0x8400] =	vst v63  }
0xe9: {  	_ =	swait.ge [sflag:s16], $0x1000  }
0xea: {  	[sflag:s16] =	ssyncset.done $0x0  }
0xeb: {  	s9 =	rddreg [dreg:$0x6];
	[sflag:s16] =	ssyncadd.s32 $0xFFFFF000  }
0xec: {  	[spmem:s2] =	stream.indirect.scatter.add.f32 [tilespmem:s14], [sflag:$0x3], $0x20, s9, s12, $0xb8;
	[tilespmem:$0x8400] =	vst v63  }
0xed: {  	_ =	swait.ge [sflag:s10], $0x1000  }
0xee: {  	[sflag:s10] =	ssyncset.done $0x0  }
0xef: {  	s9 =	rddreg [dreg:$0x7];
	[sflag:s10] =	ssyncadd.s32 $0xFFFFF000  }
0xf0: {  	[tilespmem:s14], [sflag:$0x2] =	stream.indirect.gather [hbm4b:s4+s12], $0x20, s9, s12, $0xb8;
	[tilespmem:$0x8400] =	vst v63  }
0xf1: {  	_ =	swait.ge [sflag:s15], $0x1000  }
0xf2: {  	[sflag:s15] =	ssyncset.done $0x0  }
0xf3: {  	s9 =	rddreg [dreg:$0x8];
	[sflag:s15] =	ssyncadd.s32 $0xFFFFF000  }
0xf4: {  	[spmem:s2] =	stream.indirect.scatter.add.f32 [tilespmem:s13], [sflag:$0x3], $0x20, s9, s12, $0xb8;
	[tilespmem:$0x8400] =	vst v63  }
0xf5: {  	_ =	swait.ge [sflag:s10], $0x1000  }
0xf6: {  	[sflag:s10] =	ssyncset.done $0x0  }
0xf7: {  	s9 =	rddreg [dreg:$0x9];
	[sflag:s10] =	ssyncadd.s32 $0xFFFFF000  }
0xf8: {  	[tilespmem:s13], [sflag:$0x1] =	stream.indirect.gather [hbm4b:s4+s12], $0x20, s9, s12, $0xb8;
	[tilespmem:$0x8400] =	vst v63  }
0xf9: {  	_ =	swait.ge [sflag:s16], $0x1000  }
0xfa: {  	[sflag:s16] =	ssyncset.done $0x0  }
0xfb: {  	s9 =	rddreg [dreg:$0xa];
	[sflag:s16] =	ssyncadd.s32 $0xFFFFF000  }
0xfc: {  	[spmem:s2] =	stream.indirect.scatter.add.f32 [tilespmem:s14], [sflag:$0x3], $0x20, s9, s12, $0xb8;
	[tilespmem:$0x8400] =	vst v63  }
0xfd: {  	_ =	swait.ge [sflag:s10], $0x1000  }
0xfe: {  	[sflag:s10] =	ssyncset.done $0x0  }
0xff: {  	s9 =	rddreg [dreg:$0xb];
	[sflag:s10] =	ssyncadd.s32 $0xFFFFF000  }
0x100: {  	[tilespmem:s14], [sflag:$0x2] =	stream.indirect.gather [hbm4b:s4+s12], $0x20, s9, s12, $0xb8;
	[tilespmem:$0x8400] =	vst v63  }
0x101: {  	_ =	swait.ge [sflag:s15], $0x1000  }
0x102: {  	[sflag:s15] =	ssyncset.done $0x0  }
0x103: {  	s9 =	rddreg [dreg:$0xc];
	[sflag:s15] =	ssyncadd.s32 $0xFFFFF000  }
0x104: {  	[spmem:s2] =	stream.indirect.scatter.add.f32 [tilespmem:s13], [sflag:$0x3], $0x20, s9, s12, $0xb8;
	[tilespmem:$0x8400] =	vst v63  }
0x105: {  	_ =	swait.ge [sflag:s10], $0x1000  }
0x106: {  	[sflag:s10] =	ssyncset.done $0x0  }
0x107: {  	s9 =	rddreg [dreg:$0xd];
	[sflag:s10] =	ssyncadd.s32 $0xFFFFF000  }
0x108: {  	[tilespmem:s13], [sflag:$0x1] =	stream.indirect.gather [hbm4b:s4+s12], $0x20, s9, s12, $0xb8;
	[tilespmem:$0x8400] =	vst v63  }
0x109: {  	_ =	swait.ge [sflag:s16], $0x1000  }
0x10a: {  	[sflag:s16] =	ssyncset.done $0x0  }
0x10b: {  	s9 =	rddreg [dreg:$0xe];
	[sflag:s16] =	ssyncadd.s32 $0xFFFFF000  }
0x10c: {  	[spmem:s2] =	stream.indirect.scatter.add.f32 [tilespmem:s14], [sflag:$0x3], $0x20, s9, s12, $0xb8;
	[tilespmem:$0x8400] =	vst v63  }
0x10d: {  	_ =	swait.ge [sflag:s10], $0x1000  }
0x10e: {  	[sflag:s10] =	ssyncset.done $0x0  }
0x10f: {  	s9 =	rddreg [dreg:$0xf];
	[sflag:s10] =	ssyncadd.s32 $0xFFFFF000  }
0x110: {  	[tilespmem:s14], [sflag:$0x2] =	stream.indirect.gather [hbm4b:s4+s12], $0x20, s9, s12, $0xb8;
	[tilespmem:$0x8400] =	vst v63  }
0x111: {  	_ =	swait.ge [sflag:s15], $0x1000  }
0x112: {  	[sflag:s15] =	ssyncset.done $0x0  }
0x113: {  	s9 =	rddreg [dreg:$0x10];
	[sflag:s15] =	ssyncadd.s32 $0xFFFFF000  }
0x114: {  	[spmem:s2] =	stream.indirect.scatter.add.f32 [tilespmem:s13], [sflag:$0x3], $0x20, s9, s12, $0xb8;
	[tilespmem:$0x8400] =	vst v63  }
0x115: {  	_ =	swait.ge [sflag:s10], $0x1000  }
0x116: {  	[sflag:s10] =	ssyncset.done $0x0  }
0x117: {  	s9 =	rddreg [dreg:$0x11];
	[sflag:s10] =	ssyncadd.s32 $0xFFFFF000  }
0x118: {  	[tilespmem:s13], [sflag:$0x1] =	stream.indirect.gather [hbm4b:s4+s12], $0x20, s9, s12, $0xb8;
	[tilespmem:$0x8400] =	vst v63  }
0x119: {  	_ =	swait.ge [sflag:s16], $0x1000  }
0x11a: {  	[sflag:s16] =	ssyncset.done $0x0  }
0x11b: {  	s9 =	rddreg [dreg:$0x12];
	[sflag:s16] =	ssyncadd.s32 $0xFFFFF000  }
0x11c: {  	[spmem:s2] =	stream.indirect.scatter.add.f32 [tilespmem:s14], [sflag:$0x3], $0x20, s9, s12, $0xb8;
	[tilespmem:$0x8400] =	vst v63  }
0x11d: {  	_ =	swait.ge [sflag:s10], $0x1000  }
0x11e: {  	[sflag:s10] =	ssyncset.done $0x0  }
0x11f: {  	s9 =	rddreg [dreg:$0x13];
	[sflag:s10] =	ssyncadd.s32 $0xFFFFF000  }
0x120: {  	[tilespmem:s14], [sflag:$0x2] =	stream.indirect.gather [hbm4b:s4+s12], $0x20, s9, s12, $0xb8;
	[tilespmem:$0x8400] =	vst v63  }
0x121: {  	_ =	swait.ge [sflag:s15], $0x1000  }
0x122: {  	[sflag:s15] =	ssyncset.done $0x0  }
0x123: {  	s9 =	rddreg [dreg:$0x14];
	[sflag:s15] =	ssyncadd.s32 $0xFFFFF000  }
0x124: {  	[spmem:s2] =	stream.indirect.scatter.add.f32 [tilespmem:s13], [sflag:$0x3], $0x20, s9, s12, $0xb8;
	[tilespmem:$0x8400] =	vst v63  }
0x125: {  	_ =	swait.ge [sflag:s10], $0x1000  }
0x126: {  	[sflag:s10] =	ssyncset.done $0x0  }
0x127: {  	s9 =	rddreg [dreg:$0x15];
	[sflag:s10] =	ssyncadd.s32 $0xFFFFF000  }
0x128: {  	[tilespmem:s13], [sflag:$0x1] =	stream.indirect.gather [hbm4b:s4+s12], $0x20, s9, s12, $0xb8;
	[tilespmem:$0x8400] =	vst v63  }
0x129: {  	_ =	swait.ge [sflag:s16], $0x1000  }
0x12a: {  	[sflag:s16] =	ssyncset.done $0x0  }
0x12b: {  	s9 =	rddreg [dreg:$0x16];
	[sflag:s16] =	ssyncadd.s32 $0xFFFFF000  }
0x12c: {  	[spmem:s2] =	stream.indirect.scatter.add.f32 [tilespmem:s14], [sflag:$0x3], $0x20, s9, s12, $0xb8;
	[tilespmem:$0x8400] =	vst v63  }
0x12d: {  	_ =	swait.ge [sflag:s10], $0x1000  }
0x12e: {  	[sflag:s10] =	ssyncset.done $0x0  }
0x12f: {  	s9 =	rddreg [dreg:$0x17];
	[sflag:s10] =	ssyncadd.s32 $0xFFFFF000  }
0x130: {  	[tilespmem:s14], [sflag:$0x2] =	stream.indirect.gather [hbm4b:s4+s12], $0x20, s9, s12, $0xb8;
	[tilespmem:$0x8400] =	vst v63  }
0x131: {  	_ =	swait.ge [sflag:s15], $0x1000  }
0x132: {  	[sflag:s15] =	ssyncset.done $0x0  }
0x133: {  	s9 =	rddreg [dreg:$0x18];
	[sflag:s15] =	ssyncadd.s32 $0xFFFFF000  }
0x134: {  	[spmem:s2] =	stream.indirect.scatter.add.f32 [tilespmem:s13], [sflag:$0x3], $0x20, s9, s12, $0xb8;
	[tilespmem:$0x8400] =	vst v63  }
0x135: {  	_ =	swait.ge [sflag:s10], $0x1000  }
0x136: {  	[sflag:s10] =	ssyncset.done $0x0  }
0x137: {  	[sflag:s10] =	ssyncadd.s32 $0xFFFFF000  }
0x138: {  	[tilespmem:s13], [sflag:$0x1] =	stream.indirect.gather [hbm4b:s4+s12], $0x20, s17, s12, $0xb8;
	[tilespmem:$0x8400] =	vst v63  }
0x139: {  	_ =	swait.ge [sflag:s16], $0x1000  }
0x13a: {  	[sflag:s16] =	ssyncset.done $0x0  }
0x13b: {  	[sflag:s16] =	ssyncadd.s32 $0xFFFFF000  }
0x13c: {  	[spmem:s2] =	stream.indirect.scatter.add.f32 [tilespmem:s14], [sflag:$0x3], $0x20, s18, s12, $0xb8;
	[tilespmem:$0x8400] =	vst v63  }
0x13d: {  	_ =	swait.ge [sflag:s10], $0x1000  }
0x13e: {  	[sflag:s10] =	ssyncset.done $0x0  }
0x13f: {  	[sflag:s10] =	ssyncadd.s32 $0xFFFFF000  }
0x140: {  	[tilespmem:s14], [sflag:$0x2] =	stream.indirect.gather [hbm4b:s4+s12], $0x20, s19, s12, $0xb8;
	[tilespmem:$0x8400] =	vst v63  }
0x141: {  	_ =	swait.ge [sflag:s15], $0x1000  }
0x142: {  	[sflag:s15] =	ssyncset.done $0x0  }
0x143: {  	[sflag:s15] =	ssyncadd.s32 $0xFFFFF000  }
0x144: {  	[spmem:s2] =	stream.indirect.scatter.add.f32 [tilespmem:s13], [sflag:$0x3], $0x20, s20, s12, $0xb8;
	[tilespmem:$0x8400] =	vst v63  }
0x145: {  	_ =	swait.ge [sflag:s10], $0x1000  }
0x146: {  	[sflag:s10] =	ssyncset.done $0x0  }
0x147: {  	[sflag:s10] =	ssyncadd.s32 $0xFFFFF000  }
0x148: {  	[tilespmem:s13], [sflag:$0x1] =	stream.indirect.gather [hbm4b:s4+s12], $0x20, s21, s12, $0xb8;
	[tilespmem:$0x8400] =	vst v63  }
0x149: {  	_ =	swait.ge [sflag:s16], $0x1000  }
0x14a: {  	[sflag:s16] =	ssyncset.done $0x0  }
0x14b: {  	[sflag:s16] =	ssyncadd.s32 $0xFFFFF000  }
0x14c: {  	[spmem:s2] =	stream.indirect.scatter.add.f32 [tilespmem:s14], [sflag:$0x3], $0x20, s22, s12, $0xb8;
	[tilespmem:$0x8400] =	vst v63  }
0x14d: {  	_ =	swait.ge [sflag:s10], $0x1000  }
0x14e: {  	[sflag:s10] =	ssyncset.done $0x0  }
0x14f: {  	[sflag:s10] =	ssyncadd.s32 $0xFFFFF000  }
0x150: {  	[tilespmem:s14], [sflag:$0x2] =	stream.indirect.gather [hbm4b:s4+s12], $0x20, s23, s12, $0xb8;
	[tilespmem:$0x8400] =	vst v63  }
0x151: {  	_ =	swait.ge [sflag:s15], $0x1000  }
0x152: {  	[sflag:s15] =	ssyncset.done $0x0  }
0x153: {  	[sflag:s15] =	ssyncadd.s32 $0xFFFFF000  }
0x154: {  	[spmem:s2] =	stream.indirect.scatter.add.f32 [tilespmem:s13], [sflag:$0x3], $0x20, s24, s12, $0xb8;
	[tilespmem:$0x8400] =	vst v63  }
0x155: {  	_ =	swait.ge [sflag:s10], $0x1000  }
0x156: {  	[sflag:s10] =	ssyncset.done $0x0  }
0x157: {  	[sflag:s10] =	ssyncadd.s32 $0xFFFFF000  }
0x158: {  	[tilespmem:s13], [sflag:$0x1] =	stream.indirect.gather [hbm4b:s4+s12], $0x20, s25, s12, $0xb8;
	[tilespmem:$0x8400] =	vst v63  }
0x159: {  	_ =	swait.ge [sflag:s16], $0x1000  }
0x15a: {  	[sflag:s16] =	ssyncset.done $0x0  }
0x15b: {  	[sflag:s16] =	ssyncadd.s32 $0xFFFFF000  }
0x15c: {  	[spmem:s2] =	stream.indirect.scatter.add.f32 [tilespmem:s14], [sflag:$0x3], $0x20, s26, s12, $0xb8;
	[tilespmem:$0x8400] =	vst v63  }
0x15d: {  	_ =	swait.ge [sflag:s10], $0x1000  }
0x15e: {  	[sflag:s10] =	ssyncset.done $0x0  }
0x15f: {  	[sflag:s10] =	ssyncadd.s32 $0xFFFFF000  }
0x160: {  	[tilespmem:s14], [sflag:$0x2] =	stream.indirect.gather [hbm4b:s4+s12], $0x20, s28, s12, $0xb8;
	[tilespmem:$0x8400] =	vst v63  }
0x161: {  	_ =	swait.ge [sflag:s15], $0x1000  }
0x162: {  	[sflag:s15] =	ssyncset.done $0x0  }
0x163: {  	[sflag:s15] =	ssyncadd.s32 $0xFFFFF000  }
0x164: {  	[spmem:s2] =	stream.indirect.scatter.add.f32 [tilespmem:s13], [sflag:$0x3], $0x20, s29, s12, $0xb8;
	[tilespmem:$0x8400] =	vst v63  }
0x165: {  	_ =	swait.ge [sflag:s10], $0x1000  }
0x166: {  	[sflag:s10] =	ssyncset.done $0x0  }
0x167: {  	[sflag:s10] =	ssyncadd.s32 $0xFFFFF000  }
0x168: {  	[tilespmem:s13], [sflag:$0x1] =	stream.indirect.gather [hbm4b:s4+s12], $0x20, s30, s12, $0xb8;
	[tilespmem:$0x8400] =	vst v63  }
0x169: {  	_ =	swait.ge [sflag:s16], $0x1000  }
0x16a: {  	[sflag:s16] =	ssyncset.done $0x0  }
0x16b: {  	[sflag:s16] =	ssyncadd.s32 $0xFFFFF000  }
0x16c: {  	[spmem:s2] =	stream.indirect.scatter.add.f32 [tilespmem:s14], [sflag:$0x3], $0x20, s31, s12, $0xb8;
	[tilespmem:$0x8400] =	vst v63  }
0x16d: {  	_ =	swait.ge [sflag:s10], $0x1000  }
0x16e: {  	[sflag:s10] =	ssyncset.done $0x0  }
0x16f: {  	[sflag:s10] =	ssyncadd.s32 $0xFFFFF000  }
0x170: {  	[tilespmem:s14], [sflag:$0x2] =	stream.indirect.gather [hbm4b:s4+s12], $0x20, s1, s12, $0xb8;
	[tilespmem:$0x8400] =	vst v63  }
0x171: {  	_ =	swait.ge [sflag:s15], $0x1000  }
0x172: {  	[sflag:s15] =	ssyncset.done $0x0  }
0x173: {  	[sflag:s15] =	ssyncadd.s32 $0xFFFFF000  }
0x174: {  	[spmem:s2] =	stream.indirect.scatter.add.f32 [tilespmem:s13], [sflag:$0x3], $0x20, s0, s12, $0xb8;
	[tilespmem:$0x8400] =	vst v63  }
0x175: {  	_ =	swait.ge [sflag:s10], $0x1000  }
0x176: {  	[sflag:s10] =	ssyncset.done $0x0  }
0x177: {  	[sflag:s10] =	ssyncadd.s32 $0xFFFFF000  }
0x178: {  	p0 =	sne.s32 s6, $0x3C0;
	_ =	swait.ge [sflag:s16], $0x1000  }
.Ltmp0:
0x179: {  	[sflag:s16] =	ssyncset.done $0x0;
	(pc) =	sbr.rel @p0 .LBB2_2-.Ltmp0, $4  }
0x17a: {  	[sflag:s16] =	ssyncadd.s32 $0xFFFFF000  }
0x17b: {  	[spmem:s2] =	stream.indirect.scatter.add.f32 [tilespmem:s14], [sflag:$0x3], $0x20, s5, s12, $0xb8;
	[tilespmem:$0x8400] =	vst v63  }
0x17c: {  	s7 =	smov.u32 s6;
	s6 =	sadd.s32 $0x140, s6;
	_ =	swait.ge [sflag:s10], $0x1000  }
0x17d: {  	s8 =	smov.u32 s7;
	s9 =	rddreg [dreg:$0x3];
	[sflag:s10] =	ssyncset.done $0x0  }
0x17e: {  	[sflag:s10] =	ssyncadd.s32 $0xFFFFF000;
	s6 =	sadd.s32 s8, s9  }
0x17f: {  	[tilespmem:s3], [sflag:$0x3] =	stream.linear.gather [hbm4b:s6+s3], $0xA00, $0x38;
	[tilespmem:$0x8400] =	vst v63  }
0x180: {  	_ =	swait.ge [sflag:s10], $0xA00  }
0x181: {  	s9 =	rddreg [dreg:$0x4];
	[sflag:s10] =	ssyncset.done $0x0  }
0x182: {  	s6 =	sadd.s32 s8, s9;
	[sflag:s10] =	ssyncadd.s32 $0xFFFFF600  }
0x183: {  	[tilespmem:s11], [sflag:$0x3] =	stream.linear.gather [hbm4b:s6+s3], $0xA00, $0x38;
	[tilespmem:$0x8400] =	vst v63  }
0x184: {  	_ =	swait.ge [sflag:s10], $0xA00  }
0x185: {  	[sflag:s10] =	ssyncset.done $0x0  }
0x186: {  	[sflag:s10] =	ssyncadd.s32 $0xFFFFF600  }
0x187: {  	[tilespmem:s13], [sflag:$0x1] =	stream.indirect.gather [hbm4b:s4+s12], $0x20, s3, s12, $0xb8;
	[tilespmem:$0x8400] =	vst v63  }
0x188: {  	_ = 	snop  }
0x189: {  	[tilespmem:s14], [sflag:$0x2] =	stream.indirect.gather [hbm4b:s4+s12], $0x20, s12, s12, $0xb8;
	[tilespmem:$0x8400] =	vst v63  }
0x18a: {  	_ =	swait.ge [sflag:s15], $0x1000  }
0x18b: {  	[sflag:s15] =	ssyncset.done $0x0  }
0x18c: {  	[sflag:s15] =	ssyncadd.s32 $0xFFFFF000  }
0x18d: {  	[spmem:s2] =	stream.indirect.scatter.add.f32 [tilespmem:s13], [sflag:$0x3], $0x20, s11, s12, $0xb8;
	[tilespmem:$0x8400] =	vst v63  }
0x18e: {  	_ =	swait.ge [sflag:s10], $0x1000  }
0x18f: {  	[sflag:s10] =	ssyncset.done $0x0  }
0x190: {  	s7 =	rddreg [dreg:$0x5];
	[sflag:s10] =	ssyncadd.s32 $0xFFFFF000  }
0x191: {  	[tilespmem:s13], [sflag:$0x1] =	stream.indirect.gather [hbm4b:s4+s12], $0x20, s7, s12, $0xb8;
	[tilespmem:$0x8400] =	vst v63  }
0x192: {  	_ =	swait.ge [sflag:s16], $0x1000  }
0x193: {  	[sflag:s16] =	ssyncset.done $0x0  }
0x194: {  	s8 =	rddreg [dreg:$0x6];
	[sflag:s16] =	ssyncadd.s32 $0xFFFFF000  }
0x195: {  	[spmem:s2] =	stream.indirect.scatter.add.f32 [tilespmem:s14], [sflag:$0x3], $0x20, s8, s12, $0xb8;
	[tilespmem:$0x8400] =	vst v63  }
0x196: {  	_ =	swait.ge [sflag:s10], $0x1000  }
0x197: {  	[sflag:s10] =	ssyncset.done $0x0  }
0x198: {  	s9 =	rddreg [dreg:$0x7];
	[sflag:s10] =	ssyncadd.s32 $0xFFFFF000  }
0x199: {  	[tilespmem:s14], [sflag:$0x2] =	stream.indirect.gather [hbm4b:s4+s12], $0x20, s9, s12, $0xb8;
	[tilespmem:$0x8400] =	vst v63  }
0x19a: {  	_ =	swait.ge [sflag:s15], $0x1000  }
0x19b: {  	[sflag:s15] =	ssyncset.done $0x0  }
0x19c: {  	s7 =	rddreg [dreg:$0x8];
	[sflag:s15] =	ssyncadd.s32 $0xFFFFF000  }
0x19d: {  	[spmem:s2] =	stream.indirect.scatter.add.f32 [tilespmem:s13], [sflag:$0x3], $0x20, s7, s12, $0xb8;
	[tilespmem:$0x8400] =	vst v63  }
0x19e: {  	_ =	swait.ge [sflag:s10], $0x1000  }
0x19f: {  	[sflag:s10] =	ssyncset.done $0x0  }
0x1a0: {  	s8 =	rddreg [dreg:$0x9];
	[sflag:s10] =	ssyncadd.s32 $0xFFFFF000  }
0x1a1: {  	[tilespmem:s13], [sflag:$0x1] =	stream.indirect.gather [hbm4b:s4+s12], $0x20, s8, s12, $0xb8;
	[tilespmem:$0x8400] =	vst v63  }
0x1a2: {  	_ =	swait.ge [sflag:s16], $0x1000  }
0x1a3: {  	[sflag:s16] =	ssyncset.done $0x0  }
0x1a4: {  	s9 =	rddreg [dreg:$0xa];
	[sflag:s16] =	ssyncadd.s32 $0xFFFFF000  }
0x1a5: {  	[spmem:s2] =	stream.indirect.scatter.add.f32 [tilespmem:s14], [sflag:$0x3], $0x20, s9, s12, $0xb8;
	[tilespmem:$0x8400] =	vst v63  }
0x1a6: {  	_ =	swait.ge [sflag:s10], $0x1000  }
0x1a7: {  	[sflag:s10] =	ssyncset.done $0x0  }
0x1a8: {  	s7 =	rddreg [dreg:$0xb];
	[sflag:s10] =	ssyncadd.s32 $0xFFFFF000  }
0x1a9: {  	[tilespmem:s14], [sflag:$0x2] =	stream.indirect.gather [hbm4b:s4+s12], $0x20, s7, s12, $0xb8;
	[tilespmem:$0x8400] =	vst v63  }
0x1aa: {  	_ =	swait.ge [sflag:s15], $0x1000  }
0x1ab: {  	[sflag:s15] =	ssyncset.done $0x0  }
0x1ac: {  	s8 =	rddreg [dreg:$0xc];
	[sflag:s15] =	ssyncadd.s32 $0xFFFFF000  }
0x1ad: {  	[spmem:s2] =	stream.indirect.scatter.add.f32 [tilespmem:s13], [sflag:$0x3], $0x20, s8, s12, $0xb8;
	[tilespmem:$0x8400] =	vst v63  }
0x1ae: {  	_ =	swait.ge [sflag:s10], $0x1000  }
0x1af: {  	[sflag:s10] =	ssyncset.done $0x0  }
0x1b0: {  	s9 =	rddreg [dreg:$0xd];
	[sflag:s10] =	ssyncadd.s32 $0xFFFFF000  }
0x1b1: {  	[tilespmem:s13], [sflag:$0x1] =	stream.indirect.gather [hbm4b:s4+s12], $0x20, s9, s12, $0xb8;
	[tilespmem:$0x8400] =	vst v63  }
0x1b2: {  	_ =	swait.ge [sflag:s16], $0x1000  }
0x1b3: {  	[sflag:s16] =	ssyncset.done $0x0  }
0x1b4: {  	s7 =	rddreg [dreg:$0xe];
	[sflag:s16] =	ssyncadd.s32 $0xFFFFF000  }
0x1b5: {  	[spmem:s2] =	stream.indirect.scatter.add.f32 [tilespmem:s14], [sflag:$0x3], $0x20, s7, s12, $0xb8;
	[tilespmem:$0x8400] =	vst v63  }
0x1b6: {  	_ =	swait.ge [sflag:s10], $0x1000  }
0x1b7: {  	[sflag:s10] =	ssyncset.done $0x0  }
0x1b8: {  	s8 =	rddreg [dreg:$0xf];
	[sflag:s10] =	ssyncadd.s32 $0xFFFFF000  }
0x1b9: {  	[tilespmem:s14], [sflag:$0x2] =	stream.indirect.gather [hbm4b:s4+s12], $0x20, s8, s12, $0xb8;
	[tilespmem:$0x8400] =	vst v63  }
0x1ba: {  	_ =	swait.ge [sflag:s15], $0x1000  }
0x1bb: {  	[sflag:s15] =	ssyncset.done $0x0  }
0x1bc: {  	s9 =	rddreg [dreg:$0x10];
	[sflag:s15] =	ssyncadd.s32 $0xFFFFF000  }
0x1bd: {  	[spmem:s2] =	stream.indirect.scatter.add.f32 [tilespmem:s13], [sflag:$0x3], $0x20, s9, s12, $0xb8;
	[tilespmem:$0x8400] =	vst v63  }
0x1be: {  	_ =	swait.ge [sflag:s10], $0x1000  }
0x1bf: {  	[sflag:s10] =	ssyncset.done $0x0  }
0x1c0: {  	s7 =	rddreg [dreg:$0x11];
	[sflag:s10] =	ssyncadd.s32 $0xFFFFF000  }
0x1c1: {  	[tilespmem:s13], [sflag:$0x1] =	stream.indirect.gather [hbm4b:s4+s12], $0x20, s7, s12, $0xb8;
	[tilespmem:$0x8400] =	vst v63  }
0x1c2: {  	_ =	swait.ge [sflag:s16], $0x1000  }
0x1c3: {  	[sflag:s16] =	ssyncset.done $0x0  }
0x1c4: {  	s8 =	rddreg [dreg:$0x12];
	[sflag:s16] =	ssyncadd.s32 $0xFFFFF000  }
0x1c5: {  	[spmem:s2] =	stream.indirect.scatter.add.f32 [tilespmem:s14], [sflag:$0x3], $0x20, s8, s12, $0xb8;
	[tilespmem:$0x8400] =	vst v63  }
0x1c6: {  	_ =	swait.ge [sflag:s10], $0x1000  }
0x1c7: {  	[sflag:s10] =	ssyncset.done $0x0  }
0x1c8: {  	s9 =	rddreg [dreg:$0x13];
	[sflag:s10] =	ssyncadd.s32 $0xFFFFF000  }
0x1c9: {  	[tilespmem:s14], [sflag:$0x2] =	stream.indirect.gather [hbm4b:s4+s12], $0x20, s9, s12, $0xb8;
	[tilespmem:$0x8400] =	vst v63  }
0x1ca: {  	_ =	swait.ge [sflag:s15], $0x1000  }
0x1cb: {  	[sflag:s15] =	ssyncset.done $0x0  }
0x1cc: {  	s7 =	rddreg [dreg:$0x14];
	[sflag:s15] =	ssyncadd.s32 $0xFFFFF000  }
0x1cd: {  	[spmem:s2] =	stream.indirect.scatter.add.f32 [tilespmem:s13], [sflag:$0x3], $0x20, s7, s12, $0xb8;
	[tilespmem:$0x8400] =	vst v63  }
0x1ce: {  	_ =	swait.ge [sflag:s10], $0x1000  }
0x1cf: {  	[sflag:s10] =	ssyncset.done $0x0  }
0x1d0: {  	s8 =	rddreg [dreg:$0x15];
	[sflag:s10] =	ssyncadd.s32 $0xFFFFF000  }
0x1d1: {  	[tilespmem:s13], [sflag:$0x1] =	stream.indirect.gather [hbm4b:s4+s12], $0x20, s8, s12, $0xb8;
	[tilespmem:$0x8400] =	vst v63  }
0x1d2: {  	_ =	swait.ge [sflag:s16], $0x1000  }
0x1d3: {  	[sflag:s16] =	ssyncset.done $0x0  }
0x1d4: {  	s9 =	rddreg [dreg:$0x16];
	[sflag:s16] =	ssyncadd.s32 $0xFFFFF000  }
0x1d5: {  	[spmem:s2] =	stream.indirect.scatter.add.f32 [tilespmem:s14], [sflag:$0x3], $0x20, s9, s12, $0xb8;
	[tilespmem:$0x8400] =	vst v63  }
0x1d6: {  	_ =	swait.ge [sflag:s10], $0x1000  }
0x1d7: {  	[sflag:s10] =	ssyncset.done $0x0  }
0x1d8: {  	s7 =	rddreg [dreg:$0x17];
	[sflag:s10] =	ssyncadd.s32 $0xFFFFF000  }
0x1d9: {  	[tilespmem:s14], [sflag:$0x2] =	stream.indirect.gather [hbm4b:s4+s12], $0x20, s7, s12, $0xb8;
	[tilespmem:$0x8400] =	vst v63  }
0x1da: {  	_ =	swait.ge [sflag:s15], $0x1000  }
0x1db: {  	[sflag:s15] =	ssyncset.done $0x0  }
0x1dc: {  	s8 =	rddreg [dreg:$0x18];
	[sflag:s15] =	ssyncadd.s32 $0xFFFFF000  }
0x1dd: {  	[spmem:s2] =	stream.indirect.scatter.add.f32 [tilespmem:s13], [sflag:$0x3], $0x20, s8, s12, $0xb8;
	[tilespmem:$0x8400] =	vst v63  }
0x1de: {  	_ =	swait.ge [sflag:s10], $0x1000  }
0x1df: {  	[sflag:s10] =	ssyncset.done $0x0  }
0x1e0: {  	[sflag:s10] =	ssyncadd.s32 $0xFFFFF000  }
0x1e1: {  	[tilespmem:s13], [sflag:$0x1] =	stream.indirect.gather [hbm4b:s4+s12], $0x20, s17, s12, $0xb8;
	[tilespmem:$0x8400] =	vst v63  }
0x1e2: {  	_ =	swait.ge [sflag:s16], $0x1000  }
0x1e3: {  	[sflag:s16] =	ssyncset.done $0x0  }
0x1e4: {  	[sflag:s16] =	ssyncadd.s32 $0xFFFFF000  }
0x1e5: {  	[spmem:s2] =	stream.indirect.scatter.add.f32 [tilespmem:s14], [sflag:$0x3], $0x20, s18, s12, $0xb8;
	[tilespmem:$0x8400] =	vst v63  }
0x1e6: {  	_ =	swait.ge [sflag:s10], $0x1000  }
0x1e7: {  	[sflag:s10] =	ssyncset.done $0x0  }
0x1e8: {  	[sflag:s10] =	ssyncadd.s32 $0xFFFFF000  }
0x1e9: {  	[tilespmem:s14], [sflag:$0x2] =	stream.indirect.gather [hbm4b:s4+s12], $0x20, s19, s12, $0xb8;
	[tilespmem:$0x8400] =	vst v63  }
0x1ea: {  	_ =	swait.ge [sflag:s15], $0x1000  }
0x1eb: {  	[sflag:s15] =	ssyncset.done $0x0  }
0x1ec: {  	[sflag:s15] =	ssyncadd.s32 $0xFFFFF000  }
0x1ed: {  	[spmem:s2] =	stream.indirect.scatter.add.f32 [tilespmem:s13], [sflag:$0x3], $0x20, s20, s12, $0xb8;
	[tilespmem:$0x8400] =	vst v63  }
0x1ee: {  	_ =	swait.ge [sflag:s10], $0x1000  }
0x1ef: {  	[sflag:s10] =	ssyncset.done $0x0  }
0x1f0: {  	[sflag:s10] =	ssyncadd.s32 $0xFFFFF000  }
0x1f1: {  	[tilespmem:s13], [sflag:$0x1] =	stream.indirect.gather [hbm4b:s4+s12], $0x20, s21, s12, $0xb8;
	[tilespmem:$0x8400] =	vst v63  }
0x1f2: {  	_ =	swait.ge [sflag:s16], $0x1000  }
0x1f3: {  	[sflag:s16] =	ssyncset.done $0x0  }
0x1f4: {  	[sflag:s16] =	ssyncadd.s32 $0xFFFFF000  }
0x1f5: {  	[spmem:s2] =	stream.indirect.scatter.add.f32 [tilespmem:s14], [sflag:$0x3], $0x20, s22, s12, $0xb8;
	[tilespmem:$0x8400] =	vst v63  }
0x1f6: {  	_ =	swait.ge [sflag:s10], $0x1000  }
0x1f7: {  	[sflag:s10] =	ssyncset.done $0x0  }
0x1f8: {  	[sflag:s10] =	ssyncadd.s32 $0xFFFFF000  }
0x1f9: {  	[tilespmem:s14], [sflag:$0x2] =	stream.indirect.gather [hbm4b:s4+s12], $0x20, s23, s12, $0xb8;
	[tilespmem:$0x8400] =	vst v63  }
0x1fa: {  	_ =	swait.ge [sflag:s15], $0x1000  }
0x1fb: {  	[sflag:s15] =	ssyncset.done $0x0  }
0x1fc: {  	[sflag:s15] =	ssyncadd.s32 $0xFFFFF000  }
0x1fd: {  	[spmem:s2] =	stream.indirect.scatter.add.f32 [tilespmem:s13], [sflag:$0x3], $0x20, s24, s12, $0xb8;
	[tilespmem:$0x8400] =	vst v63  }
0x1fe: {  	_ =	swait.ge [sflag:s10], $0x1000  }
0x1ff: {  	[sflag:s10] =	ssyncset.done $0x0  }
0x200: {  	[sflag:s10] =	ssyncadd.s32 $0xFFFFF000  }
0x201: {  	[tilespmem:s13], [sflag:$0x1] =	stream.indirect.gather [hbm4b:s4+s12], $0x20, s25, s12, $0xb8;
	[tilespmem:$0x8400] =	vst v63  }
0x202: {  	_ =	swait.ge [sflag:s16], $0x1000  }
0x203: {  	[sflag:s16] =	ssyncset.done $0x0  }
0x204: {  	[sflag:s16] =	ssyncadd.s32 $0xFFFFF000  }
0x205: {  	[spmem:s2] =	stream.indirect.scatter.add.f32 [tilespmem:s14], [sflag:$0x3], $0x20, s26, s12, $0xb8;
	[tilespmem:$0x8400] =	vst v63  }
0x206: {  	_ =	swait.ge [sflag:s10], $0x1000  }
0x207: {  	[sflag:s10] =	ssyncset.done $0x0  }
0x208: {  	[sflag:s10] =	ssyncadd.s32 $0xFFFFF000  }
0x209: {  	[tilespmem:s14], [sflag:$0x2] =	stream.indirect.gather [hbm4b:s4+s12], $0x20, s28, s12, $0xb8;
	[tilespmem:$0x8400] =	vst v63  }
0x20a: {  	_ =	swait.ge [sflag:s15], $0x1000  }
0x20b: {  	[sflag:s15] =	ssyncset.done $0x0  }
0x20c: {  	[sflag:s15] =	ssyncadd.s32 $0xFFFFF000  }
0x20d: {  	[spmem:s2] =	stream.indirect.scatter.add.f32 [tilespmem:s13], [sflag:$0x3], $0x20, s29, s12, $0xb8;
	[tilespmem:$0x8400] =	vst v63  }
0x20e: {  	_ =	swait.ge [sflag:s10], $0x1000  }
0x20f: {  	[sflag:s10] =	ssyncset.done $0x0  }
0x210: {  	[sflag:s10] =	ssyncadd.s32 $0xFFFFF000  }
0x211: {  	[tilespmem:s13], [sflag:$0x1] =	stream.indirect.gather [hbm4b:s4+s12], $0x20, s30, s12, $0xb8;
	[tilespmem:$0x8400] =	vst v63  }
0x212: {  	_ =	swait.ge [sflag:s16], $0x1000  }
0x213: {  	[sflag:s16] =	ssyncset.done $0x0  }
0x214: {  	[sflag:s16] =	ssyncadd.s32 $0xFFFFF000  }
0x215: {  	[spmem:s2] =	stream.indirect.scatter.add.f32 [tilespmem:s14], [sflag:$0x3], $0x20, s31, s12, $0xb8;
	[tilespmem:$0x8400] =	vst v63  }
0x216: {  	_ =	swait.ge [sflag:s10], $0x1000  }
0x217: {  	[sflag:s10] =	ssyncset.done $0x0  }
0x218: {  	[sflag:s10] =	ssyncadd.s32 $0xFFFFF000  }
0x219: {  	[tilespmem:s14], [sflag:$0x2] =	stream.indirect.gather [hbm4b:s4+s12], $0x20, s1, s12, $0xb8;
	[tilespmem:$0x8400] =	vst v63  }
0x21a: {  	_ =	swait.ge [sflag:s15], $0x1000  }
0x21b: {  	[sflag:s15] =	ssyncset.done $0x0  }
0x21c: {  	[sflag:s15] =	ssyncadd.s32 $0xFFFFF000  }
0x21d: {  	[spmem:s2] =	stream.indirect.scatter.add.f32 [tilespmem:s13], [sflag:$0x3], $0x20, s0, s12, $0xb8;
	[tilespmem:$0x8400] =	vst v63  }
0x21e: {  	_ =	swait.ge [sflag:s10], $0x1000  }
0x21f: {  	[sflag:s10] =	ssyncset.done $0x0  }
0x220: {  	[sflag:s10] =	ssyncadd.s32 $0xFFFFF000  }
0x221: {  	_ =	swait.ge [sflag:s16], $0x1000  }
0x222: {  	[sflag:s16] =	ssyncset.done $0x0  }
0x223: {  	[sflag:s16] =	ssyncadd.s32 $0xFFFFF000  }
0x224: {  	[spmem:s2] =	stream.indirect.scatter.add.f32 [tilespmem:s14], [sflag:$0x3], $0x20, s5, s12, $0xb8;
	[tilespmem:$0x8400] =	vst v63  }
0x225: {  	_ =	swait.ge [sflag:s10], $0x1000  }
0x226: {  	[sflag:s10] =	ssyncset.done $0x0  }
0x227: {  	[sflag:s10] =	ssyncadd.s32 $0xFFFFF000  }
0x228: {  	[bflag:$0x0] =	sbarrier.arrive $0xFFFF  }
0x229: {  	s7 =	rddreg [dreg:$0x1a]  }
0x22a: {  	s9 =	rddreg [dreg:$0x1b]  }
0x22b: {  	s8 =	rddreg [dreg:$0x1d]  }
0x22c: {  	[hbm:s9], [sflag:s7] =	dma.local [spmem:s8], $0xA00  }
0x22d: {  	_ =	swait.ge [sflag:s10], $0xA00  }
0x22e: {  	s6 =	rddreg [dreg:$0x1e]  }
0x22f: {  	s9 =	sadd.s32 $0x1, s6;
	s6 =	rddreg [dreg:$0x1c]  }
0x230: {  	p0 =	sne.s32 s9, s6  }
.Ltmp1:
0x231: {  	_ = 	snop;
	(pc) =	sbr.rel @p0 .LBB2_1-.Ltmp1, $3  }
0x232: {  	_ =	sdelay $0x1  }
0x233: {  	[sflag:s10] =	ssyncset.done $0x0  }
0x234: {  	[sflag:s10] =	ssyncadd.s32 $0xFFFFF600  }
0x235: {  	_ =	sfence.sel $0x180000  }
0x236: {  	[bflag:$0x0] =	sbarrier.arrive $0xFFFF  }
0x237: {  	_ =	strace $0x90000050  }
0x238: {  	s0 =	stileid.u32;
	[bflag:$0x2] =	sbarrier.arrive $0xFFFF  }
0x239: {  	p0 =	sne.s32 s0, $0x0;
	s0 =	rddreg [dreg:$0x2]  }
0x23a: {  	s0 =	sadd.s32 @!p0 $0x100000, s0  }
0x23b: {  	[sflag:s0] =	ssyncadd.tile.s32 @!p0 $0x1;
	_ =	shalt  }
.Lfunc_end2:
_tile_overlayer_lowered:
.L_overlay_start_2:
0x23c: {  	(tag) =	ssettag $0x2  }
0x23d: {  	s0 =	rddreg [dreg:$0x0];
	s2 =	stileid.u32  }
0x23e: {  	s1 =	rddreg [dreg:$0x1];
	p0 =	sne.s32 s2, $0x0  }
0x23f: {  	s3 =	rddreg [dreg:$0x2];
	[bflag:$0x3] =	sbarrier.arrive $0xFFFF;
	s2 =	simm.s32 @!p0 $0x1C03  }
0x240: {  	[timem:s3], [sflag:s2] =	dma.local @!p0 [hbm:s0], s1  }
0x241: {  	s0 =	simm.s32 @!p0 $0x3  }
0x242: {  	_ =	swait.ge @!p0 [sflag:s0], s1  }
0x243: {  	s1 =	ssub.s32 @!p0 $0x0, s1;
	[sflag:s0] =	ssyncset.done @!p0 $0x0  }
0x244: {  	[sflag:s0] =	ssyncadd.s32 @!p0 s1  }
0x245: {  	[bflag:$0x3] =	sbarrier.arrive $0xFFFF  }
0x246: {  	_ =	shalt  }

</sc_bundles>
